<compile_context>
chip_gen: v7x
topology: tpu7x:2x2x1
jax: 0.10.2.dev20260603
libtpu: 0.0.44.dev20260713+nightly
codegen_flags: <defaults>
</compile_context>

<pallas_src>
import functools

import jax
import jax.numpy as jnp
from jax import lax
from jax.experimental import pallas as pl
from jax.experimental.pallas import tpu as pltpu
from jax.experimental.pallas import tpu_sc as plsc

N = 10000
C = 128
E = 320000
NC = 2
NS = 16
NW = NC * NS
NP = 10240
RPT = NP // NS
CH = 128
CPW = 80
EPW = CPW * CH
E_PAD = NW * EPW
PAD_DST = N + 16
RB = 2
RBS = N // RB

_mesh = plsc.VectorSubcoreMesh(
    core_axis_name="c", subcore_axis_name="s", num_cores=NC, num_subcores=NS
)


def _wid():
    return lax.axis_index("s") * NC + lax.axis_index("c")


@functools.partial(
    pl.kernel,
    out_type=jax.ShapeDtypeStruct((NC, NP), jnp.float32),
    mesh=_mesh,
    scratch_types=[
        pltpu.VMEM((CPW, CH), jnp.int32),
        pltpu.VMEM((CH,), jnp.float32),
        pltpu.VMEM((RPT,), jnp.float32),
        pltpu.VMEM_SHARED((NP,), jnp.float32),
        pltpu.SemaphoreType.DMA,
    ],
)
def _deg_kernel(ei2d, tail2d, degp, idx_v, ones_v, zero_v, deg_sh, dsem):
    cid = lax.axis_index("c")
    sid = lax.axis_index("s")
    wid = _wid()
    for k in range(CH // 16):
        ones_v[pl.ds(k * 16, 16)] = jnp.ones((16,), jnp.float32)
    for k in range(RPT // 16):
        zero_v[pl.ds(k * 16, 16)] = jnp.zeros((16,), jnp.float32)
    pltpu.sync_copy(zero_v, deg_sh.at[pl.ds(sid * RPT, RPT)])

    @pl.when(wid < NW - 1)
    def _():
        pltpu.sync_copy(ei2d.at[1, pl.ds(wid * CPW, CPW)], idx_v)

    @pl.when(wid == NW - 1)
    def _():
        pltpu.sync_copy(tail2d.at[1], idx_v)

    plsc.subcore_barrier()

    @pl.loop(0, CPW)
    def _chunk(j):
        pltpu.async_copy(ones_v, deg_sh.at[idx_v.at[j]], dsem, add=True)

    @pl.loop(0, CPW)
    def _drain(j):
        pltpu.make_async_copy(
            ones_v, deg_sh.at[idx_v.at[j]], dsem
        ).wait()

    plsc.subcore_barrier()
    pltpu.sync_copy(
        deg_sh.at[pl.ds(sid * RPT, RPT)], degp.at[cid, pl.ds(sid * RPT, RPT)]
    )


def _linear_body(x_ref, w_ref, degp_ref, y_ref):
    deg = degp_ref[0, :, 0] + degp_ref[1, :, 0] + 1.0
    dinv = lax.rsqrt(deg)
    xw = jnp.dot(x_ref[...], w_ref[...], preferred_element_type=jnp.float32)
    y_ref[...] = xw * dinv[:, None]


_linear = pl.pallas_call(
    _linear_body,
    grid=(RB,),
    in_specs=[
        pl.BlockSpec((RBS, C), lambda i: (i, 0)),
        pl.BlockSpec((C, C), lambda i: (0, 0)),
        pl.BlockSpec((NC, RBS, 1), lambda i: (0, i, 0)),
    ],
    out_specs=pl.BlockSpec((RBS, C), lambda i: (i, 0)),
    out_shape=jax.ShapeDtypeStruct((N, C), jnp.float32),
)


Q = 8
NG = CPW // Q
NGP = NG // 2


@functools.partial(
    pl.kernel,
    out_type=jax.ShapeDtypeStruct((NC, NP, C), jnp.float32),
    mesh=_mesh,
    scratch_types=[
        pltpu.VMEM((CPW, CH), jnp.int32),
        pltpu.VMEM((2, Q, CH), jnp.int32),
        pltpu.VMEM((2, CH, C), jnp.float32),
        pltpu.VMEM_SHARED((NP, C), jnp.float32),
        pltpu.SemaphoreType.DMA,
        pltpu.SemaphoreType.DMA,
        pltpu.SemaphoreType.DMA,
        pltpu.SemaphoreType.DMA,
        pltpu.SemaphoreType.DMA,
    ],
)
def _agg_kernel(y_hbm, ei2d, tail2d, accp, sib, dib, rows, acc_sh,
                gsem0, gsem1, isem, ssem0, ssem1):
    cid = lax.axis_index("c")
    sid = lax.axis_index("s")
    wid = _wid()
    base = wid * CPW
    gsem = (gsem0, gsem1)
    ssem = (ssem0, ssem1)
    last = NW - 1

    def _dst_group(g, buf, op):
        @pl.when(wid < last)
        def _():
            op(ei2d.at[1, pl.ds(base + g * Q, Q)], buf)

        @pl.when(wid == last)
        def _():
            op(tail2d.at[1, pl.ds(g * Q, Q)], buf)

    def _i_issue(ref, buf):
        pltpu.async_copy(ref, buf, isem)

    def _i_wait(ref, buf):
        pltpu.make_async_copy(ref, buf, isem).wait()

    @pl.loop(0, CH)
    def _zrow(i):
        for k in range(C // 16):
            rows[0, i, pl.ds(k * 16, 16)] = jnp.zeros((16,), jnp.float32)

    for k in range(RPT // CH):
        pltpu.async_copy(
            rows.at[0], acc_sh.at[pl.ds(sid * RPT + k * CH, CH), :], ssem0
        )
    @pl.when(wid < last)
    def _():
        pltpu.sync_copy(ei2d.at[0, pl.ds(base, CPW)], sib)

    @pl.when(wid == last)
    def _():
        pltpu.sync_copy(tail2d.at[0], sib)

    _dst_group(0, dib.at[0], lambda r, b: pltpu.sync_copy(r, b))
    for k in range(RPT // CH):
        pltpu.make_async_copy(
            rows.at[0], acc_sh.at[pl.ds(sid * RPT + k * CH, CH), :], ssem0
        ).wait()
    plsc.subcore_barrier()
    pltpu.async_copy(y_hbm.at[sib.at[0]], rows.at[0], gsem0)

    @pl.loop(0, NGP)
    def _pair(gp):
        for h in range(2):
            g = gp * 2 + h
            @pl.when(g > 0)
            def _():
                pltpu.make_async_copy(
                    rows.at[1],
                    acc_sh.at[dib.at[(h + 1) % 2, Q - 1]], ssem[1]
                ).wait()
            if h == 1:
                _dst_group(g, dib.at[1], _i_wait)
            else:
                @pl.when(g > 0)
                def _():
                    _dst_group(g, dib.at[0], _i_wait)
            @pl.when(g + 1 < NG)
            def _():
                _dst_group(g + 1, dib.at[(h + 1) % 2], _i_issue)
            for c in range(Q):
                t = g * Q + c
                if c > 0:
                    pltpu.make_async_copy(
                        rows.at[(c - 1) % 2],
                        acc_sh.at[dib.at[h, c - 1]], ssem[(c - 1) % 2]
                    ).wait()
                if c < Q - 1:
                    pltpu.async_copy(
                        y_hbm.at[sib.at[t + 1]],
                        rows.at[(c + 1) % 2], gsem[(c + 1) % 2],
                    )
                else:
                    @pl.when(g + 1 < NG)
                    def _():
                        pltpu.async_copy(
                            y_hbm.at[sib.at[t + 1]],
                            rows.at[(c + 1) % 2], gsem[(c + 1) % 2],
                        )
                pltpu.make_async_copy(
                    y_hbm.at[sib.at[t]], rows.at[c % 2], gsem[c % 2]
                ).wait()
                pltpu.async_copy(
                    rows.at[c % 2], acc_sh.at[dib.at[h, c]],
                    ssem[c % 2], add=True,
                )

    pltpu.make_async_copy(
        rows.at[1], acc_sh.at[dib.at[1, Q - 1]], ssem[1]
    ).wait()
    plsc.subcore_barrier()
    for k in range(RPT // CH):
        pltpu.async_copy(
            acc_sh.at[pl.ds(sid * RPT + k * CH, CH), :],
            accp.at[cid, pl.ds(sid * RPT + k * CH, CH), :],
            gsem0,
        )
    for k in range(RPT // CH):
        pltpu.make_async_copy(
            acc_sh.at[pl.ds(sid * RPT + k * CH, CH), :],
            accp.at[cid, pl.ds(sid * RPT + k * CH, CH), :],
            gsem0,
        ).wait()


def _combine_body(accp_ref, y_ref, degp_ref, b_ref, o_ref):
    deg = degp_ref[0, :, 0] + degp_ref[1, :, 0] + 1.0
    dinv = lax.rsqrt(deg)
    s = accp_ref[0] + accp_ref[1] + y_ref[...]
    o_ref[...] = s * dinv[:, None] + b_ref[...]


_combine = pl.pallas_call(
    _combine_body,
    grid=(RB,),
    in_specs=[
        pl.BlockSpec((NC, RBS, C), lambda i: (0, i, 0)),
        pl.BlockSpec((RBS, C), lambda i: (i, 0)),
        pl.BlockSpec((NC, RBS, 1), lambda i: (0, i, 0)),
        pl.BlockSpec((1, C), lambda i: (0, 0)),
    ],
    out_specs=pl.BlockSpec((RBS, C), lambda i: (i, 0)),
    out_shape=jax.ShapeDtypeStruct((N, C), jnp.float32),
)


def kernel(x, edge_index, W, b):
    ei2d = edge_index.astype(jnp.int32).reshape(2, E // CH, CH)
    pad = jnp.arange(E_PAD - E, dtype=jnp.int32)
    pads = jnp.stack(
        [pad % N, N + pad % (NP - N)]
    ).reshape(2, (E_PAD - E) // CH, CH)
    tail2d = jnp.concatenate(
        [ei2d[:, (NW - 1) * CPW:, :], pads], axis=1
    )
    degp = _deg_kernel(ei2d, tail2d)
    degp3 = degp.reshape(NC, NP, 1)
    y = _linear(x, W, degp3)
    accp = _agg_kernel(y, ei2d, tail2d)
    return _combine(accp, y, degp3, b.reshape(1, C))

# --- scband reference (transcript-rebuilt; emitter-appended) ---
"""Pipeline reference for scband-linear-encoder-6279242187152 (READ-ONLY COPY).

The authoritative reference and input builder live on the scoring server;
editing this copy changes nothing except your own understanding.
"""

import jax, jax.numpy as jnp
import numpy as np

N_NODES = 10000
N_EDGES = 320000
IN_CH = 128
OUT_CH = 128

def setup_inputs(seed: int = 0) -> dict:
    key = jax.random.key(seed)
    k1, k2, k3 = jax.random.split(key, 3)
    x = jax.random.normal(k1, (N_NODES, IN_CH), dtype=jnp.float32)
    edge_index = jax.random.randint(k2, (2, N_EDGES), 0, N_NODES, dtype=jnp.int64)
    # GCNConv linear weight (glorot) and bias (zeros), matching PyG defaults
    limit = float(np.sqrt(6.0 / (IN_CH + OUT_CH)))
    W = jax.random.uniform(k3, (IN_CH, OUT_CH), minval=-limit, maxval=limit, dtype=jnp.float32)
    b = jnp.zeros((OUT_CH,), dtype=jnp.float32)
    return {"x": x, "edge_index": edge_index, "W": W, "b": b}

def reference(x, edge_index, W, b):
    # Faithful GCNConv: add self loops, symmetric normalization, linear, aggregate, bias
    N = x.shape[0]
    loops = jnp.arange(N, dtype=edge_index.dtype)
    src = jnp.concatenate([edge_index[0], loops])
    dst = jnp.concatenate([edge_index[1], loops])
    # degree computed on destination (col) with unit edge weights, incl. self loops
    deg = jnp.zeros((N,), dtype=x.dtype).at[dst].add(jnp.ones_like(dst, dtype=x.dtype))
    deg_inv_sqrt = jnp.where(deg > 0, jax.lax.rsqrt(jnp.maximum(deg, 1e-12)), 0.0)
    norm = deg_inv_sqrt[src] * deg_inv_sqrt[dst]
    # linear transform first (PyG applies lin before propagate)
    xw = x @ W
    # gather messages from src, scale by norm, scatter-add into dst
    msg = xw[src] * norm[:, None]
    out = jnp.zeros((N, xw.shape[1]), dtype=x.dtype).at[dst].add(msg)
    return out + b

if __name__ == "__main__":
    import jax
    _d = setup_inputs()
    print(jax.jit(kernel)(*tuple(_d.values())))

</pallas_src>

<mosaic_0001>
#map = affine_map<(d0, d1) -> (0, 0, 0)>
#map1 = affine_map<(d0, d1) -> (0, 0)>
module attributes {stable_mosaic.version = 14 : i64} {
  func.func @_deg_kernel(%arg0: i32, %arg1: i32, %arg2: memref<2x2500x128xi32, #tpu.memory_space<hbm>>, %arg3: memref<2x80x128xi32, #tpu.memory_space<hbm>>, %arg4: memref<2x10240xf32, #tpu.memory_space<hbm>>, %arg5: memref<80x128xi32, #tpu.memory_space<vmem>>, %arg6: memref<128xf32, #tpu.memory_space<vmem>>, %arg7: memref<640xf32, #tpu.memory_space<vmem>>, %arg8: memref<10240xf32, #tpu.memory_space<vmem_shared>>, %arg9: memref<!tpu.dma_semaphore, #tpu.memory_space<semaphore_mem>>) attributes {dimension_semantics = [#tpu.dimension_semantics<core_parallel>, #tpu.dimension_semantics<subcore_parallel>], iteration_bounds = array<i64: 2, 16>, scalar_prefetch = 0 : i64, scratch_operands = 5 : i64, tpu.core_type = #tpu.core_type<sc_vector_subcore>, window_params = [{transform_indices = #map}, {transform_indices = #map}, {transform_indices = #map1}]} {
    %mul3A = arith.constant 2 : i32
    %mul3A_0 = arith.muli %arg1, %mul3A : i32
    %add3A = arith.addi %mul3A_0, %arg0 : i32
    %broadcast_in_dim3A = arith.constant 1.000000e+00 : f32
    %broadcast_in_dim3A_1 = vector.broadcast %broadcast_in_dim3A : f32 to vector<16xf32>
    %swap3A = arith.constant 0 : index
    %swap3A_2 = tpu.vector_load %arg6[%swap3A] {strides = array<i32>} : memref<128xf32, #tpu.memory_space<vmem>>, vector<16xf32>,
    %swap3A_3 = vector.shape_cast %swap3A_2 : vector<16xf32> to vector<16xf32>
    %swap3A_4 = vector.shape_cast %broadcast_in_dim3A_1 : vector<16xf32> to vector<16xf32>
    tpu.vector_store %arg6[%swap3A], %swap3A_4 {strides = array<i32>} : memref<128xf32, #tpu.memory_space<vmem>>, vector<16xf32>,
    %broadcast_in_dim3A_5 = arith.constant 1.000000e+00 : f32
    %broadcast_in_dim3A_6 = vector.broadcast %broadcast_in_dim3A_5 : f32 to vector<16xf32>
    %swap3A_7 = arith.constant 16 : index
    %swap3A_8 = tpu.vector_load %arg6[%swap3A_7] {strides = array<i32>} : memref<128xf32, #tpu.memory_space<vmem>>, vector<16xf32>,
    %swap3A_9 = vector.shape_cast %swap3A_8 : vector<16xf32> to vector<16xf32>
    %swap3A_10 = vector.shape_cast %broadcast_in_dim3A_6 : vector<16xf32> to vector<16xf32>
    tpu.vector_store %arg6[%swap3A_7], %swap3A_10 {strides = array<i32>} : memref<128xf32, #tpu.memory_space<vmem>>, vector<16xf32>,
    %broadcast_in_dim3A_11 = arith.constant 1.000000e+00 : f32
    %broadcast_in_dim3A_12 = vector.broadcast %broadcast_in_dim3A_11 : f32 to vector<16xf32>
    %swap3A_13 = arith.constant 32 : index
    %swap3A_14 = tpu.vector_load %arg6[%swap3A_13] {strides = array<i32>} : memref<128xf32, #tpu.memory_space<vmem>>, vector<16xf32>,
    %swap3A_15 = vector.shape_cast %swap3A_14 : vector<16xf32> to vector<16xf32>
    %swap3A_16 = vector.shape_cast %broadcast_in_dim3A_12 : vector<16xf32> to vector<16xf32>
    tpu.vector_store %arg6[%swap3A_13], %swap3A_16 {strides = array<i32>} : memref<128xf32, #tpu.memory_space<vmem>>, vector<16xf32>,
    %broadcast_in_dim3A_17 = arith.constant 1.000000e+00 : f32
    %broadcast_in_dim3A_18 = vector.broadcast %broadcast_in_dim3A_17 : f32 to vector<16xf32>
    %swap3A_19 = arith.constant 48 : index
    %swap3A_20 = tpu.vector_load %arg6[%swap3A_19] {strides = array<i32>} : memref<128xf32, #tpu.memory_space<vmem>>, vector<16xf32>,
    %swap3A_21 = vector.shape_cast %swap3A_20 : vector<16xf32> to vector<16xf32>
    %swap3A_22 = vector.shape_cast %broadcast_in_dim3A_18 : vector<16xf32> to vector<16xf32>
    tpu.vector_store %arg6[%swap3A_19], %swap3A_22 {strides = array<i32>} : memref<128xf32, #tpu.memory_space<vmem>>, vector<16xf32>,
    %broadcast_in_dim3A_23 = arith.constant 1.000000e+00 : f32
    %broadcast_in_dim3A_24 = vector.broadcast %broadcast_in_dim3A_23 : f32 to vector<16xf32>
    %swap3A_25 = arith.constant 64 : index
    %swap3A_26 = tpu.vector_load %arg6[%swap3A_25] {strides = array<i32>} : memref<128xf32, #tpu.memory_space<vmem>>, vector<16xf32>,
    %swap3A_27 = vector.shape_cast %swap3A_26 : vector<16xf32> to vector<16xf32>
    %swap3A_28 = vector.shape_cast %broadcast_in_dim3A_24 : vector<16xf32> to vector<16xf32>
    tpu.vector_store %arg6[%swap3A_25], %swap3A_28 {strides = array<i32>} : memref<128xf32, #tpu.memory_space<vmem>>, vector<16xf32>,
    %broadcast_in_dim3A_29 = arith.constant 1.000000e+00 : f32
    %broadcast_in_dim3A_30 = vector.broadcast %broadcast_in_dim3A_29 : f32 to vector<16xf32>
    %swap3A_31 = arith.constant 80 : index
    %swap3A_32 = tpu.vector_load %arg6[%swap3A_31] {strides = array<i32>} : memref<128xf32, #tpu.memory_space<vmem>>, vector<16xf32>,
    %swap3A_33 = vector.shape_cast %swap3A_32 : vector<16xf32> to vector<16xf32>
    %swap3A_34 = vector.shape_cast %broadcast_in_dim3A_30 : vector<16xf32> to vector<16xf32>
    tpu.vector_store %arg6[%swap3A_31], %swap3A_34 {strides = array<i32>} : memref<128xf32, #tpu.memory_space<vmem>>, vector<16xf32>,
    %broadcast_in_dim3A_35 = arith.constant 1.000000e+00 : f32
    %broadcast_in_dim3A_36 = vector.broadcast %broadcast_in_dim3A_35 : f32 to vector<16xf32>
    %swap3A_37 = arith.constant 96 : index
    %swap3A_38 = tpu.vector_load %arg6[%swap3A_37] {strides = array<i32>} : memref<128xf32, #tpu.memory_space<vmem>>, vector<16xf32>,
    %swap3A_39 = vector.shape_cast %swap3A_38 : vector<16xf32> to vector<16xf32>
    %swap3A_40 = vector.shape_cast %broadcast_in_dim3A_36 : vector<16xf32> to vector<16xf32>
    tpu.vector_store %arg6[%swap3A_37], %swap3A_40 {strides = array<i32>} : memref<128xf32, #tpu.memory_space<vmem>>, vector<16xf32>,
    %broadcast_in_dim3A_41 = arith.constant 1.000000e+00 : f32
    %broadcast_in_dim3A_42 = vector.broadcast %broadcast_in_dim3A_41 : f32 to vector<16xf32>
    %swap3A_43 = arith.constant 112 : index
    %swap3A_44 = tpu.vector_load %arg6[%swap3A_43] {strides = array<i32>} : memref<128xf32, #tpu.memory_space<vmem>>, vector<16xf32>,
    %swap3A_45 = vector.shape_cast %swap3A_44 : vector<16xf32> to vector<16xf32>
    %swap3A_46 = vector.shape_cast %broadcast_in_dim3A_42 : vector<16xf32> to vector<16xf32>
    tpu.vector_store %arg6[%swap3A_43], %swap3A_46 {strides = array<i32>} : memref<128xf32, #tpu.memory_space<vmem>>, vector<16xf32>,
    %broadcast_in_dim3A_47 = arith.constant 0.000000e+00 : f32
    %broadcast_in_dim3A_48 = vector.broadcast %broadcast_in_dim3A_47 : f32 to vector<16xf32>
    %swap3A_49 = arith.constant 0 : index
    %swap3A_50 = tpu.vector_load %arg7[%swap3A_49] {strides = array<i32>} : memref<640xf32, #tpu.memory_space<vmem>>, vector<16xf32>,
    %swap3A_51 = vector.shape_cast %swap3A_50 : vector<16xf32> to vector<16xf32>
    %swap3A_52 = vector.shape_cast %broadcast_in_dim3A_48 : vector<16xf32> to vector<16xf32>
    tpu.vector_store %arg7[%swap3A_49], %swap3A_52 {strides = array<i32>} : memref<640xf32, #tpu.memory_space<vmem>>, vector<16xf32>,
    %broadcast_in_dim3A_53 = arith.constant 0.000000e+00 : f32
    %broadcast_in_dim3A_54 = vector.broadcast %broadcast_in_dim3A_53 : f32 to vector<16xf32>
    %swap3A_55 = arith.constant 16 : index
    %swap3A_56 = tpu.vector_load %arg7[%swap3A_55] {strides = array<i32>} : memref<640xf32, #tpu.memory_space<vmem>>, vector<16xf32>,
    %swap3A_57 = vector.shape_cast %swap3A_56 : vector<16xf32> to vector<16xf32>
    %swap3A_58 = vector.shape_cast %broadcast_in_dim3A_54 : vector<16xf32> to vector<16xf32>
    tpu.vector_store %arg7[%swap3A_55], %swap3A_58 {strides = array<i32>} : memref<640xf32, #tpu.memory_space<vmem>>, vector<16xf32>,
    %broadcast_in_dim3A_59 = arith.constant 0.000000e+00 : f32
    %broadcast_in_dim3A_60 = vector.broadcast %broadcast_in_dim3A_59 : f32 to vector<16xf32>
    %swap3A_61 = arith.constant 32 : index
    %swap3A_62 = tpu.vector_load %arg7[%swap3A_61] {strides = array<i32>} : memref<640xf32, #tpu.memory_space<vmem>>, vector<16xf32>,
    %swap3A_63 = vector.shape_cast %swap3A_62 : vector<16xf32> to vector<16xf32>
    %swap3A_64 = vector.shape_cast %broadcast_in_dim3A_60 : vector<16xf32> to vector<16xf32>
    tpu.vector_store %arg7[%swap3A_61], %swap3A_64 {strides = array<i32>} : memref<640xf32, #tpu.memory_space<vmem>>, vector<16xf32>,
    %broadcast_in_dim3A_65 = arith.constant 0.000000e+00 : f32
    %broadcast_in_dim3A_66 = vector.broadcast %broadcast_in_dim3A_65 : f32 to vector<16xf32>
    %swap3A_67 = arith.constant 48 : index
    %swap3A_68 = tpu.vector_load %arg7[%swap3A_67] {strides = array<i32>} : memref<640xf32, #tpu.memory_space<vmem>>, vector<16xf32>,
    %swap3A_69 = vector.shape_cast %swap3A_68 : vector<16xf32> to vector<16xf32>
    %swap3A_70 = vector.shape_cast %broadcast_in_dim3A_66 : vector<16xf32> to vector<16xf32>
    tpu.vector_store %arg7[%swap3A_67], %swap3A_70 {strides = array<i32>} : memref<640xf32, #tpu.memory_space<vmem>>, vector<16xf32>,
    %broadcast_in_dim3A_71 = arith.constant 0.000000e+00 : f32
    %broadcast_in_dim3A_72 = vector.broadcast %broadcast_in_dim3A_71 : f32 to vector<16xf32>
    %swap3A_73 = arith.constant 64 : index
    %swap3A_74 = tpu.vector_load %arg7[%swap3A_73] {strides = array<i32>} : memref<640xf32, #tpu.memory_space<vmem>>, vector<16xf32>,
    %swap3A_75 = vector.shape_cast %swap3A_74 : vector<16xf32> to vector<16xf32>
    %swap3A_76 = vector.shape_cast %broadcast_in_dim3A_72 : vector<16xf32> to vector<16xf32>
    tpu.vector_store %arg7[%swap3A_73], %swap3A_76 {strides = array<i32>} : memref<640xf32, #tpu.memory_space<vmem>>, vector<16xf32>,
    %broadcast_in_dim3A_77 = arith.constant 0.000000e+00 : f32
    %broadcast_in_dim3A_78 = vector.broadcast %broadcast_in_dim3A_77 : f32 to vector<16xf32>
    %swap3A_79 = arith.constant 80 : index
    %swap3A_80 = tpu.vector_load %arg7[%swap3A_79] {strides = array<i32>} : memref<640xf32, #tpu.memory_space<vmem>>, vector<16xf32>,
    %swap3A_81 = vector.shape_cast %swap3A_80 : vector<16xf32> to vector<16xf32>
    %swap3A_82 = vector.shape_cast %broadcast_in_dim3A_78 : vector<16xf32> to vector<16xf32>
    tpu.vector_store %arg7[%swap3A_79], %swap3A_82 {strides = array<i32>} : memref<640xf32, #tpu.memory_space<vmem>>, vector<16xf32>,
    %broadcast_in_dim3A_83 = arith.constant 0.000000e+00 : f32
    %broadcast_in_dim3A_84 = vector.broadcast %broadcast_in_dim3A_83 : f32 to vector<16xf32>
    %swap3A_85 = arith.constant 96 : index
    %swap3A_86 = tpu.vector_load %arg7[%swap3A_85] {strides = array<i32>} : memref<640xf32, #tpu.memory_space<vmem>>, vector<16xf32>,
    %swap3A_87 = vector.shape_cast %swap3A_86 : vector<16xf32> to vector<16xf32>
    %swap3A_88 = vector.shape_cast %broadcast_in_dim3A_84 : vector<16xf32> to vector<16xf32>
    tpu.vector_store %arg7[%swap3A_85], %swap3A_88 {strides = array<i32>} : memref<640xf32, #tpu.memory_space<vmem>>, vector<16xf32>,
    %broadcast_in_dim3A_89 = arith.constant 0.000000e+00 : f32
    %broadcast_in_dim3A_90 = vector.broadcast %broadcast_in_dim3A_89 : f32 to vector<16xf32>
    %swap3A_91 = arith.constant 112 : index
    %swap3A_92 = tpu.vector_load %arg7[%swap3A_91] {strides = array<i32>} : memref<640xf32, #tpu.memory_space<vmem>>, vector<16xf32>,
    %swap3A_93 = vector.shape_cast %swap3A_92 : vector<16xf32> to vector<16xf32>
    %swap3A_94 = vector.shape_cast %broadcast_in_dim3A_90 : vector<16xf32> to vector<16xf32>
    tpu.vector_store %arg7[%swap3A_91], %swap3A_94 {strides = array<i32>} : memref<640xf32, #tpu.memory_space<vmem>>, vector<16xf32>,
    %broadcast_in_dim3A_95 = arith.constant 0.000000e+00 : f32
    %broadcast_in_dim3A_96 = vector.broadcast %broadcast_in_dim3A_95 : f32 to vector<16xf32>
    %swap3A_97 = arith.constant 128 : index
    %swap3A_98 = tpu.vector_load %arg7[%swap3A_97] {strides = array<i32>} : memref<640xf32, #tpu.memory_space<vmem>>, vector<16xf32>,
    %swap3A_99 = vector.shape_cast %swap3A_98 : vector<16xf32> to vector<16xf32>
    %swap3A_100 = vector.shape_cast %broadcast_in_dim3A_96 : vector<16xf32> to vector<16xf32>
    tpu.vector_store %arg7[%swap3A_97], %swap3A_100 {strides = array<i32>} : memref<640xf32, #tpu.memory_space<vmem>>, vector<16xf32>,
    %broadcast_in_dim3A_101 = arith.constant 0.000000e+00 : f32
    %broadcast_in_dim3A_102 = vector.broadcast %broadcast_in_dim3A_101 : f32 to vector<16xf32>
    %swap3A_103 = arith.constant 144 : index
    %swap3A_104 = tpu.vector_load %arg7[%swap3A_103] {strides = array<i32>} : memref<640xf32, #tpu.memory_space<vmem>>, vector<16xf32>,
    %swap3A_105 = vector.shape_cast %swap3A_104 : vector<16xf32> to vector<16xf32>
    %swap3A_106 = vector.shape_cast %broadcast_in_dim3A_102 : vector<16xf32> to vector<16xf32>
    tpu.vector_store %arg7[%swap3A_103], %swap3A_106 {strides = array<i32>} : memref<640xf32, #tpu.memory_space<vmem>>, vector<16xf32>,
    %broadcast_in_dim3A_107 = arith.constant 0.000000e+00 : f32
    %broadcast_in_dim3A_108 = vector.broadcast %broadcast_in_dim3A_107 : f32 to vector<16xf32>
    %swap3A_109 = arith.constant 160 : index
    %swap3A_110 = tpu.vector_load %arg7[%swap3A_109] {strides = array<i32>} : memref<640xf32, #tpu.memory_space<vmem>>, vector<16xf32>,
    %swap3A_111 = vector.shape_cast %swap3A_110 : vector<16xf32> to vector<16xf32>
    %swap3A_112 = vector.shape_cast %broadcast_in_dim3A_108 : vector<16xf32> to vector<16xf32>
    tpu.vector_store %arg7[%swap3A_109], %swap3A_112 {strides = array<i32>} : memref<640xf32, #tpu.memory_space<vmem>>, vector<16xf32>,
    %broadcast_in_dim3A_113 = arith.constant 0.000000e+00 : f32
    %broadcast_in_dim3A_114 = vector.broadcast %broadcast_in_dim3A_113 : f32 to vector<16xf32>
    %swap3A_115 = arith.constant 176 : index
    %swap3A_116 = tpu.vector_load %arg7[%swap3A_115] {strides = array<i32>} : memref<640xf32, #tpu.memory_space<vmem>>, vector<16xf32>,
    %swap3A_117 = vector.shape_cast %swap3A_116 : vector<16xf32> to vector<16xf32>
    %swap3A_118 = vector.shape_cast %broadcast_in_dim3A_114 : vector<16xf32> to vector<16xf32>
    tpu.vector_store %arg7[%swap3A_115], %swap3A_118 {strides = array<i32>} : memref<640xf32, #tpu.memory_space<vmem>>, vector<16xf32>,
    %broadcast_in_dim3A_119 = arith.constant 0.000000e+00 : f32
    %broadcast_in_dim3A_120 = vector.broadcast %broadcast_in_dim3A_119 : f32 to vector<16xf32>
    %swap3A_121 = arith.constant 192 : index
    %swap3A_122 = tpu.vector_load %arg7[%swap3A_121] {strides = array<i32>} : memref<640xf32, #tpu.memory_space<vmem>>, vector<16xf32>,
    %swap3A_123 = vector.shape_cast %swap3A_122 : vector<16xf32> to vector<16xf32>
    %swap3A_124 = vector.shape_cast %broadcast_in_dim3A_120 : vector<16xf32> to vector<16xf32>
    tpu.vector_store %arg7[%swap3A_121], %swap3A_124 {strides = array<i32>} : memref<640xf32, #tpu.memory_space<vmem>>, vector<16xf32>,
    %broadcast_in_dim3A_125 = arith.constant 0.000000e+00 : f32
    %broadcast_in_dim3A_126 = vector.broadcast %broadcast_in_dim3A_125 : f32 to vector<16xf32>
    %swap3A_127 = arith.constant 208 : index
    %swap3A_128 = tpu.vector_load %arg7[%swap3A_127] {strides = array<i32>} : memref<640xf32, #tpu.memory_space<vmem>>, vector<16xf32>,
    %swap3A_129 = vector.shape_cast %swap3A_128 : vector<16xf32> to vector<16xf32>
    %swap3A_130 = vector.shape_cast %broadcast_in_dim3A_126 : vector<16xf32> to vector<16xf32>
    tpu.vector_store %arg7[%swap3A_127], %swap3A_130 {strides = array<i32>} : memref<640xf32, #tpu.memory_space<vmem>>, vector<16xf32>,
    %broadcast_in_dim3A_131 = arith.constant 0.000000e+00 : f32
    %broadcast_in_dim3A_132 = vector.broadcast %broadcast_in_dim3A_131 : f32 to vector<16xf32>
    %swap3A_133 = arith.constant 224 : index
    %swap3A_134 = tpu.vector_load %arg7[%swap3A_133] {strides = array<i32>} : memref<640xf32, #tpu.memory_space<vmem>>, vector<16xf32>,
    %swap3A_135 = vector.shape_cast %swap3A_134 : vector<16xf32> to vector<16xf32>
    %swap3A_136 = vector.shape_cast %broadcast_in_dim3A_132 : vector<16xf32> to vector<16xf32>
    tpu.vector_store %arg7[%swap3A_133], %swap3A_136 {strides = array<i32>} : memref<640xf32, #tpu.memory_space<vmem>>, vector<16xf32>,
    %broadcast_in_dim3A_137 = arith.constant 0.000000e+00 : f32
    %broadcast_in_dim3A_138 = vector.broadcast %broadcast_in_dim3A_137 : f32 to vector<16xf32>
    %swap3A_139 = arith.constant 240 : index
    %swap3A_140 = tpu.vector_load %arg7[%swap3A_139] {strides = array<i32>} : memref<640xf32, #tpu.memory_space<vmem>>, vector<16xf32>,
    %swap3A_141 = vector.shape_cast %swap3A_140 : vector<16xf32> to vector<16xf32>
    %swap3A_142 = vector.shape_cast %broadcast_in_dim3A_138 : vector<16xf32> to vector<16xf32>
    tpu.vector_store %arg7[%swap3A_139], %swap3A_142 {strides = array<i32>} : memref<640xf32, #tpu.memory_space<vmem>>, vector<16xf32>,
    %broadcast_in_dim3A_143 = arith.constant 0.000000e+00 : f32
    %broadcast_in_dim3A_144 = vector.broadcast %broadcast_in_dim3A_143 : f32 to vector<16xf32>
    %swap3A_145 = arith.constant 256 : index
    %swap3A_146 = tpu.vector_load %arg7[%swap3A_145] {strides = array<i32>} : memref<640xf32, #tpu.memory_space<vmem>>, vector<16xf32>,
    %swap3A_147 = vector.shape_cast %swap3A_146 : vector<16xf32> to vector<16xf32>
    %swap3A_148 = vector.shape_cast %broadcast_in_dim3A_144 : vector<16xf32> to vector<16xf32>
    tpu.vector_store %arg7[%swap3A_145], %swap3A_148 {strides = array<i32>} : memref<640xf32, #tpu.memory_space<vmem>>, vector<16xf32>,
    %broadcast_in_dim3A_149 = arith.constant 0.000000e+00 : f32
    %broadcast_in_dim3A_150 = vector.broadcast %broadcast_in_dim3A_149 : f32 to vector<16xf32>
    %swap3A_151 = arith.constant 272 : index
    %swap3A_152 = tpu.vector_load %arg7[%swap3A_151] {strides = array<i32>} : memref<640xf32, #tpu.memory_space<vmem>>, vector<16xf32>,
    %swap3A_153 = vector.shape_cast %swap3A_152 : vector<16xf32> to vector<16xf32>
    %swap3A_154 = vector.shape_cast %broadcast_in_dim3A_150 : vector<16xf32> to vector<16xf32>
    tpu.vector_store %arg7[%swap3A_151], %swap3A_154 {strides = array<i32>} : memref<640xf32, #tpu.memory_space<vmem>>, vector<16xf32>,
    %broadcast_in_dim3A_155 = arith.constant 0.000000e+00 : f32
    %broadcast_in_dim3A_156 = vector.broadcast %broadcast_in_dim3A_155 : f32 to vector<16xf32>
    %swap3A_157 = arith.constant 288 : index
    %swap3A_158 = tpu.vector_load %arg7[%swap3A_157] {strides = array<i32>} : memref<640xf32, #tpu.memory_space<vmem>>, vector<16xf32>,
    %swap3A_159 = vector.shape_cast %swap3A_158 : vector<16xf32> to vector<16xf32>
    %swap3A_160 = vector.shape_cast %broadcast_in_dim3A_156 : vector<16xf32> to vector<16xf32>
    tpu.vector_store %arg7[%swap3A_157], %swap3A_160 {strides = array<i32>} : memref<640xf32, #tpu.memory_space<vmem>>, vector<16xf32>,
    %broadcast_in_dim3A_161 = arith.constant 0.000000e+00 : f32
    %broadcast_in_dim3A_162 = vector.broadcast %broadcast_in_dim3A_161 : f32 to vector<16xf32>
    %swap3A_163 = arith.constant 304 : index
    %swap3A_164 = tpu.vector_load %arg7[%swap3A_163] {strides = array<i32>} : memref<640xf32, #tpu.memory_space<vmem>>, vector<16xf32>,
    %swap3A_165 = vector.shape_cast %swap3A_164 : vector<16xf32> to vector<16xf32>
    %swap3A_166 = vector.shape_cast %broadcast_in_dim3A_162 : vector<16xf32> to vector<16xf32>
    tpu.vector_store %arg7[%swap3A_163], %swap3A_166 {strides = array<i32>} : memref<640xf32, #tpu.memory_space<vmem>>, vector<16xf32>,
    %broadcast_in_dim3A_167 = arith.constant 0.000000e+00 : f32
    %broadcast_in_dim3A_168 = vector.broadcast %broadcast_in_dim3A_167 : f32 to vector<16xf32>
    %swap3A_169 = arith.constant 320 : index
    %swap3A_170 = tpu.vector_load %arg7[%swap3A_169] {strides = array<i32>} : memref<640xf32, #tpu.memory_space<vmem>>, vector<16xf32>,
    %swap3A_171 = vector.shape_cast %swap3A_170 : vector<16xf32> to vector<16xf32>
    %swap3A_172 = vector.shape_cast %broadcast_in_dim3A_168 : vector<16xf32> to vector<16xf32>
    tpu.vector_store %arg7[%swap3A_169], %swap3A_172 {strides = array<i32>} : memref<640xf32, #tpu.memory_space<vmem>>, vector<16xf32>,
    %broadcast_in_dim3A_173 = arith.constant 0.000000e+00 : f32
    %broadcast_in_dim3A_174 = vector.broadcast %broadcast_in_dim3A_173 : f32 to vector<16xf32>
    %swap3A_175 = arith.constant 336 : index
    %swap3A_176 = tpu.vector_load %arg7[%swap3A_175] {strides = array<i32>} : memref<640xf32, #tpu.memory_space<vmem>>, vector<16xf32>,
    %swap3A_177 = vector.shape_cast %swap3A_176 : vector<16xf32> to vector<16xf32>
    %swap3A_178 = vector.shape_cast %broadcast_in_dim3A_174 : vector<16xf32> to vector<16xf32>
    tpu.vector_store %arg7[%swap3A_175], %swap3A_178 {strides = array<i32>} : memref<640xf32, #tpu.memory_space<vmem>>, vector<16xf32>,
    %broadcast_in_dim3A_179 = arith.constant 0.000000e+00 : f32
    %broadcast_in_dim3A_180 = vector.broadcast %broadcast_in_dim3A_179 : f32 to vector<16xf32>
    %swap3A_181 = arith.constant 352 : index
    %swap3A_182 = tpu.vector_load %arg7[%swap3A_181] {strides = array<i32>} : memref<640xf32, #tpu.memory_space<vmem>>, vector<16xf32>,
    %swap3A_183 = vector.shape_cast %swap3A_182 : vector<16xf32> to vector<16xf32>
    %swap3A_184 = vector.shape_cast %broadcast_in_dim3A_180 : vector<16xf32> to vector<16xf32>
    tpu.vector_store %arg7[%swap3A_181], %swap3A_184 {strides = array<i32>} : memref<640xf32, #tpu.memory_space<vmem>>, vector<16xf32>,
    %broadcast_in_dim3A_185 = arith.constant 0.000000e+00 : f32
    %broadcast_in_dim3A_186 = vector.broadcast %broadcast_in_dim3A_185 : f32 to vector<16xf32>
    %swap3A_187 = arith.constant 368 : index
    %swap3A_188 = tpu.vector_load %arg7[%swap3A_187] {strides = array<i32>} : memref<640xf32, #tpu.memory_space<vmem>>, vector<16xf32>,
    %swap3A_189 = vector.shape_cast %swap3A_188 : vector<16xf32> to vector<16xf32>
    %swap3A_190 = vector.shape_cast %broadcast_in_dim3A_186 : vector<16xf32> to vector<16xf32>
    tpu.vector_store %arg7[%swap3A_187], %swap3A_190 {strides = array<i32>} : memref<640xf32, #tpu.memory_space<vmem>>, vector<16xf32>,
    %broadcast_in_dim3A_191 = arith.constant 0.000000e+00 : f32
    %broadcast_in_dim3A_192 = vector.broadcast %broadcast_in_dim3A_191 : f32 to vector<16xf32>
    %swap3A_193 = arith.constant 384 : index
    %swap3A_194 = tpu.vector_load %arg7[%swap3A_193] {strides = array<i32>} : memref<640xf32, #tpu.memory_space<vmem>>, vector<16xf32>,
    %swap3A_195 = vector.shape_cast %swap3A_194 : vector<16xf32> to vector<16xf32>
    %swap3A_196 = vector.shape_cast %broadcast_in_dim3A_192 : vector<16xf32> to vector<16xf32>
    tpu.vector_store %arg7[%swap3A_193], %swap3A_196 {strides = array<i32>} : memref<640xf32, #tpu.memory_space<vmem>>, vector<16xf32>,
    %broadcast_in_dim3A_197 = arith.constant 0.000000e+00 : f32
    %broadcast_in_dim3A_198 = vector.broadcast %broadcast_in_dim3A_197 : f32 to vector<16xf32>
    %swap3A_199 = arith.constant 400 : index
    %swap3A_200 = tpu.vector_load %arg7[%swap3A_199] {strides = array<i32>} : memref<640xf32, #tpu.memory_space<vmem>>, vector<16xf32>,
    %swap3A_201 = vector.shape_cast %swap3A_200 : vector<16xf32> to vector<16xf32>
    %swap3A_202 = vector.shape_cast %broadcast_in_dim3A_198 : vector<16xf32> to vector<16xf32>
    tpu.vector_store %arg7[%swap3A_199], %swap3A_202 {strides = array<i32>} : memref<640xf32, #tpu.memory_space<vmem>>, vector<16xf32>,
    %broadcast_in_dim3A_203 = arith.constant 0.000000e+00 : f32
    %broadcast_in_dim3A_204 = vector.broadcast %broadcast_in_dim3A_203 : f32 to vector<16xf32>
    %swap3A_205 = arith.constant 416 : index
    %swap3A_206 = tpu.vector_load %arg7[%swap3A_205] {strides = array<i32>} : memref<640xf32, #tpu.memory_space<vmem>>, vector<16xf32>,
    %swap3A_207 = vector.shape_cast %swap3A_206 : vector<16xf32> to vector<16xf32>
    %swap3A_208 = vector.shape_cast %broadcast_in_dim3A_204 : vector<16xf32> to vector<16xf32>
    tpu.vector_store %arg7[%swap3A_205], %swap3A_208 {strides = array<i32>} : memref<640xf32, #tpu.memory_space<vmem>>, vector<16xf32>,
    %broadcast_in_dim3A_209 = arith.constant 0.000000e+00 : f32
    %broadcast_in_dim3A_210 = vector.broadcast %broadcast_in_dim3A_209 : f32 to vector<16xf32>
    %swap3A_211 = arith.constant 432 : index
    %swap3A_212 = tpu.vector_load %arg7[%swap3A_211] {strides = array<i32>} : memref<640xf32, #tpu.memory_space<vmem>>, vector<16xf32>,
    %swap3A_213 = vector.shape_cast %swap3A_212 : vector<16xf32> to vector<16xf32>
    %swap3A_214 = vector.shape_cast %broadcast_in_dim3A_210 : vector<16xf32> to vector<16xf32>
    tpu.vector_store %arg7[%swap3A_211], %swap3A_214 {strides = array<i32>} : memref<640xf32, #tpu.memory_space<vmem>>, vector<16xf32>,
    %broadcast_in_dim3A_215 = arith.constant 0.000000e+00 : f32
    %broadcast_in_dim3A_216 = vector.broadcast %broadcast_in_dim3A_215 : f32 to vector<16xf32>
    %swap3A_217 = arith.constant 448 : index
    %swap3A_218 = tpu.vector_load %arg7[%swap3A_217] {strides = array<i32>} : memref<640xf32, #tpu.memory_space<vmem>>, vector<16xf32>,
    %swap3A_219 = vector.shape_cast %swap3A_218 : vector<16xf32> to vector<16xf32>
    %swap3A_220 = vector.shape_cast %broadcast_in_dim3A_216 : vector<16xf32> to vector<16xf32>
    tpu.vector_store %arg7[%swap3A_217], %swap3A_220 {strides = array<i32>} : memref<640xf32, #tpu.memory_space<vmem>>, vector<16xf32>,
    %broadcast_in_dim3A_221 = arith.constant 0.000000e+00 : f32
    %broadcast_in_dim3A_222 = vector.broadcast %broadcast_in_dim3A_221 : f32 to vector<16xf32>
    %swap3A_223 = arith.constant 464 : index
    %swap3A_224 = tpu.vector_load %arg7[%swap3A_223] {strides = array<i32>} : memref<640xf32, #tpu.memory_space<vmem>>, vector<16xf32>,
    %swap3A_225 = vector.shape_cast %swap3A_224 : vector<16xf32> to vector<16xf32>
    %swap3A_226 = vector.shape_cast %broadcast_in_dim3A_222 : vector<16xf32> to vector<16xf32>
    tpu.vector_store %arg7[%swap3A_223], %swap3A_226 {strides = array<i32>} : memref<640xf32, #tpu.memory_space<vmem>>, vector<16xf32>,
    %broadcast_in_dim3A_227 = arith.constant 0.000000e+00 : f32
    %broadcast_in_dim3A_228 = vector.broadcast %broadcast_in_dim3A_227 : f32 to vector<16xf32>
    %swap3A_229 = arith.constant 480 : index
    %swap3A_230 = tpu.vector_load %arg7[%swap3A_229] {strides = array<i32>} : memref<640xf32, #tpu.memory_space<vmem>>, vector<16xf32>,
    %swap3A_231 = vector.shape_cast %swap3A_230 : vector<16xf32> to vector<16xf32>
    %swap3A_232 = vector.shape_cast %broadcast_in_dim3A_228 : vector<16xf32> to vector<16xf32>
    tpu.vector_store %arg7[%swap3A_229], %swap3A_232 {strides = array<i32>} : memref<640xf32, #tpu.memory_space<vmem>>, vector<16xf32>,
    %broadcast_in_dim3A_233 = arith.constant 0.000000e+00 : f32
    %broadcast_in_dim3A_234 = vector.broadcast %broadcast_in_dim3A_233 : f32 to vector<16xf32>
    %swap3A_235 = arith.constant 496 : index
    %swap3A_236 = tpu.vector_load %arg7[%swap3A_235] {strides = array<i32>} : memref<640xf32, #tpu.memory_space<vmem>>, vector<16xf32>,
    %swap3A_237 = vector.shape_cast %swap3A_236 : vector<16xf32> to vector<16xf32>
    %swap3A_238 = vector.shape_cast %broadcast_in_dim3A_234 : vector<16xf32> to vector<16xf32>
    tpu.vector_store %arg7[%swap3A_235], %swap3A_238 {strides = array<i32>} : memref<640xf32, #tpu.memory_space<vmem>>, vector<16xf32>,
    %broadcast_in_dim3A_239 = arith.constant 0.000000e+00 : f32
    %broadcast_in_dim3A_240 = vector.broadcast %broadcast_in_dim3A_239 : f32 to vector<16xf32>
    %swap3A_241 = arith.constant 512 : index
    %swap3A_242 = tpu.vector_load %arg7[%swap3A_241] {strides = array<i32>} : memref<640xf32, #tpu.memory_space<vmem>>, vector<16xf32>,
    %swap3A_243 = vector.shape_cast %swap3A_242 : vector<16xf32> to vector<16xf32>
    %swap3A_244 = vector.shape_cast %broadcast_in_dim3A_240 : vector<16xf32> to vector<16xf32>
    tpu.vector_store %arg7[%swap3A_241], %swap3A_244 {strides = array<i32>} : memref<640xf32, #tpu.memory_space<vmem>>, vector<16xf32>,
    %broadcast_in_dim3A_245 = arith.constant 0.000000e+00 : f32
    %broadcast_in_dim3A_246 = vector.broadcast %broadcast_in_dim3A_245 : f32 to vector<16xf32>
    %swap3A_247 = arith.constant 528 : index
    %swap3A_248 = tpu.vector_load %arg7[%swap3A_247] {strides = array<i32>} : memref<640xf32, #tpu.memory_space<vmem>>, vector<16xf32>,
    %swap3A_249 = vector.shape_cast %swap3A_248 : vector<16xf32> to vector<16xf32>
    %swap3A_250 = vector.shape_cast %broadcast_in_dim3A_246 : vector<16xf32> to vector<16xf32>
    tpu.vector_store %arg7[%swap3A_247], %swap3A_250 {strides = array<i32>} : memref<640xf32, #tpu.memory_space<vmem>>, vector<16xf32>,
    %broadcast_in_dim3A_251 = arith.constant 0.000000e+00 : f32
    %broadcast_in_dim3A_252 = vector.broadcast %broadcast_in_dim3A_251 : f32 to vector<16xf32>
    %swap3A_253 = arith.constant 544 : index
    %swap3A_254 = tpu.vector_load %arg7[%swap3A_253] {strides = array<i32>} : memref<640xf32, #tpu.memory_space<vmem>>, vector<16xf32>,
    %swap3A_255 = vector.shape_cast %swap3A_254 : vector<16xf32> to vector<16xf32>
    %swap3A_256 = vector.shape_cast %broadcast_in_dim3A_252 : vector<16xf32> to vector<16xf32>
    tpu.vector_store %arg7[%swap3A_253], %swap3A_256 {strides = array<i32>} : memref<640xf32, #tpu.memory_space<vmem>>, vector<16xf32>,
    %broadcast_in_dim3A_257 = arith.constant 0.000000e+00 : f32
    %broadcast_in_dim3A_258 = vector.broadcast %broadcast_in_dim3A_257 : f32 to vector<16xf32>
    %swap3A_259 = arith.constant 560 : index
    %swap3A_260 = tpu.vector_load %arg7[%swap3A_259] {strides = array<i32>} : memref<640xf32, #tpu.memory_space<vmem>>, vector<16xf32>,
    %swap3A_261 = vector.shape_cast %swap3A_260 : vector<16xf32> to vector<16xf32>
    %swap3A_262 = vector.shape_cast %broadcast_in_dim3A_258 : vector<16xf32> to vector<16xf32>
    tpu.vector_store %arg7[%swap3A_259], %swap3A_262 {strides = array<i32>} : memref<640xf32, #tpu.memory_space<vmem>>, vector<16xf32>,
    %broadcast_in_dim3A_263 = arith.constant 0.000000e+00 : f32
    %broadcast_in_dim3A_264 = vector.broadcast %broadcast_in_dim3A_263 : f32 to vector<16xf32>
    %swap3A_265 = arith.constant 576 : index
    %swap3A_266 = tpu.vector_load %arg7[%swap3A_265] {strides = array<i32>} : memref<640xf32, #tpu.memory_space<vmem>>, vector<16xf32>,
    %swap3A_267 = vector.shape_cast %swap3A_266 : vector<16xf32> to vector<16xf32>
    %swap3A_268 = vector.shape_cast %broadcast_in_dim3A_264 : vector<16xf32> to vector<16xf32>
    tpu.vector_store %arg7[%swap3A_265], %swap3A_268 {strides = array<i32>} : memref<640xf32, #tpu.memory_space<vmem>>, vector<16xf32>,
    %broadcast_in_dim3A_269 = arith.constant 0.000000e+00 : f32
    %broadcast_in_dim3A_270 = vector.broadcast %broadcast_in_dim3A_269 : f32 to vector<16xf32>
    %swap3A_271 = arith.constant 592 : index
    %swap3A_272 = tpu.vector_load %arg7[%swap3A_271] {strides = array<i32>} : memref<640xf32, #tpu.memory_space<vmem>>, vector<16xf32>,
    %swap3A_273 = vector.shape_cast %swap3A_272 : vector<16xf32> to vector<16xf32>
    %swap3A_274 = vector.shape_cast %broadcast_in_dim3A_270 : vector<16xf32> to vector<16xf32>
    tpu.vector_store %arg7[%swap3A_271], %swap3A_274 {strides = array<i32>} : memref<640xf32, #tpu.memory_space<vmem>>, vector<16xf32>,
    %broadcast_in_dim3A_275 = arith.constant 0.000000e+00 : f32
    %broadcast_in_dim3A_276 = vector.broadcast %broadcast_in_dim3A_275 : f32 to vector<16xf32>
    %swap3A_277 = arith.constant 608 : index
    %swap3A_278 = tpu.vector_load %arg7[%swap3A_277] {strides = array<i32>} : memref<640xf32, #tpu.memory_space<vmem>>, vector<16xf32>,
    %swap3A_279 = vector.shape_cast %swap3A_278 : vector<16xf32> to vector<16xf32>
    %swap3A_280 = vector.shape_cast %broadcast_in_dim3A_276 : vector<16xf32> to vector<16xf32>
    tpu.vector_store %arg7[%swap3A_277], %swap3A_280 {strides = array<i32>} : memref<640xf32, #tpu.memory_space<vmem>>, vector<16xf32>,
    %broadcast_in_dim3A_281 = arith.constant 0.000000e+00 : f32
    %broadcast_in_dim3A_282 = vector.broadcast %broadcast_in_dim3A_281 : f32 to vector<16xf32>
    %swap3A_283 = arith.constant 624 : index
    %swap3A_284 = tpu.vector_load %arg7[%swap3A_283] {strides = array<i32>} : memref<640xf32, #tpu.memory_space<vmem>>, vector<16xf32>,
    %swap3A_285 = vector.shape_cast %swap3A_284 : vector<16xf32> to vector<16xf32>
    %swap3A_286 = vector.shape_cast %broadcast_in_dim3A_282 : vector<16xf32> to vector<16xf32>
    tpu.vector_store %arg7[%swap3A_283], %swap3A_286 {strides = array<i32>} : memref<640xf32, #tpu.memory_space<vmem>>, vector<16xf32>,
    %mul3A_287 = arith.constant 640 : i32
    %mul3A_288 = arith.muli %arg1, %mul3A_287 : i32
    "tpu.region"() ({
      %run_scoped3A = tpu.sem_alloc : memref<!tpu.dma_semaphore, #tpu.memory_space<semaphore_mem>>
      %dma_start3A = tpu.memref_slice %arg8[%mul3A_288] : memref<10240xf32, #tpu.memory_space<vmem_shared>> -> memref<640xf32, #tpu.memory_space<vmem_shared>>
      %dma_start3A_309 = tpu.memref_slice %arg8[%mul3A_288] : memref<10240xf32, #tpu.memory_space<vmem_shared>> -> memref<640xf32, #tpu.memory_space<vmem_shared>>
      tpu.enqueue_dma source(%arg7 : memref<640xf32, #tpu.memory_space<vmem>>) target(%dma_start3A_309 : memref<640xf32, #tpu.memory_space<vmem_shared>>) target_semaphore(%run_scoped3A : memref<!tpu.dma_semaphore, #tpu.memory_space<semaphore_mem>>)
      %dma_wait3A = tpu.memref_slice %arg8[%mul3A_288] : memref<10240xf32, #tpu.memory_space<vmem_shared>> -> memref<640xf32, #tpu.memory_space<vmem_shared>>
      %dma_wait3A_310 = tpu.memref_slice %arg8[%mul3A_288] : memref<10240xf32, #tpu.memory_space<vmem_shared>> -> memref<640xf32, #tpu.memory_space<vmem_shared>>
      tpu.wait_dma2 semaphore(%run_scoped3A : memref<!tpu.dma_semaphore, #tpu.memory_space<semaphore_mem>>) src(%arg7 : memref<640xf32, #tpu.memory_space<vmem>>) dst(%dma_wait3A_310 : memref<640xf32, #tpu.memory_space<vmem_shared>>)
      tpu.yield
    }) : () -> ()
    %lt3A = arith.constant 31 : i32
    %lt3A_289 = arith.cmpi slt, %add3A, %lt3A : i32
    %convert_element_type3A = arith.extui %lt3A_289 : i1 to i32
    %cond3A = arith.constant 0 : i32
    %cond3A_290 = arith.cmpi ne, %convert_element_type3A, %cond3A : i32
    scf.if %cond3A_290 {
      %mul3A_309 = arith.constant 80 : i32
      %mul3A_310 = arith.muli %add3A, %mul3A_309 : i32
      %run_scoped3A = arith.constant 1 : i32
      "tpu.region"() ({
        %run_scoped3A_311 = tpu.sem_alloc : memref<!tpu.dma_semaphore, #tpu.memory_space<semaphore_mem>>
        %dma_start3A = arith.constant 0 : i32
        %dma_start3A_312 = tpu.memref_slice %arg2[%run_scoped3A, %mul3A_310, %dma_start3A] : memref<2x2500x128xi32, #tpu.memory_space<hbm>> -> memref<1x80x128xi32, #tpu.memory_space<hbm>>
        %dma_start3A_313 = tpu.memref_squeeze %dma_start3A_312 : memref<1x80x128xi32, #tpu.memory_space<hbm>> -> memref<80x128xi32, #tpu.memory_space<hbm>>
        %dma_start3A_314 = arith.constant 0 : i32
        %dma_start3A_315 = tpu.memref_slice %arg2[%run_scoped3A, %mul3A_310, %dma_start3A_314] : memref<2x2500x128xi32, #tpu.memory_space<hbm>> -> memref<1x80x128xi32, #tpu.memory_space<hbm>>
        %dma_start3A_316 = tpu.memref_squeeze %dma_start3A_315 : memref<1x80x128xi32, #tpu.memory_space<hbm>> -> memref<80x128xi32, #tpu.memory_space<hbm>>
        tpu.enqueue_dma source(%dma_start3A_316 : memref<80x128xi32, #tpu.memory_space<hbm>>) target(%arg5 : memref<80x128xi32, #tpu.memory_space<vmem>>) target_semaphore(%run_scoped3A_311 : memref<!tpu.dma_semaphore, #tpu.memory_space<semaphore_mem>>)
        %dma_wait3A = arith.constant 0 : i32
        %dma_wait3A_317 = tpu.memref_slice %arg2[%run_scoped3A, %mul3A_310, %dma_wait3A] : memref<2x2500x128xi32, #tpu.memory_space<hbm>> -> memref<1x80x128xi32, #tpu.memory_space<hbm>>
        %dma_wait3A_318 = tpu.memref_squeeze %dma_wait3A_317 : memref<1x80x128xi32, #tpu.memory_space<hbm>> -> memref<80x128xi32, #tpu.memory_space<hbm>>
        %dma_wait3A_319 = arith.constant 0 : i32
        %dma_wait3A_320 = tpu.memref_slice %arg2[%run_scoped3A, %mul3A_310, %dma_wait3A_319] : memref<2x2500x128xi32, #tpu.memory_space<hbm>> -> memref<1x80x128xi32, #tpu.memory_space<hbm>>
        %dma_wait3A_321 = tpu.memref_squeeze %dma_wait3A_320 : memref<1x80x128xi32, #tpu.memory_space<hbm>> -> memref<80x128xi32, #tpu.memory_space<hbm>>
        tpu.wait_dma2 semaphore(%run_scoped3A_311 : memref<!tpu.dma_semaphore, #tpu.memory_space<semaphore_mem>>) src(%dma_wait3A_321 : memref<80x128xi32, #tpu.memory_space<hbm>>) dst(%arg5 : memref<80x128xi32, #tpu.memory_space<vmem>>)
        tpu.yield
      }) : () -> ()
    } else {
    }
    %eq3A = arith.constant 31 : i32
    %eq3A_291 = arith.cmpi eq, %add3A, %eq3A : i32
    %convert_element_type3A_292 = arith.extui %eq3A_291 : i1 to i32
    %cond3A_293 = arith.constant 0 : i32
    %cond3A_294 = arith.cmpi ne, %convert_element_type3A_292, %cond3A_293 : i32
    scf.if %cond3A_294 {
      %run_scoped3A = arith.constant 1 : i32
      "tpu.region"() ({
        %run_scoped3A_309 = tpu.sem_alloc : memref<!tpu.dma_semaphore, #tpu.memory_space<semaphore_mem>>
        %dma_start3A = arith.constant 0 : i32
        %dma_start3A_310 = arith.constant 0 : i32
        %dma_start3A_311 = tpu.memref_slice %arg3[%run_scoped3A, %dma_start3A, %dma_start3A_310] : memref<2x80x128xi32, #tpu.memory_space<hbm>> -> memref<1x80x128xi32, #tpu.memory_space<hbm>>
        %dma_start3A_312 = tpu.memref_squeeze %dma_start3A_311 : memref<1x80x128xi32, #tpu.memory_space<hbm>> -> memref<80x128xi32, #tpu.memory_space<hbm>>
        %dma_start3A_313 = arith.constant 0 : i32
        %dma_start3A_314 = arith.constant 0 : i32
        %dma_start3A_315 = tpu.memref_slice %arg3[%run_scoped3A, %dma_start3A_313, %dma_start3A_314] : memref<2x80x128xi32, #tpu.memory_space<hbm>> -> memref<1x80x128xi32, #tpu.memory_space<hbm>>
        %dma_start3A_316 = tpu.memref_squeeze %dma_start3A_315 : memref<1x80x128xi32, #tpu.memory_space<hbm>> -> memref<80x128xi32, #tpu.memory_space<hbm>>
        tpu.enqueue_dma source(%dma_start3A_316 : memref<80x128xi32, #tpu.memory_space<hbm>>) target(%arg5 : memref<80x128xi32, #tpu.memory_space<vmem>>) target_semaphore(%run_scoped3A_309 : memref<!tpu.dma_semaphore, #tpu.memory_space<semaphore_mem>>)
        %dma_wait3A = arith.constant 0 : i32
        %dma_wait3A_317 = arith.constant 0 : i32
        %dma_wait3A_318 = tpu.memref_slice %arg3[%run_scoped3A, %dma_wait3A, %dma_wait3A_317] : memref<2x80x128xi32, #tpu.memory_space<hbm>> -> memref<1x80x128xi32, #tpu.memory_space<hbm>>
        %dma_wait3A_319 = tpu.memref_squeeze %dma_wait3A_318 : memref<1x80x128xi32, #tpu.memory_space<hbm>> -> memref<80x128xi32, #tpu.memory_space<hbm>>
        %dma_wait3A_320 = arith.constant 0 : i32
        %dma_wait3A_321 = arith.constant 0 : i32
        %dma_wait3A_322 = tpu.memref_slice %arg3[%run_scoped3A, %dma_wait3A_320, %dma_wait3A_321] : memref<2x80x128xi32, #tpu.memory_space<hbm>> -> memref<1x80x128xi32, #tpu.memory_space<hbm>>
        %dma_wait3A_323 = tpu.memref_squeeze %dma_wait3A_322 : memref<1x80x128xi32, #tpu.memory_space<hbm>> -> memref<80x128xi32, #tpu.memory_space<hbm>>
        tpu.wait_dma2 semaphore(%run_scoped3A_309 : memref<!tpu.dma_semaphore, #tpu.memory_space<semaphore_mem>>) src(%dma_wait3A_323 : memref<80x128xi32, #tpu.memory_space<hbm>>) dst(%arg5 : memref<80x128xi32, #tpu.memory_space<vmem>>)
        tpu.yield
      }) : () -> ()
    } else {
    }
    %barrier3A = arith.constant 0 : index
    tpu.barrier barrier_id(%barrier3A)
    %scan3A = arith.constant 0 : i32
    %scan3A_295 = arith.constant 80 : i32
    %scan3A_296 = arith.addi %scan3A, %scan3A_295 : i32
    %scan3A_297 = arith.constant 1 : i32
    scf.for %scan3A_309 = %scan3A to %scan3A_296 step %scan3A_297  : i32 {
      %mul3A_310 = arith.constant 1 : i32
      %mul3A_311 = arith.muli %scan3A_309, %mul3A_310 : i32
      %add3A_312 = arith.constant 0 : i32
      %add3A_313 = arith.addi %add3A_312, %mul3A_311 : i32
      %dma_start3A = arith.constant 0 : i32
      %dma_start3A_314 = tpu.memref_slice %arg5[%add3A_313, %dma_start3A] : memref<80x128xi32, #tpu.memory_space<vmem>> -> memref<1x128xi32, #tpu.memory_space<vmem>>
      %dma_start3A_315 = tpu.memref_squeeze %dma_start3A_314 : memref<1x128xi32, #tpu.memory_space<vmem>> -> memref<128xi32, #tpu.memory_space<vmem>>
      %dma_start3A_316 = arith.constant 0 : i32
      %dma_start3A_317 = tpu.memref_slice %arg8[%dma_start3A_316] : memref<10240xf32, #tpu.memory_space<vmem_shared>> -> memref<10240xf32, #tpu.memory_space<vmem_shared>>
      tpu.enqueue_indirect_dma source(%arg6 : memref<128xf32, #tpu.memory_space<vmem>>) target(%dma_start3A_317 : memref<10240xf32, #tpu.memory_space<vmem_shared>>) offsets(%dma_start3A_315 : memref<128xi32, #tpu.memory_space<vmem>>) semaphore(%arg9 : memref<!tpu.dma_semaphore, #tpu.memory_space<semaphore_mem>>) {add = true}
    }
    %scan3A_298 = arith.constant 80 : i32
    %scan3A_299 = arith.constant 0 : i32
    %scan3A_300 = arith.constant 80 : i32
    %scan3A_301 = arith.addi %scan3A_299, %scan3A_300 : i32
    %scan3A_302 = arith.constant 1 : i32
    scf.for %scan3A_309 = %scan3A_299 to %scan3A_301 step %scan3A_302  : i32 {
      %mul3A_310 = arith.constant 1 : i32
      %mul3A_311 = arith.muli %scan3A_309, %mul3A_310 : i32
      %add3A_312 = arith.constant 0 : i32
      %add3A_313 = arith.addi %add3A_312, %mul3A_311 : i32
      %dma_wait3A = arith.constant 0 : i32
      %dma_wait3A_314 = tpu.memref_slice %arg5[%add3A_313, %dma_wait3A] : memref<80x128xi32, #tpu.memory_space<vmem>> -> memref<1x128xi32, #tpu.memory_space<vmem>>
      %dma_wait3A_315 = tpu.memref_squeeze %dma_wait3A_314 : memref<1x128xi32, #tpu.memory_space<vmem>> -> memref<128xi32, #tpu.memory_space<vmem>>
      %dma_wait3A_316 = arith.constant 0 : i32
      %dma_wait3A_317 = tpu.memref_slice %arg8[%dma_wait3A_316] : memref<10240xf32, #tpu.memory_space<vmem_shared>> -> memref<10240xf32, #tpu.memory_space<vmem_shared>>
      tpu.wait_indirect_dma semaphore(%arg9 : memref<!tpu.dma_semaphore, #tpu.memory_space<semaphore_mem>>) src(%arg6 : memref<128xf32, #tpu.memory_space<vmem>>) dst(%dma_wait3A_317 : memref<10240xf32, #tpu.memory_space<vmem_shared>>)
    }
    %scan3A_303 = arith.constant 80 : i32
    %barrier3A_304 = arith.constant 0 : index
    tpu.barrier barrier_id(%barrier3A_304)
    %mul3A_305 = arith.constant 640 : i32
    %mul3A_306 = arith.muli %arg1, %mul3A_305 : i32
    %mul3A_307 = arith.constant 640 : i32
    %mul3A_308 = arith.muli %arg1, %mul3A_307 : i32
    "tpu.region"() ({
      %run_scoped3A = tpu.sem_alloc : memref<!tpu.dma_semaphore, #tpu.memory_space<semaphore_mem>>
      %dma_start3A = tpu.memref_slice %arg4[%arg0, %mul3A_308] : memref<2x10240xf32, #tpu.memory_space<hbm>> -> memref<1x640xf32, #tpu.memory_space<hbm>>
      %dma_start3A_309 = tpu.memref_squeeze %dma_start3A : memref<1x640xf32, #tpu.memory_space<hbm>> -> memref<640xf32, #tpu.memory_space<hbm>>
      %dma_start3A_310 = tpu.memref_slice %arg8[%mul3A_306] : memref<10240xf32, #tpu.memory_space<vmem_shared>> -> memref<640xf32, #tpu.memory_space<vmem_shared>>
      tpu.enqueue_dma source(%dma_start3A_310 : memref<640xf32, #tpu.memory_space<vmem_shared>>) target(%dma_start3A_309 : memref<640xf32, #tpu.memory_space<hbm>>) target_semaphore(%run_scoped3A : memref<!tpu.dma_semaphore, #tpu.memory_space<semaphore_mem>>)
      %dma_wait3A = tpu.memref_slice %arg4[%arg0, %mul3A_308] : memref<2x10240xf32, #tpu.memory_space<hbm>> -> memref<1x640xf32, #tpu.memory_space<hbm>>
      %dma_wait3A_311 = tpu.memref_squeeze %dma_wait3A : memref<1x640xf32, #tpu.memory_space<hbm>> -> memref<640xf32, #tpu.memory_space<hbm>>
      %dma_wait3A_312 = tpu.memref_slice %arg8[%mul3A_306] : memref<10240xf32, #tpu.memory_space<vmem_shared>> -> memref<640xf32, #tpu.memory_space<vmem_shared>>
      tpu.wait_dma2 semaphore(%run_scoped3A : memref<!tpu.dma_semaphore, #tpu.memory_space<semaphore_mem>>) src(%dma_wait3A_312 : memref<640xf32, #tpu.memory_space<vmem_shared>>) dst(%dma_wait3A_311 : memref<640xf32, #tpu.memory_space<hbm>>)
      tpu.yield
    }) : () -> ()
    return
  }
}

#map = affine_map<(d0, d1) -> (0, 0)>
#map1 = affine_map<(d0, d1) -> (0, 0, 0)>
module attributes {stable_mosaic.version = 14 : i64} {
  func.func @_agg_kernel(%arg0: i32, %arg1: i32, %arg2: memref<10000x128xf32, #tpu.memory_space<hbm>>, %arg3: memref<2x2500x128xi32, #tpu.memory_space<hbm>>, %arg4: memref<2x80x128xi32, #tpu.memory_space<hbm>>, %arg5: memref<2x10240x128xf32, #tpu.memory_space<hbm>>, %arg6: memref<80x128xi32, #tpu.memory_space<vmem>>, %arg7: memref<2x8x128xi32, #tpu.memory_space<vmem>>, %arg8: memref<2x128x128xf32, #tpu.memory_space<vmem>>, %arg9: memref<10240x128xf32, #tpu.memory_space<vmem_shared>>, %arg10: memref<!tpu.dma_semaphore, #tpu.memory_space<semaphore_mem>>, %arg11: memref<!tpu.dma_semaphore, #tpu.memory_space<semaphore_mem>>, %arg12: memref<!tpu.dma_semaphore, #tpu.memory_space<semaphore_mem>>, %arg13: memref<!tpu.dma_semaphore, #tpu.memory_space<semaphore_mem>>, %arg14: memref<!tpu.dma_semaphore, #tpu.memory_space<semaphore_mem>>) attributes {dimension_semantics = [#tpu.dimension_semantics<core_parallel>, #tpu.dimension_semantics<subcore_parallel>], iteration_bounds = array<i64: 2, 16>, scalar_prefetch = 0 : i64, scratch_operands = 9 : i64, tpu.core_type = #tpu.core_type<sc_vector_subcore>, window_params = [{transform_indices = #map}, {transform_indices = #map1}, {transform_indices = #map1}, {transform_indices = #map1}]} {
    %mul3A = arith.constant 2 : i32
    %mul3A_0 = arith.muli %arg1, %mul3A : i32
    %add3A = arith.addi %mul3A_0, %arg0 : i32
    %mul3A_1 = arith.constant 80 : i32
    %mul3A_2 = arith.muli %add3A, %mul3A_1 : i32
    %scan3A = arith.constant 0 : i32
    %scan3A_3 = arith.constant 128 : i32
    %scan3A_4 = arith.addi %scan3A, %scan3A_3 : i32
    %scan3A_5 = arith.constant 1 : i32
    scf.for %scan3A_354 = %scan3A to %scan3A_4 step %scan3A_5  : i32 {
      %mul3A_355 = arith.constant 1 : i32
      %mul3A_356 = arith.muli %scan3A_354, %mul3A_355 : i32
      %add3A_357 = arith.constant 0 : i32
      %add3A_358 = arith.addi %add3A_357, %mul3A_356 : i32
      %broadcast_in_dim3A = arith.constant 0.000000e+00 : f32
      %broadcast_in_dim3A_359 = vector.broadcast %broadcast_in_dim3A : f32 to vector<16xf32>
      %swap3A = arith.constant 0 : i32
      %swap3A_360 = arith.index_cast %swap3A : i32 to index
      %swap3A_361 = arith.index_cast %add3A_358 : i32 to index
      %swap3A_362 = arith.constant 0 : index
      %swap3A_363 = tpu.vector_load %arg8[%swap3A_360, %swap3A_361, %swap3A_362] {strides = array<i32>} : memref<2x128x128xf32, #tpu.memory_space<vmem>>, vector<1x1x16xf32>,
      %swap3A_364 = vector.shape_cast %swap3A_363 : vector<1x1x16xf32> to vector<16xf32>
      %swap3A_365 = vector.shape_cast %broadcast_in_dim3A_359 : vector<16xf32> to vector<1x1x16xf32>
      tpu.vector_store %arg8[%swap3A_360, %swap3A_361, %swap3A_362], %swap3A_365 {strides = array<i32>} : memref<2x128x128xf32, #tpu.memory_space<vmem>>, vector<1x1x16xf32>,
      %broadcast_in_dim3A_366 = arith.constant 0.000000e+00 : f32
      %broadcast_in_dim3A_367 = vector.broadcast %broadcast_in_dim3A_366 : f32 to vector<16xf32>
      %swap3A_368 = arith.constant 0 : i32
      %swap3A_369 = arith.index_cast %swap3A_368 : i32 to index
      %swap3A_370 = arith.index_cast %add3A_358 : i32 to index
      %swap3A_371 = arith.constant 16 : index
      %swap3A_372 = tpu.vector_load %arg8[%swap3A_369, %swap3A_370, %swap3A_371] {strides = array<i32>} : memref<2x128x128xf32, #tpu.memory_space<vmem>>, vector<1x1x16xf32>,
      %swap3A_373 = vector.shape_cast %swap3A_372 : vector<1x1x16xf32> to vector<16xf32>
      %swap3A_374 = vector.shape_cast %broadcast_in_dim3A_367 : vector<16xf32> to vector<1x1x16xf32>
      tpu.vector_store %arg8[%swap3A_369, %swap3A_370, %swap3A_371], %swap3A_374 {strides = array<i32>} : memref<2x128x128xf32, #tpu.memory_space<vmem>>, vector<1x1x16xf32>,
      %broadcast_in_dim3A_375 = arith.constant 0.000000e+00 : f32
      %broadcast_in_dim3A_376 = vector.broadcast %broadcast_in_dim3A_375 : f32 to vector<16xf32>
      %swap3A_377 = arith.constant 0 : i32
      %swap3A_378 = arith.index_cast %swap3A_377 : i32 to index
      %swap3A_379 = arith.index_cast %add3A_358 : i32 to index
      %swap3A_380 = arith.constant 32 : index
      %swap3A_381 = tpu.vector_load %arg8[%swap3A_378, %swap3A_379, %swap3A_380] {strides = array<i32>} : memref<2x128x128xf32, #tpu.memory_space<vmem>>, vector<1x1x16xf32>,
      %swap3A_382 = vector.shape_cast %swap3A_381 : vector<1x1x16xf32> to vector<16xf32>
      %swap3A_383 = vector.shape_cast %broadcast_in_dim3A_376 : vector<16xf32> to vector<1x1x16xf32>
      tpu.vector_store %arg8[%swap3A_378, %swap3A_379, %swap3A_380], %swap3A_383 {strides = array<i32>} : memref<2x128x128xf32, #tpu.memory_space<vmem>>, vector<1x1x16xf32>,
      %broadcast_in_dim3A_384 = arith.constant 0.000000e+00 : f32
      %broadcast_in_dim3A_385 = vector.broadcast %broadcast_in_dim3A_384 : f32 to vector<16xf32>
      %swap3A_386 = arith.constant 0 : i32
      %swap3A_387 = arith.index_cast %swap3A_386 : i32 to index
      %swap3A_388 = arith.index_cast %add3A_358 : i32 to index
      %swap3A_389 = arith.constant 48 : index
      %swap3A_390 = tpu.vector_load %arg8[%swap3A_387, %swap3A_388, %swap3A_389] {strides = array<i32>} : memref<2x128x128xf32, #tpu.memory_space<vmem>>, vector<1x1x16xf32>,
      %swap3A_391 = vector.shape_cast %swap3A_390 : vector<1x1x16xf32> to vector<16xf32>
      %swap3A_392 = vector.shape_cast %broadcast_in_dim3A_385 : vector<16xf32> to vector<1x1x16xf32>
      tpu.vector_store %arg8[%swap3A_387, %swap3A_388, %swap3A_389], %swap3A_392 {strides = array<i32>} : memref<2x128x128xf32, #tpu.memory_space<vmem>>, vector<1x1x16xf32>,
      %broadcast_in_dim3A_393 = arith.constant 0.000000e+00 : f32
      %broadcast_in_dim3A_394 = vector.broadcast %broadcast_in_dim3A_393 : f32 to vector<16xf32>
      %swap3A_395 = arith.constant 0 : i32
      %swap3A_396 = arith.index_cast %swap3A_395 : i32 to index
      %swap3A_397 = arith.index_cast %add3A_358 : i32 to index
      %swap3A_398 = arith.constant 64 : index
      %swap3A_399 = tpu.vector_load %arg8[%swap3A_396, %swap3A_397, %swap3A_398] {strides = array<i32>} : memref<2x128x128xf32, #tpu.memory_space<vmem>>, vector<1x1x16xf32>,
      %swap3A_400 = vector.shape_cast %swap3A_399 : vector<1x1x16xf32> to vector<16xf32>
      %swap3A_401 = vector.shape_cast %broadcast_in_dim3A_394 : vector<16xf32> to vector<1x1x16xf32>
      tpu.vector_store %arg8[%swap3A_396, %swap3A_397, %swap3A_398], %swap3A_401 {strides = array<i32>} : memref<2x128x128xf32, #tpu.memory_space<vmem>>, vector<1x1x16xf32>,
      %broadcast_in_dim3A_402 = arith.constant 0.000000e+00 : f32
      %broadcast_in_dim3A_403 = vector.broadcast %broadcast_in_dim3A_402 : f32 to vector<16xf32>
      %swap3A_404 = arith.constant 0 : i32
      %swap3A_405 = arith.index_cast %swap3A_404 : i32 to index
      %swap3A_406 = arith.index_cast %add3A_358 : i32 to index
      %swap3A_407 = arith.constant 80 : index
      %swap3A_408 = tpu.vector_load %arg8[%swap3A_405, %swap3A_406, %swap3A_407] {strides = array<i32>} : memref<2x128x128xf32, #tpu.memory_space<vmem>>, vector<1x1x16xf32>,
      %swap3A_409 = vector.shape_cast %swap3A_408 : vector<1x1x16xf32> to vector<16xf32>
      %swap3A_410 = vector.shape_cast %broadcast_in_dim3A_403 : vector<16xf32> to vector<1x1x16xf32>
      tpu.vector_store %arg8[%swap3A_405, %swap3A_406, %swap3A_407], %swap3A_410 {strides = array<i32>} : memref<2x128x128xf32, #tpu.memory_space<vmem>>, vector<1x1x16xf32>,
      %broadcast_in_dim3A_411 = arith.constant 0.000000e+00 : f32
      %broadcast_in_dim3A_412 = vector.broadcast %broadcast_in_dim3A_411 : f32 to vector<16xf32>
      %swap3A_413 = arith.constant 0 : i32
      %swap3A_414 = arith.index_cast %swap3A_413 : i32 to index
      %swap3A_415 = arith.index_cast %add3A_358 : i32 to index
      %swap3A_416 = arith.constant 96 : index
      %swap3A_417 = tpu.vector_load %arg8[%swap3A_414, %swap3A_415, %swap3A_416] {strides = array<i32>} : memref<2x128x128xf32, #tpu.memory_space<vmem>>, vector<1x1x16xf32>,
      %swap3A_418 = vector.shape_cast %swap3A_417 : vector<1x1x16xf32> to vector<16xf32>
      %swap3A_419 = vector.shape_cast %broadcast_in_dim3A_412 : vector<16xf32> to vector<1x1x16xf32>
      tpu.vector_store %arg8[%swap3A_414, %swap3A_415, %swap3A_416], %swap3A_419 {strides = array<i32>} : memref<2x128x128xf32, #tpu.memory_space<vmem>>, vector<1x1x16xf32>,
      %broadcast_in_dim3A_420 = arith.constant 0.000000e+00 : f32
      %broadcast_in_dim3A_421 = vector.broadcast %broadcast_in_dim3A_420 : f32 to vector<16xf32>
      %swap3A_422 = arith.constant 0 : i32
      %swap3A_423 = arith.index_cast %swap3A_422 : i32 to index
      %swap3A_424 = arith.index_cast %add3A_358 : i32 to index
      %swap3A_425 = arith.constant 112 : index
      %swap3A_426 = tpu.vector_load %arg8[%swap3A_423, %swap3A_424, %swap3A_425] {strides = array<i32>} : memref<2x128x128xf32, #tpu.memory_space<vmem>>, vector<1x1x16xf32>,
      %swap3A_427 = vector.shape_cast %swap3A_426 : vector<1x1x16xf32> to vector<16xf32>
      %swap3A_428 = vector.shape_cast %broadcast_in_dim3A_421 : vector<16xf32> to vector<1x1x16xf32>
      tpu.vector_store %arg8[%swap3A_423, %swap3A_424, %swap3A_425], %swap3A_428 {strides = array<i32>} : memref<2x128x128xf32, #tpu.memory_space<vmem>>, vector<1x1x16xf32>,
    }
    %scan3A_6 = arith.constant 128 : i32
    %mul3A_7 = arith.constant 640 : i32
    %mul3A_8 = arith.muli %arg1, %mul3A_7 : i32
    %add3A_9 = arith.constant 0 : i32
    %add3A_10 = arith.addi %mul3A_8, %add3A_9 : i32
    %dma_start3A = arith.constant 0 : i32
    %dma_start3A_11 = arith.constant 0 : i32
    %dma_start3A_12 = arith.constant 0 : i32
    %dma_start3A_13 = tpu.memref_slice %arg8[%dma_start3A, %dma_start3A_11, %dma_start3A_12] : memref<2x128x128xf32, #tpu.memory_space<vmem>> -> memref<1x128x128xf32, #tpu.memory_space<vmem>>
    %dma_start3A_14 = tpu.memref_squeeze %dma_start3A_13 : memref<1x128x128xf32, #tpu.memory_space<vmem>> -> memref<128x128xf32, #tpu.memory_space<vmem>>
    %dma_start3A_15 = arith.constant 0 : i32
    %dma_start3A_16 = tpu.memref_slice %arg9[%add3A_10, %dma_start3A_15] : memref<10240x128xf32, #tpu.memory_space<vmem_shared>> -> memref<128x128xf32, #tpu.memory_space<vmem_shared>>
    %dma_start3A_17 = arith.constant 0 : i32
    %dma_start3A_18 = tpu.memref_slice %arg9[%add3A_10, %dma_start3A_17] : memref<10240x128xf32, #tpu.memory_space<vmem_shared>> -> memref<128x128xf32, #tpu.memory_space<vmem_shared>>
    %dma_start3A_19 = arith.constant 0 : i32
    %dma_start3A_20 = arith.constant 0 : i32
    %dma_start3A_21 = tpu.memref_slice %arg8[%dma_start3A, %dma_start3A_19, %dma_start3A_20] : memref<2x128x128xf32, #tpu.memory_space<vmem>> -> memref<1x128x128xf32, #tpu.memory_space<vmem>>
    %dma_start3A_22 = tpu.memref_squeeze %dma_start3A_21 : memref<1x128x128xf32, #tpu.memory_space<vmem>> -> memref<128x128xf32, #tpu.memory_space<vmem>>
    tpu.enqueue_dma source(%dma_start3A_22 : memref<128x128xf32, #tpu.memory_space<vmem>>) target(%dma_start3A_18 : memref<128x128xf32, #tpu.memory_space<vmem_shared>>) target_semaphore(%arg13 : memref<!tpu.dma_semaphore, #tpu.memory_space<semaphore_mem>>)
    %mul3A_23 = arith.constant 640 : i32
    %mul3A_24 = arith.muli %arg1, %mul3A_23 : i32
    %add3A_25 = arith.constant 128 : i32
    %add3A_26 = arith.addi %mul3A_24, %add3A_25 : i32
    %dma_start3A_27 = arith.constant 0 : i32
    %dma_start3A_28 = arith.constant 0 : i32
    %dma_start3A_29 = arith.constant 0 : i32
    %dma_start3A_30 = tpu.memref_slice %arg8[%dma_start3A_27, %dma_start3A_28, %dma_start3A_29] : memref<2x128x128xf32, #tpu.memory_space<vmem>> -> memref<1x128x128xf32, #tpu.memory_space<vmem>>
    %dma_start3A_31 = tpu.memref_squeeze %dma_start3A_30 : memref<1x128x128xf32, #tpu.memory_space<vmem>> -> memref<128x128xf32, #tpu.memory_space<vmem>>
    %dma_start3A_32 = arith.constant 0 : i32
    %dma_start3A_33 = tpu.memref_slice %arg9[%add3A_26, %dma_start3A_32] : memref<10240x128xf32, #tpu.memory_space<vmem_shared>> -> memref<128x128xf32, #tpu.memory_space<vmem_shared>>
    %dma_start3A_34 = arith.constant 0 : i32
    %dma_start3A_35 = tpu.memref_slice %arg9[%add3A_26, %dma_start3A_34] : memref<10240x128xf32, #tpu.memory_space<vmem_shared>> -> memref<128x128xf32, #tpu.memory_space<vmem_shared>>
    %dma_start3A_36 = arith.constant 0 : i32
    %dma_start3A_37 = arith.constant 0 : i32
    %dma_start3A_38 = tpu.memref_slice %arg8[%dma_start3A_27, %dma_start3A_36, %dma_start3A_37] : memref<2x128x128xf32, #tpu.memory_space<vmem>> -> memref<1x128x128xf32, #tpu.memory_space<vmem>>
    %dma_start3A_39 = tpu.memref_squeeze %dma_start3A_38 : memref<1x128x128xf32, #tpu.memory_space<vmem>> -> memref<128x128xf32, #tpu.memory_space<vmem>>
    tpu.enqueue_dma source(%dma_start3A_39 : memref<128x128xf32, #tpu.memory_space<vmem>>) target(%dma_start3A_35 : memref<128x128xf32, #tpu.memory_space<vmem_shared>>) target_semaphore(%arg13 : memref<!tpu.dma_semaphore, #tpu.memory_space<semaphore_mem>>)
    %mul3A_40 = arith.constant 640 : i32
    %mul3A_41 = arith.muli %arg1, %mul3A_40 : i32
    %add3A_42 = arith.constant 256 : i32
    %add3A_43 = arith.addi %mul3A_41, %add3A_42 : i32
    %dma_start3A_44 = arith.constant 0 : i32
    %dma_start3A_45 = arith.constant 0 : i32
    %dma_start3A_46 = arith.constant 0 : i32
    %dma_start3A_47 = tpu.memref_slice %arg8[%dma_start3A_44, %dma_start3A_45, %dma_start3A_46] : memref<2x128x128xf32, #tpu.memory_space<vmem>> -> memref<1x128x128xf32, #tpu.memory_space<vmem>>
    %dma_start3A_48 = tpu.memref_squeeze %dma_start3A_47 : memref<1x128x128xf32, #tpu.memory_space<vmem>> -> memref<128x128xf32, #tpu.memory_space<vmem>>
    %dma_start3A_49 = arith.constant 0 : i32
    %dma_start3A_50 = tpu.memref_slice %arg9[%add3A_43, %dma_start3A_49] : memref<10240x128xf32, #tpu.memory_space<vmem_shared>> -> memref<128x128xf32, #tpu.memory_space<vmem_shared>>
    %dma_start3A_51 = arith.constant 0 : i32
    %dma_start3A_52 = tpu.memref_slice %arg9[%add3A_43, %dma_start3A_51] : memref<10240x128xf32, #tpu.memory_space<vmem_shared>> -> memref<128x128xf32, #tpu.memory_space<vmem_shared>>
    %dma_start3A_53 = arith.constant 0 : i32
    %dma_start3A_54 = arith.constant 0 : i32
    %dma_start3A_55 = tpu.memref_slice %arg8[%dma_start3A_44, %dma_start3A_53, %dma_start3A_54] : memref<2x128x128xf32, #tpu.memory_space<vmem>> -> memref<1x128x128xf32, #tpu.memory_space<vmem>>
    %dma_start3A_56 = tpu.memref_squeeze %dma_start3A_55 : memref<1x128x128xf32, #tpu.memory_space<vmem>> -> memref<128x128xf32, #tpu.memory_space<vmem>>
    tpu.enqueue_dma source(%dma_start3A_56 : memref<128x128xf32, #tpu.memory_space<vmem>>) target(%dma_start3A_52 : memref<128x128xf32, #tpu.memory_space<vmem_shared>>) target_semaphore(%arg13 : memref<!tpu.dma_semaphore, #tpu.memory_space<semaphore_mem>>)
    %mul3A_57 = arith.constant 640 : i32
    %mul3A_58 = arith.muli %arg1, %mul3A_57 : i32
    %add3A_59 = arith.constant 384 : i32
    %add3A_60 = arith.addi %mul3A_58, %add3A_59 : i32
    %dma_start3A_61 = arith.constant 0 : i32
    %dma_start3A_62 = arith.constant 0 : i32
    %dma_start3A_63 = arith.constant 0 : i32
    %dma_start3A_64 = tpu.memref_slice %arg8[%dma_start3A_61, %dma_start3A_62, %dma_start3A_63] : memref<2x128x128xf32, #tpu.memory_space<vmem>> -> memref<1x128x128xf32, #tpu.memory_space<vmem>>
    %dma_start3A_65 = tpu.memref_squeeze %dma_start3A_64 : memref<1x128x128xf32, #tpu.memory_space<vmem>> -> memref<128x128xf32, #tpu.memory_space<vmem>>
    %dma_start3A_66 = arith.constant 0 : i32
    %dma_start3A_67 = tpu.memref_slice %arg9[%add3A_60, %dma_start3A_66] : memref<10240x128xf32, #tpu.memory_space<vmem_shared>> -> memref<128x128xf32, #tpu.memory_space<vmem_shared>>
    %dma_start3A_68 = arith.constant 0 : i32
    %dma_start3A_69 = tpu.memref_slice %arg9[%add3A_60, %dma_start3A_68] : memref<10240x128xf32, #tpu.memory_space<vmem_shared>> -> memref<128x128xf32, #tpu.memory_space<vmem_shared>>
    %dma_start3A_70 = arith.constant 0 : i32
    %dma_start3A_71 = arith.constant 0 : i32
    %dma_start3A_72 = tpu.memref_slice %arg8[%dma_start3A_61, %dma_start3A_70, %dma_start3A_71] : memref<2x128x128xf32, #tpu.memory_space<vmem>> -> memref<1x128x128xf32, #tpu.memory_space<vmem>>
    %dma_start3A_73 = tpu.memref_squeeze %dma_start3A_72 : memref<1x128x128xf32, #tpu.memory_space<vmem>> -> memref<128x128xf32, #tpu.memory_space<vmem>>
    tpu.enqueue_dma source(%dma_start3A_73 : memref<128x128xf32, #tpu.memory_space<vmem>>) target(%dma_start3A_69 : memref<128x128xf32, #tpu.memory_space<vmem_shared>>) target_semaphore(%arg13 : memref<!tpu.dma_semaphore, #tpu.memory_space<semaphore_mem>>)
    %mul3A_74 = arith.constant 640 : i32
    %mul3A_75 = arith.muli %arg1, %mul3A_74 : i32
    %add3A_76 = arith.constant 512 : i32
    %add3A_77 = arith.addi %mul3A_75, %add3A_76 : i32
    %dma_start3A_78 = arith.constant 0 : i32
    %dma_start3A_79 = arith.constant 0 : i32
    %dma_start3A_80 = arith.constant 0 : i32
    %dma_start3A_81 = tpu.memref_slice %arg8[%dma_start3A_78, %dma_start3A_79, %dma_start3A_80] : memref<2x128x128xf32, #tpu.memory_space<vmem>> -> memref<1x128x128xf32, #tpu.memory_space<vmem>>
    %dma_start3A_82 = tpu.memref_squeeze %dma_start3A_81 : memref<1x128x128xf32, #tpu.memory_space<vmem>> -> memref<128x128xf32, #tpu.memory_space<vmem>>
    %dma_start3A_83 = arith.constant 0 : i32
    %dma_start3A_84 = tpu.memref_slice %arg9[%add3A_77, %dma_start3A_83] : memref<10240x128xf32, #tpu.memory_space<vmem_shared>> -> memref<128x128xf32, #tpu.memory_space<vmem_shared>>
    %dma_start3A_85 = arith.constant 0 : i32
    %dma_start3A_86 = tpu.memref_slice %arg9[%add3A_77, %dma_start3A_85] : memref<10240x128xf32, #tpu.memory_space<vmem_shared>> -> memref<128x128xf32, #tpu.memory_space<vmem_shared>>
    %dma_start3A_87 = arith.constant 0 : i32
    %dma_start3A_88 = arith.constant 0 : i32
    %dma_start3A_89 = tpu.memref_slice %arg8[%dma_start3A_78, %dma_start3A_87, %dma_start3A_88] : memref<2x128x128xf32, #tpu.memory_space<vmem>> -> memref<1x128x128xf32, #tpu.memory_space<vmem>>
    %dma_start3A_90 = tpu.memref_squeeze %dma_start3A_89 : memref<1x128x128xf32, #tpu.memory_space<vmem>> -> memref<128x128xf32, #tpu.memory_space<vmem>>
    tpu.enqueue_dma source(%dma_start3A_90 : memref<128x128xf32, #tpu.memory_space<vmem>>) target(%dma_start3A_86 : memref<128x128xf32, #tpu.memory_space<vmem_shared>>) target_semaphore(%arg13 : memref<!tpu.dma_semaphore, #tpu.memory_space<semaphore_mem>>)
    %lt3A = arith.constant 31 : i32
    %lt3A_91 = arith.cmpi slt, %add3A, %lt3A : i32
    %convert_element_type3A = arith.extui %lt3A_91 : i1 to i32
    %cond3A = arith.constant 0 : i32
    %cond3A_92 = arith.cmpi ne, %convert_element_type3A, %cond3A : i32
    scf.if %cond3A_92 {
      %run_scoped3A = arith.constant 0 : i32
      "tpu.region"() ({
        %run_scoped3A_354 = tpu.sem_alloc : memref<!tpu.dma_semaphore, #tpu.memory_space<semaphore_mem>>
        %dma_start3A_355 = arith.constant 0 : i32
        %dma_start3A_356 = tpu.memref_slice %arg3[%run_scoped3A, %mul3A_2, %dma_start3A_355] : memref<2x2500x128xi32, #tpu.memory_space<hbm>> -> memref<1x80x128xi32, #tpu.memory_space<hbm>>
        %dma_start3A_357 = tpu.memref_squeeze %dma_start3A_356 : memref<1x80x128xi32, #tpu.memory_space<hbm>> -> memref<80x128xi32, #tpu.memory_space<hbm>>
        %dma_start3A_358 = arith.constant 0 : i32
        %dma_start3A_359 = tpu.memref_slice %arg3[%run_scoped3A, %mul3A_2, %dma_start3A_358] : memref<2x2500x128xi32, #tpu.memory_space<hbm>> -> memref<1x80x128xi32, #tpu.memory_space<hbm>>
        %dma_start3A_360 = tpu.memref_squeeze %dma_start3A_359 : memref<1x80x128xi32, #tpu.memory_space<hbm>> -> memref<80x128xi32, #tpu.memory_space<hbm>>
        tpu.enqueue_dma source(%dma_start3A_360 : memref<80x128xi32, #tpu.memory_space<hbm>>) target(%arg6 : memref<80x128xi32, #tpu.memory_space<vmem>>) target_semaphore(%run_scoped3A_354 : memref<!tpu.dma_semaphore, #tpu.memory_space<semaphore_mem>>)
        %dma_wait3A_361 = arith.constant 0 : i32
        %dma_wait3A_362 = tpu.memref_slice %arg3[%run_scoped3A, %mul3A_2, %dma_wait3A_361] : memref<2x2500x128xi32, #tpu.memory_space<hbm>> -> memref<1x80x128xi32, #tpu.memory_space<hbm>>
        %dma_wait3A_363 = tpu.memref_squeeze %dma_wait3A_362 : memref<1x80x128xi32, #tpu.memory_space<hbm>> -> memref<80x128xi32, #tpu.memory_space<hbm>>
        %dma_wait3A_364 = arith.constant 0 : i32
        %dma_wait3A_365 = tpu.memref_slice %arg3[%run_scoped3A, %mul3A_2, %dma_wait3A_364] : memref<2x2500x128xi32, #tpu.memory_space<hbm>> -> memref<1x80x128xi32, #tpu.memory_space<hbm>>
        %dma_wait3A_366 = tpu.memref_squeeze %dma_wait3A_365 : memref<1x80x128xi32, #tpu.memory_space<hbm>> -> memref<80x128xi32, #tpu.memory_space<hbm>>
        tpu.wait_dma2 semaphore(%run_scoped3A_354 : memref<!tpu.dma_semaphore, #tpu.memory_space<semaphore_mem>>) src(%dma_wait3A_366 : memref<80x128xi32, #tpu.memory_space<hbm>>) dst(%arg6 : memref<80x128xi32, #tpu.memory_space<vmem>>)
        tpu.yield
      }) : () -> ()
    } else {
    }
    %eq3A = arith.constant 31 : i32
    %eq3A_93 = arith.cmpi eq, %add3A, %eq3A : i32
    %convert_element_type3A_94 = arith.extui %eq3A_93 : i1 to i32
    %cond3A_95 = arith.constant 0 : i32
    %cond3A_96 = arith.cmpi ne, %convert_element_type3A_94, %cond3A_95 : i32
    scf.if %cond3A_96 {
      %run_scoped3A = arith.constant 0 : i32
      "tpu.region"() ({
        %run_scoped3A_354 = tpu.sem_alloc : memref<!tpu.dma_semaphore, #tpu.memory_space<semaphore_mem>>
        %dma_start3A_355 = arith.constant 0 : i32
        %dma_start3A_356 = arith.constant 0 : i32
        %dma_start3A_357 = tpu.memref_slice %arg4[%run_scoped3A, %dma_start3A_355, %dma_start3A_356] : memref<2x80x128xi32, #tpu.memory_space<hbm>> -> memref<1x80x128xi32, #tpu.memory_space<hbm>>
        %dma_start3A_358 = tpu.memref_squeeze %dma_start3A_357 : memref<1x80x128xi32, #tpu.memory_space<hbm>> -> memref<80x128xi32, #tpu.memory_space<hbm>>
        %dma_start3A_359 = arith.constant 0 : i32
        %dma_start3A_360 = arith.constant 0 : i32
        %dma_start3A_361 = tpu.memref_slice %arg4[%run_scoped3A, %dma_start3A_359, %dma_start3A_360] : memref<2x80x128xi32, #tpu.memory_space<hbm>> -> memref<1x80x128xi32, #tpu.memory_space<hbm>>
        %dma_start3A_362 = tpu.memref_squeeze %dma_start3A_361 : memref<1x80x128xi32, #tpu.memory_space<hbm>> -> memref<80x128xi32, #tpu.memory_space<hbm>>
        tpu.enqueue_dma source(%dma_start3A_362 : memref<80x128xi32, #tpu.memory_space<hbm>>) target(%arg6 : memref<80x128xi32, #tpu.memory_space<vmem>>) target_semaphore(%run_scoped3A_354 : memref<!tpu.dma_semaphore, #tpu.memory_space<semaphore_mem>>)
        %dma_wait3A_363 = arith.constant 0 : i32
        %dma_wait3A_364 = arith.constant 0 : i32
        %dma_wait3A_365 = tpu.memref_slice %arg4[%run_scoped3A, %dma_wait3A_363, %dma_wait3A_364] : memref<2x80x128xi32, #tpu.memory_space<hbm>> -> memref<1x80x128xi32, #tpu.memory_space<hbm>>
        %dma_wait3A_366 = tpu.memref_squeeze %dma_wait3A_365 : memref<1x80x128xi32, #tpu.memory_space<hbm>> -> memref<80x128xi32, #tpu.memory_space<hbm>>
        %dma_wait3A_367 = arith.constant 0 : i32
        %dma_wait3A_368 = arith.constant 0 : i32
        %dma_wait3A_369 = tpu.memref_slice %arg4[%run_scoped3A, %dma_wait3A_367, %dma_wait3A_368] : memref<2x80x128xi32, #tpu.memory_space<hbm>> -> memref<1x80x128xi32, #tpu.memory_space<hbm>>
        %dma_wait3A_370 = tpu.memref_squeeze %dma_wait3A_369 : memref<1x80x128xi32, #tpu.memory_space<hbm>> -> memref<80x128xi32, #tpu.memory_space<hbm>>
        tpu.wait_dma2 semaphore(%run_scoped3A_354 : memref<!tpu.dma_semaphore, #tpu.memory_space<semaphore_mem>>) src(%dma_wait3A_370 : memref<80x128xi32, #tpu.memory_space<hbm>>) dst(%arg6 : memref<80x128xi32, #tpu.memory_space<vmem>>)
        tpu.yield
      }) : () -> ()
    } else {
    }
    %lt3A_97 = arith.constant 31 : i32
    %lt3A_98 = arith.cmpi slt, %add3A, %lt3A_97 : i32
    %convert_element_type3A_99 = arith.extui %lt3A_98 : i1 to i32
    %cond3A_100 = arith.constant 0 : i32
    %cond3A_101 = arith.constant 0 : i32
    %cond3A_102 = arith.cmpi ne, %convert_element_type3A_99, %cond3A_101 : i32
    scf.if %cond3A_102 {
      %add3A_354 = arith.constant 0 : i32
      %add3A_355 = arith.addi %mul3A_2, %add3A_354 : i32
      %run_scoped3A = arith.constant 1 : i32
      "tpu.region"() ({
        %run_scoped3A_356 = tpu.sem_alloc : memref<!tpu.dma_semaphore, #tpu.memory_space<semaphore_mem>>
        %dma_start3A_357 = arith.constant 0 : i32
        %dma_start3A_358 = arith.constant 0 : i32
        %dma_start3A_359 = tpu.memref_slice %arg7[%cond3A_100, %dma_start3A_357, %dma_start3A_358] : memref<2x8x128xi32, #tpu.memory_space<vmem>> -> memref<1x8x128xi32, #tpu.memory_space<vmem>>
        %dma_start3A_360 = tpu.memref_squeeze %dma_start3A_359 : memref<1x8x128xi32, #tpu.memory_space<vmem>> -> memref<8x128xi32, #tpu.memory_space<vmem>>
        %dma_start3A_361 = arith.constant 0 : i32
        %dma_start3A_362 = tpu.memref_slice %arg3[%run_scoped3A, %add3A_355, %dma_start3A_361] : memref<2x2500x128xi32, #tpu.memory_space<hbm>> -> memref<1x8x128xi32, #tpu.memory_space<hbm>>
        %dma_start3A_363 = tpu.memref_squeeze %dma_start3A_362 : memref<1x8x128xi32, #tpu.memory_space<hbm>> -> memref<8x128xi32, #tpu.memory_space<hbm>>
        %dma_start3A_364 = arith.constant 0 : i32
        %dma_start3A_365 = arith.constant 0 : i32
        %dma_start3A_366 = tpu.memref_slice %arg7[%cond3A_100, %dma_start3A_364, %dma_start3A_365] : memref<2x8x128xi32, #tpu.memory_space<vmem>> -> memref<1x8x128xi32, #tpu.memory_space<vmem>>
        %dma_start3A_367 = tpu.memref_squeeze %dma_start3A_366 : memref<1x8x128xi32, #tpu.memory_space<vmem>> -> memref<8x128xi32, #tpu.memory_space<vmem>>
        %dma_start3A_368 = arith.constant 0 : i32
        %dma_start3A_369 = tpu.memref_slice %arg3[%run_scoped3A, %add3A_355, %dma_start3A_368] : memref<2x2500x128xi32, #tpu.memory_space<hbm>> -> memref<1x8x128xi32, #tpu.memory_space<hbm>>
        %dma_start3A_370 = tpu.memref_squeeze %dma_start3A_369 : memref<1x8x128xi32, #tpu.memory_space<hbm>> -> memref<8x128xi32, #tpu.memory_space<hbm>>
        tpu.enqueue_dma source(%dma_start3A_370 : memref<8x128xi32, #tpu.memory_space<hbm>>) target(%dma_start3A_367 : memref<8x128xi32, #tpu.memory_space<vmem>>) target_semaphore(%run_scoped3A_356 : memref<!tpu.dma_semaphore, #tpu.memory_space<semaphore_mem>>)
        %dma_wait3A_371 = arith.constant 0 : i32
        %dma_wait3A_372 = arith.constant 0 : i32
        %dma_wait3A_373 = tpu.memref_slice %arg7[%cond3A_100, %dma_wait3A_371, %dma_wait3A_372] : memref<2x8x128xi32, #tpu.memory_space<vmem>> -> memref<1x8x128xi32, #tpu.memory_space<vmem>>
        %dma_wait3A_374 = tpu.memref_squeeze %dma_wait3A_373 : memref<1x8x128xi32, #tpu.memory_space<vmem>> -> memref<8x128xi32, #tpu.memory_space<vmem>>
        %dma_wait3A_375 = arith.constant 0 : i32
        %dma_wait3A_376 = tpu.memref_slice %arg3[%run_scoped3A, %add3A_355, %dma_wait3A_375] : memref<2x2500x128xi32, #tpu.memory_space<hbm>> -> memref<1x8x128xi32, #tpu.memory_space<hbm>>
        %dma_wait3A_377 = tpu.memref_squeeze %dma_wait3A_376 : memref<1x8x128xi32, #tpu.memory_space<hbm>> -> memref<8x128xi32, #tpu.memory_space<hbm>>
        %dma_wait3A_378 = arith.constant 0 : i32
        %dma_wait3A_379 = arith.constant 0 : i32
        %dma_wait3A_380 = tpu.memref_slice %arg7[%cond3A_100, %dma_wait3A_378, %dma_wait3A_379] : memref<2x8x128xi32, #tpu.memory_space<vmem>> -> memref<1x8x128xi32, #tpu.memory_space<vmem>>
        %dma_wait3A_381 = tpu.memref_squeeze %dma_wait3A_380 : memref<1x8x128xi32, #tpu.memory_space<vmem>> -> memref<8x128xi32, #tpu.memory_space<vmem>>
        %dma_wait3A_382 = arith.constant 0 : i32
        %dma_wait3A_383 = tpu.memref_slice %arg3[%run_scoped3A, %add3A_355, %dma_wait3A_382] : memref<2x2500x128xi32, #tpu.memory_space<hbm>> -> memref<1x8x128xi32, #tpu.memory_space<hbm>>
        %dma_wait3A_384 = tpu.memref_squeeze %dma_wait3A_383 : memref<1x8x128xi32, #tpu.memory_space<hbm>> -> memref<8x128xi32, #tpu.memory_space<hbm>>
        tpu.wait_dma2 semaphore(%run_scoped3A_356 : memref<!tpu.dma_semaphore, #tpu.memory_space<semaphore_mem>>) src(%dma_wait3A_384 : memref<8x128xi32, #tpu.memory_space<hbm>>) dst(%dma_wait3A_381 : memref<8x128xi32, #tpu.memory_space<vmem>>)
        tpu.yield
      }) : () -> ()
    } else {
    }
    %eq3A_103 = arith.constant 31 : i32
    %eq3A_104 = arith.cmpi eq, %add3A, %eq3A_103 : i32
    %convert_element_type3A_105 = arith.extui %eq3A_104 : i1 to i32
    %cond3A_106 = arith.constant 0 : i32
    %cond3A_107 = arith.constant 0 : i32
    %cond3A_108 = arith.cmpi ne, %convert_element_type3A_105, %cond3A_107 : i32
    scf.if %cond3A_108 {
      %run_scoped3A = arith.constant 1 : i32
      "tpu.region"() ({
        %run_scoped3A_354 = tpu.sem_alloc : memref<!tpu.dma_semaphore, #tpu.memory_space<semaphore_mem>>
        %dma_start3A_355 = arith.constant 0 : i32
        %dma_start3A_356 = arith.constant 0 : i32
        %dma_start3A_357 = tpu.memref_slice %arg7[%cond3A_106, %dma_start3A_355, %dma_start3A_356] : memref<2x8x128xi32, #tpu.memory_space<vmem>> -> memref<1x8x128xi32, #tpu.memory_space<vmem>>
        %dma_start3A_358 = tpu.memref_squeeze %dma_start3A_357 : memref<1x8x128xi32, #tpu.memory_space<vmem>> -> memref<8x128xi32, #tpu.memory_space<vmem>>
        %dma_start3A_359 = arith.constant 0 : i32
        %dma_start3A_360 = arith.constant 0 : i32
        %dma_start3A_361 = tpu.memref_slice %arg4[%run_scoped3A, %dma_start3A_359, %dma_start3A_360] : memref<2x80x128xi32, #tpu.memory_space<hbm>> -> memref<1x8x128xi32, #tpu.memory_space<hbm>>
        %dma_start3A_362 = tpu.memref_squeeze %dma_start3A_361 : memref<1x8x128xi32, #tpu.memory_space<hbm>> -> memref<8x128xi32, #tpu.memory_space<hbm>>
        %dma_start3A_363 = arith.constant 0 : i32
        %dma_start3A_364 = arith.constant 0 : i32
        %dma_start3A_365 = tpu.memref_slice %arg7[%cond3A_106, %dma_start3A_363, %dma_start3A_364] : memref<2x8x128xi32, #tpu.memory_space<vmem>> -> memref<1x8x128xi32, #tpu.memory_space<vmem>>
        %dma_start3A_366 = tpu.memref_squeeze %dma_start3A_365 : memref<1x8x128xi32, #tpu.memory_space<vmem>> -> memref<8x128xi32, #tpu.memory_space<vmem>>
        %dma_start3A_367 = arith.constant 0 : i32
        %dma_start3A_368 = arith.constant 0 : i32
        %dma_start3A_369 = tpu.memref_slice %arg4[%run_scoped3A, %dma_start3A_367, %dma_start3A_368] : memref<2x80x128xi32, #tpu.memory_space<hbm>> -> memref<1x8x128xi32, #tpu.memory_space<hbm>>
        %dma_start3A_370 = tpu.memref_squeeze %dma_start3A_369 : memref<1x8x128xi32, #tpu.memory_space<hbm>> -> memref<8x128xi32, #tpu.memory_space<hbm>>
        tpu.enqueue_dma source(%dma_start3A_370 : memref<8x128xi32, #tpu.memory_space<hbm>>) target(%dma_start3A_366 : memref<8x128xi32, #tpu.memory_space<vmem>>) target_semaphore(%run_scoped3A_354 : memref<!tpu.dma_semaphore, #tpu.memory_space<semaphore_mem>>)
        %dma_wait3A_371 = arith.constant 0 : i32
        %dma_wait3A_372 = arith.constant 0 : i32
        %dma_wait3A_373 = tpu.memref_slice %arg7[%cond3A_106, %dma_wait3A_371, %dma_wait3A_372] : memref<2x8x128xi32, #tpu.memory_space<vmem>> -> memref<1x8x128xi32, #tpu.memory_space<vmem>>
        %dma_wait3A_374 = tpu.memref_squeeze %dma_wait3A_373 : memref<1x8x128xi32, #tpu.memory_space<vmem>> -> memref<8x128xi32, #tpu.memory_space<vmem>>
        %dma_wait3A_375 = arith.constant 0 : i32
        %dma_wait3A_376 = arith.constant 0 : i32
        %dma_wait3A_377 = tpu.memref_slice %arg4[%run_scoped3A, %dma_wait3A_375, %dma_wait3A_376] : memref<2x80x128xi32, #tpu.memory_space<hbm>> -> memref<1x8x128xi32, #tpu.memory_space<hbm>>
        %dma_wait3A_378 = tpu.memref_squeeze %dma_wait3A_377 : memref<1x8x128xi32, #tpu.memory_space<hbm>> -> memref<8x128xi32, #tpu.memory_space<hbm>>
        %dma_wait3A_379 = arith.constant 0 : i32
        %dma_wait3A_380 = arith.constant 0 : i32
        %dma_wait3A_381 = tpu.memref_slice %arg7[%cond3A_106, %dma_wait3A_379, %dma_wait3A_380] : memref<2x8x128xi32, #tpu.memory_space<vmem>> -> memref<1x8x128xi32, #tpu.memory_space<vmem>>
        %dma_wait3A_382 = tpu.memref_squeeze %dma_wait3A_381 : memref<1x8x128xi32, #tpu.memory_space<vmem>> -> memref<8x128xi32, #tpu.memory_space<vmem>>
        %dma_wait3A_383 = arith.constant 0 : i32
        %dma_wait3A_384 = arith.constant 0 : i32
        %dma_wait3A_385 = tpu.memref_slice %arg4[%run_scoped3A, %dma_wait3A_383, %dma_wait3A_384] : memref<2x80x128xi32, #tpu.memory_space<hbm>> -> memref<1x8x128xi32, #tpu.memory_space<hbm>>
        %dma_wait3A_386 = tpu.memref_squeeze %dma_wait3A_385 : memref<1x8x128xi32, #tpu.memory_space<hbm>> -> memref<8x128xi32, #tpu.memory_space<hbm>>
        tpu.wait_dma2 semaphore(%run_scoped3A_354 : memref<!tpu.dma_semaphore, #tpu.memory_space<semaphore_mem>>) src(%dma_wait3A_386 : memref<8x128xi32, #tpu.memory_space<hbm>>) dst(%dma_wait3A_382 : memref<8x128xi32, #tpu.memory_space<vmem>>)
        tpu.yield
      }) : () -> ()
    } else {
    }
    %mul3A_109 = arith.constant 640 : i32
    %mul3A_110 = arith.muli %arg1, %mul3A_109 : i32
    %add3A_111 = arith.constant 0 : i32
    %add3A_112 = arith.addi %mul3A_110, %add3A_111 : i32
    %dma_wait3A = arith.constant 0 : i32
    %dma_wait3A_113 = arith.constant 0 : i32
    %dma_wait3A_114 = arith.constant 0 : i32
    %dma_wait3A_115 = tpu.memref_slice %arg8[%dma_wait3A, %dma_wait3A_113, %dma_wait3A_114] : memref<2x128x128xf32, #tpu.memory_space<vmem>> -> memref<1x128x128xf32, #tpu.memory_space<vmem>>
    %dma_wait3A_116 = tpu.memref_squeeze %dma_wait3A_115 : memref<1x128x128xf32, #tpu.memory_space<vmem>> -> memref<128x128xf32, #tpu.memory_space<vmem>>
    %dma_wait3A_117 = arith.constant 0 : i32
    %dma_wait3A_118 = tpu.memref_slice %arg9[%add3A_112, %dma_wait3A_117] : memref<10240x128xf32, #tpu.memory_space<vmem_shared>> -> memref<128x128xf32, #tpu.memory_space<vmem_shared>>
    %dma_wait3A_119 = arith.constant 0 : i32
    %dma_wait3A_120 = tpu.memref_slice %arg9[%add3A_112, %dma_wait3A_119] : memref<10240x128xf32, #tpu.memory_space<vmem_shared>> -> memref<128x128xf32, #tpu.memory_space<vmem_shared>>
    %dma_wait3A_121 = arith.constant 0 : i32
    %dma_wait3A_122 = arith.constant 0 : i32
    %dma_wait3A_123 = tpu.memref_slice %arg8[%dma_wait3A, %dma_wait3A_121, %dma_wait3A_122] : memref<2x128x128xf32, #tpu.memory_space<vmem>> -> memref<1x128x128xf32, #tpu.memory_space<vmem>>
    %dma_wait3A_124 = tpu.memref_squeeze %dma_wait3A_123 : memref<1x128x128xf32, #tpu.memory_space<vmem>> -> memref<128x128xf32, #tpu.memory_space<vmem>>
    tpu.wait_dma2 semaphore(%arg13 : memref<!tpu.dma_semaphore, #tpu.memory_space<semaphore_mem>>) src(%dma_wait3A_124 : memref<128x128xf32, #tpu.memory_space<vmem>>) dst(%dma_wait3A_120 : memref<128x128xf32, #tpu.memory_space<vmem_shared>>)
    %mul3A_125 = arith.constant 640 : i32
    %mul3A_126 = arith.muli %arg1, %mul3A_125 : i32
    %add3A_127 = arith.constant 128 : i32
    %add3A_128 = arith.addi %mul3A_126, %add3A_127 : i32
    %dma_wait3A_129 = arith.constant 0 : i32
    %dma_wait3A_130 = arith.constant 0 : i32
    %dma_wait3A_131 = arith.constant 0 : i32
    %dma_wait3A_132 = tpu.memref_slice %arg8[%dma_wait3A_129, %dma_wait3A_130, %dma_wait3A_131] : memref<2x128x128xf32, #tpu.memory_space<vmem>> -> memref<1x128x128xf32, #tpu.memory_space<vmem>>
    %dma_wait3A_133 = tpu.memref_squeeze %dma_wait3A_132 : memref<1x128x128xf32, #tpu.memory_space<vmem>> -> memref<128x128xf32, #tpu.memory_space<vmem>>
    %dma_wait3A_134 = arith.constant 0 : i32
    %dma_wait3A_135 = tpu.memref_slice %arg9[%add3A_128, %dma_wait3A_134] : memref<10240x128xf32, #tpu.memory_space<vmem_shared>> -> memref<128x128xf32, #tpu.memory_space<vmem_shared>>
    %dma_wait3A_136 = arith.constant 0 : i32
    %dma_wait3A_137 = tpu.memref_slice %arg9[%add3A_128, %dma_wait3A_136] : memref<10240x128xf32, #tpu.memory_space<vmem_shared>> -> memref<128x128xf32, #tpu.memory_space<vmem_shared>>
    %dma_wait3A_138 = arith.constant 0 : i32
    %dma_wait3A_139 = arith.constant 0 : i32
    %dma_wait3A_140 = tpu.memref_slice %arg8[%dma_wait3A_129, %dma_wait3A_138, %dma_wait3A_139] : memref<2x128x128xf32, #tpu.memory_space<vmem>> -> memref<1x128x128xf32, #tpu.memory_space<vmem>>
    %dma_wait3A_141 = tpu.memref_squeeze %dma_wait3A_140 : memref<1x128x128xf32, #tpu.memory_space<vmem>> -> memref<128x128xf32, #tpu.memory_space<vmem>>
    tpu.wait_dma2 semaphore(%arg13 : memref<!tpu.dma_semaphore, #tpu.memory_space<semaphore_mem>>) src(%dma_wait3A_141 : memref<128x128xf32, #tpu.memory_space<vmem>>) dst(%dma_wait3A_137 : memref<128x128xf32, #tpu.memory_space<vmem_shared>>)
    %mul3A_142 = arith.constant 640 : i32
    %mul3A_143 = arith.muli %arg1, %mul3A_142 : i32
    %add3A_144 = arith.constant 256 : i32
    %add3A_145 = arith.addi %mul3A_143, %add3A_144 : i32
    %dma_wait3A_146 = arith.constant 0 : i32
    %dma_wait3A_147 = arith.constant 0 : i32
    %dma_wait3A_148 = arith.constant 0 : i32
    %dma_wait3A_149 = tpu.memref_slice %arg8[%dma_wait3A_146, %dma_wait3A_147, %dma_wait3A_148] : memref<2x128x128xf32, #tpu.memory_space<vmem>> -> memref<1x128x128xf32, #tpu.memory_space<vmem>>
    %dma_wait3A_150 = tpu.memref_squeeze %dma_wait3A_149 : memref<1x128x128xf32, #tpu.memory_space<vmem>> -> memref<128x128xf32, #tpu.memory_space<vmem>>
    %dma_wait3A_151 = arith.constant 0 : i32
    %dma_wait3A_152 = tpu.memref_slice %arg9[%add3A_145, %dma_wait3A_151] : memref<10240x128xf32, #tpu.memory_space<vmem_shared>> -> memref<128x128xf32, #tpu.memory_space<vmem_shared>>
    %dma_wait3A_153 = arith.constant 0 : i32
    %dma_wait3A_154 = tpu.memref_slice %arg9[%add3A_145, %dma_wait3A_153] : memref<10240x128xf32, #tpu.memory_space<vmem_shared>> -> memref<128x128xf32, #tpu.memory_space<vmem_shared>>
    %dma_wait3A_155 = arith.constant 0 : i32
    %dma_wait3A_156 = arith.constant 0 : i32
    %dma_wait3A_157 = tpu.memref_slice %arg8[%dma_wait3A_146, %dma_wait3A_155, %dma_wait3A_156] : memref<2x128x128xf32, #tpu.memory_space<vmem>> -> memref<1x128x128xf32, #tpu.memory_space<vmem>>
    %dma_wait3A_158 = tpu.memref_squeeze %dma_wait3A_157 : memref<1x128x128xf32, #tpu.memory_space<vmem>> -> memref<128x128xf32, #tpu.memory_space<vmem>>
    tpu.wait_dma2 semaphore(%arg13 : memref<!tpu.dma_semaphore, #tpu.memory_space<semaphore_mem>>) src(%dma_wait3A_158 : memref<128x128xf32, #tpu.memory_space<vmem>>) dst(%dma_wait3A_154 : memref<128x128xf32, #tpu.memory_space<vmem_shared>>)
    %mul3A_159 = arith.constant 640 : i32
    %mul3A_160 = arith.muli %arg1, %mul3A_159 : i32
    %add3A_161 = arith.constant 384 : i32
    %add3A_162 = arith.addi %mul3A_160, %add3A_161 : i32
    %dma_wait3A_163 = arith.constant 0 : i32
    %dma_wait3A_164 = arith.constant 0 : i32
    %dma_wait3A_165 = arith.constant 0 : i32
    %dma_wait3A_166 = tpu.memref_slice %arg8[%dma_wait3A_163, %dma_wait3A_164, %dma_wait3A_165] : memref<2x128x128xf32, #tpu.memory_space<vmem>> -> memref<1x128x128xf32, #tpu.memory_space<vmem>>
    %dma_wait3A_167 = tpu.memref_squeeze %dma_wait3A_166 : memref<1x128x128xf32, #tpu.memory_space<vmem>> -> memref<128x128xf32, #tpu.memory_space<vmem>>
    %dma_wait3A_168 = arith.constant 0 : i32
    %dma_wait3A_169 = tpu.memref_slice %arg9[%add3A_162, %dma_wait3A_168] : memref<10240x128xf32, #tpu.memory_space<vmem_shared>> -> memref<128x128xf32, #tpu.memory_space<vmem_shared>>
    %dma_wait3A_170 = arith.constant 0 : i32
    %dma_wait3A_171 = tpu.memref_slice %arg9[%add3A_162, %dma_wait3A_170] : memref<10240x128xf32, #tpu.memory_space<vmem_shared>> -> memref<128x128xf32, #tpu.memory_space<vmem_shared>>
    %dma_wait3A_172 = arith.constant 0 : i32
    %dma_wait3A_173 = arith.constant 0 : i32
    %dma_wait3A_174 = tpu.memref_slice %arg8[%dma_wait3A_163, %dma_wait3A_172, %dma_wait3A_173] : memref<2x128x128xf32, #tpu.memory_space<vmem>> -> memref<1x128x128xf32, #tpu.memory_space<vmem>>
    %dma_wait3A_175 = tpu.memref_squeeze %dma_wait3A_174 : memref<1x128x128xf32, #tpu.memory_space<vmem>> -> memref<128x128xf32, #tpu.memory_space<vmem>>
    tpu.wait_dma2 semaphore(%arg13 : memref<!tpu.dma_semaphore, #tpu.memory_space<semaphore_mem>>) src(%dma_wait3A_175 : memref<128x128xf32, #tpu.memory_space<vmem>>) dst(%dma_wait3A_171 : memref<128x128xf32, #tpu.memory_space<vmem_shared>>)
    %mul3A_176 = arith.constant 640 : i32
    %mul3A_177 = arith.muli %arg1, %mul3A_176 : i32
    %add3A_178 = arith.constant 512 : i32
    %add3A_179 = arith.addi %mul3A_177, %add3A_178 : i32
    %dma_wait3A_180 = arith.constant 0 : i32
    %dma_wait3A_181 = arith.constant 0 : i32
    %dma_wait3A_182 = arith.constant 0 : i32
    %dma_wait3A_183 = tpu.memref_slice %arg8[%dma_wait3A_180, %dma_wait3A_181, %dma_wait3A_182] : memref<2x128x128xf32, #tpu.memory_space<vmem>> -> memref<1x128x128xf32, #tpu.memory_space<vmem>>
    %dma_wait3A_184 = tpu.memref_squeeze %dma_wait3A_183 : memref<1x128x128xf32, #tpu.memory_space<vmem>> -> memref<128x128xf32, #tpu.memory_space<vmem>>
    %dma_wait3A_185 = arith.constant 0 : i32
    %dma_wait3A_186 = tpu.memref_slice %arg9[%add3A_179, %dma_wait3A_185] : memref<10240x128xf32, #tpu.memory_space<vmem_shared>> -> memref<128x128xf32, #tpu.memory_space<vmem_shared>>
    %dma_wait3A_187 = arith.constant 0 : i32
    %dma_wait3A_188 = tpu.memref_slice %arg9[%add3A_179, %dma_wait3A_187] : memref<10240x128xf32, #tpu.memory_space<vmem_shared>> -> memref<128x128xf32, #tpu.memory_space<vmem_shared>>
    %dma_wait3A_189 = arith.constant 0 : i32
    %dma_wait3A_190 = arith.constant 0 : i32
    %dma_wait3A_191 = tpu.memref_slice %arg8[%dma_wait3A_180, %dma_wait3A_189, %dma_wait3A_190] : memref<2x128x128xf32, #tpu.memory_space<vmem>> -> memref<1x128x128xf32, #tpu.memory_space<vmem>>
    %dma_wait3A_192 = tpu.memref_squeeze %dma_wait3A_191 : memref<1x128x128xf32, #tpu.memory_space<vmem>> -> memref<128x128xf32, #tpu.memory_space<vmem>>
    tpu.wait_dma2 semaphore(%arg13 : memref<!tpu.dma_semaphore, #tpu.memory_space<semaphore_mem>>) src(%dma_wait3A_192 : memref<128x128xf32, #tpu.memory_space<vmem>>) dst(%dma_wait3A_188 : memref<128x128xf32, #tpu.memory_space<vmem_shared>>)
    %barrier3A = arith.constant 0 : index
    tpu.barrier barrier_id(%barrier3A)
    %dma_start3A_193 = arith.constant 0 : i32
    %dma_start3A_194 = arith.constant 0 : i32
    %dma_start3A_195 = arith.constant 0 : i32
    %dma_start3A_196 = arith.constant 0 : i32
    %dma_start3A_197 = tpu.memref_slice %arg8[%dma_start3A_194, %dma_start3A_195, %dma_start3A_196] : memref<2x128x128xf32, #tpu.memory_space<vmem>> -> memref<1x128x128xf32, #tpu.memory_space<vmem>>
    %dma_start3A_198 = tpu.memref_squeeze %dma_start3A_197 : memref<1x128x128xf32, #tpu.memory_space<vmem>> -> memref<128x128xf32, #tpu.memory_space<vmem>>
    %dma_start3A_199 = arith.constant 0 : i32
    %dma_start3A_200 = tpu.memref_slice %arg6[%dma_start3A_193, %dma_start3A_199] : memref<80x128xi32, #tpu.memory_space<vmem>> -> memref<1x128xi32, #tpu.memory_space<vmem>>
    %dma_start3A_201 = tpu.memref_squeeze %dma_start3A_200 : memref<1x128xi32, #tpu.memory_space<vmem>> -> memref<128xi32, #tpu.memory_space<vmem>>
    %dma_start3A_202 = arith.constant 0 : i32
    %dma_start3A_203 = arith.constant 0 : i32
    %dma_start3A_204 = tpu.memref_slice %arg2[%dma_start3A_202, %dma_start3A_203] : memref<10000x128xf32, #tpu.memory_space<hbm>> -> memref<10000x128xf32, #tpu.memory_space<hbm>>
    tpu.enqueue_indirect_dma source(%dma_start3A_204 : memref<10000x128xf32, #tpu.memory_space<hbm>>) target(%dma_start3A_198 : memref<128x128xf32, #tpu.memory_space<vmem>>) offsets(%dma_start3A_201 : memref<128xi32, #tpu.memory_space<vmem>>) semaphore(%arg10 : memref<!tpu.dma_semaphore, #tpu.memory_space<semaphore_mem>>)
    %scan3A_205 = arith.constant 0 : i32
    %scan3A_206 = arith.constant 5 : i32
    %scan3A_207 = arith.addi %scan3A_205, %scan3A_206 : i32
    %scan3A_208 = arith.constant 1 : i32
    scf.for %scan3A_354 = %scan3A_205 to %scan3A_207 step %scan3A_208  : i32 {
      %mul3A_355 = arith.constant 1 : i32
      %mul3A_356 = arith.muli %scan3A_354, %mul3A_355 : i32
      %add3A_357 = arith.constant 0 : i32
      %add3A_358 = arith.addi %add3A_357, %mul3A_356 : i32
      %mul3A_359 = arith.constant 2 : i32
      %mul3A_360 = arith.muli %add3A_358, %mul3A_359 : i32
      %add3A_361 = arith.constant 0 : i32
      %add3A_362 = arith.addi %mul3A_360, %add3A_361 : i32
      %gt3A = arith.constant 0 : i32
      %gt3A_363 = arith.cmpi sgt, %add3A_362, %gt3A : i32
      %convert_element_type3A_364 = arith.extui %gt3A_363 : i1 to i32
      %cond3A_365 = arith.constant 0 : i32
      %cond3A_366 = arith.cmpi ne, %convert_element_type3A_364, %cond3A_365 : i32
      scf.if %cond3A_366 {
        %dma_wait3A_1233 = arith.constant 1 : i32
        %dma_wait3A_1234 = arith.constant 1 : i32
        %dma_wait3A_1235 = arith.constant 7 : i32
        %dma_wait3A_1236 = arith.constant 0 : i32
        %dma_wait3A_1237 = arith.constant 0 : i32
        %dma_wait3A_1238 = tpu.memref_slice %arg8[%dma_wait3A_1233, %dma_wait3A_1236, %dma_wait3A_1237] : memref<2x128x128xf32, #tpu.memory_space<vmem>> -> memref<1x128x128xf32, #tpu.memory_space<vmem>>
        %dma_wait3A_1239 = tpu.memref_squeeze %dma_wait3A_1238 : memref<1x128x128xf32, #tpu.memory_space<vmem>> -> memref<128x128xf32, #tpu.memory_space<vmem>>
        %dma_wait3A_1240 = arith.constant 0 : i32
        %dma_wait3A_1241 = tpu.memref_slice %arg7[%dma_wait3A_1234, %dma_wait3A_1235, %dma_wait3A_1240] : memref<2x8x128xi32, #tpu.memory_space<vmem>> -> memref<1x1x128xi32, #tpu.memory_space<vmem>>
        %dma_wait3A_1242 = tpu.memref_squeeze %dma_wait3A_1241 : memref<1x1x128xi32, #tpu.memory_space<vmem>> -> memref<128xi32, #tpu.memory_space<vmem>>
        %dma_wait3A_1243 = arith.constant 0 : i32
        %dma_wait3A_1244 = arith.constant 0 : i32
        %dma_wait3A_1245 = tpu.memref_slice %arg9[%dma_wait3A_1243, %dma_wait3A_1244] : memref<10240x128xf32, #tpu.memory_space<vmem_shared>> -> memref<10240x128xf32, #tpu.memory_space<vmem_shared>>
        tpu.wait_indirect_dma semaphore(%arg14 : memref<!tpu.dma_semaphore, #tpu.memory_space<semaphore_mem>>) src(%dma_wait3A_1239 : memref<128x128xf32, #tpu.memory_space<vmem>>) dst(%dma_wait3A_1245 : memref<10240x128xf32, #tpu.memory_space<vmem_shared>>)
      } else {
      }
      %gt3A_367 = arith.constant 0 : i32
      %gt3A_368 = arith.cmpi sgt, %add3A_362, %gt3A_367 : i32
      %convert_element_type3A_369 = arith.extui %gt3A_368 : i1 to i32
      %cond3A_370 = arith.constant 0 : i32
      %cond3A_371 = arith.cmpi ne, %convert_element_type3A_369, %cond3A_370 : i32
      scf.if %cond3A_371 {
        %lt3A_1233 = arith.constant 31 : i32
        %lt3A_1234 = arith.cmpi slt, %add3A, %lt3A_1233 : i32
        %convert_element_type3A_1235 = arith.extui %lt3A_1234 : i1 to i32
        %cond3A_1236 = arith.constant 0 : i32
        %cond3A_1237 = arith.constant 0 : i32
        %cond3A_1238 = arith.cmpi ne, %convert_element_type3A_1235, %cond3A_1237 : i32
        scf.if %cond3A_1238 {
          %mul3A_1245 = arith.constant 8 : i32
          %mul3A_1246 = arith.muli %add3A_362, %mul3A_1245 : i32
          %add3A_1247 = arith.addi %mul3A_2, %mul3A_1246 : i32
          %dma_wait3A_1248 = arith.constant 1 : i32
          %dma_wait3A_1249 = arith.constant 0 : i32
          %dma_wait3A_1250 = arith.constant 0 : i32
          %dma_wait3A_1251 = tpu.memref_slice %arg7[%cond3A_1236, %dma_wait3A_1249, %dma_wait3A_1250] : memref<2x8x128xi32, #tpu.memory_space<vmem>> -> memref<1x8x128xi32, #tpu.memory_space<vmem>>
          %dma_wait3A_1252 = tpu.memref_squeeze %dma_wait3A_1251 : memref<1x8x128xi32, #tpu.memory_space<vmem>> -> memref<8x128xi32, #tpu.memory_space<vmem>>
          %dma_wait3A_1253 = arith.constant 0 : i32
          %dma_wait3A_1254 = tpu.memref_slice %arg3[%dma_wait3A_1248, %add3A_1247, %dma_wait3A_1253] : memref<2x2500x128xi32, #tpu.memory_space<hbm>> -> memref<1x8x128xi32, #tpu.memory_space<hbm>>
          %dma_wait3A_1255 = tpu.memref_squeeze %dma_wait3A_1254 : memref<1x8x128xi32, #tpu.memory_space<hbm>> -> memref<8x128xi32, #tpu.memory_space<hbm>>
          %dma_wait3A_1256 = arith.constant 0 : i32
          %dma_wait3A_1257 = arith.constant 0 : i32
          %dma_wait3A_1258 = tpu.memref_slice %arg7[%cond3A_1236, %dma_wait3A_1256, %dma_wait3A_1257] : memref<2x8x128xi32, #tpu.memory_space<vmem>> -> memref<1x8x128xi32, #tpu.memory_space<vmem>>
          %dma_wait3A_1259 = tpu.memref_squeeze %dma_wait3A_1258 : memref<1x8x128xi32, #tpu.memory_space<vmem>> -> memref<8x128xi32, #tpu.memory_space<vmem>>
          %dma_wait3A_1260 = arith.constant 0 : i32
          %dma_wait3A_1261 = tpu.memref_slice %arg3[%dma_wait3A_1248, %add3A_1247, %dma_wait3A_1260] : memref<2x2500x128xi32, #tpu.memory_space<hbm>> -> memref<1x8x128xi32, #tpu.memory_space<hbm>>
          %dma_wait3A_1262 = tpu.memref_squeeze %dma_wait3A_1261 : memref<1x8x128xi32, #tpu.memory_space<hbm>> -> memref<8x128xi32, #tpu.memory_space<hbm>>
          tpu.wait_dma2 semaphore(%arg12 : memref<!tpu.dma_semaphore, #tpu.memory_space<semaphore_mem>>) src(%dma_wait3A_1262 : memref<8x128xi32, #tpu.memory_space<hbm>>) dst(%dma_wait3A_1259 : memref<8x128xi32, #tpu.memory_space<vmem>>)
        } else {
        }
        %eq3A_1239 = arith.constant 31 : i32
        %eq3A_1240 = arith.cmpi eq, %add3A, %eq3A_1239 : i32
        %convert_element_type3A_1241 = arith.extui %eq3A_1240 : i1 to i32
        %cond3A_1242 = arith.constant 0 : i32
        %cond3A_1243 = arith.constant 0 : i32
        %cond3A_1244 = arith.cmpi ne, %convert_element_type3A_1241, %cond3A_1243 : i32
        scf.if %cond3A_1244 {
          %mul3A_1245 = arith.constant 8 : i32
          %mul3A_1246 = arith.muli %add3A_362, %mul3A_1245 : i32
          %dma_wait3A_1247 = arith.constant 1 : i32
          %dma_wait3A_1248 = arith.constant 0 : i32
          %dma_wait3A_1249 = arith.constant 0 : i32
          %dma_wait3A_1250 = tpu.memref_slice %arg7[%cond3A_1242, %dma_wait3A_1248, %dma_wait3A_1249] : memref<2x8x128xi32, #tpu.memory_space<vmem>> -> memref<1x8x128xi32, #tpu.memory_space<vmem>>
          %dma_wait3A_1251 = tpu.memref_squeeze %dma_wait3A_1250 : memref<1x8x128xi32, #tpu.memory_space<vmem>> -> memref<8x128xi32, #tpu.memory_space<vmem>>
          %dma_wait3A_1252 = arith.constant 0 : i32
          %dma_wait3A_1253 = tpu.memref_slice %arg4[%dma_wait3A_1247, %mul3A_1246, %dma_wait3A_1252] : memref<2x80x128xi32, #tpu.memory_space<hbm>> -> memref<1x8x128xi32, #tpu.memory_space<hbm>>
          %dma_wait3A_1254 = tpu.memref_squeeze %dma_wait3A_1253 : memref<1x8x128xi32, #tpu.memory_space<hbm>> -> memref<8x128xi32, #tpu.memory_space<hbm>>
          %dma_wait3A_1255 = arith.constant 0 : i32
          %dma_wait3A_1256 = arith.constant 0 : i32
          %dma_wait3A_1257 = tpu.memref_slice %arg7[%cond3A_1242, %dma_wait3A_1255, %dma_wait3A_1256] : memref<2x8x128xi32, #tpu.memory_space<vmem>> -> memref<1x8x128xi32, #tpu.memory_space<vmem>>
          %dma_wait3A_1258 = tpu.memref_squeeze %dma_wait3A_1257 : memref<1x8x128xi32, #tpu.memory_space<vmem>> -> memref<8x128xi32, #tpu.memory_space<vmem>>
          %dma_wait3A_1259 = arith.constant 0 : i32
          %dma_wait3A_1260 = tpu.memref_slice %arg4[%dma_wait3A_1247, %mul3A_1246, %dma_wait3A_1259] : memref<2x80x128xi32, #tpu.memory_space<hbm>> -> memref<1x8x128xi32, #tpu.memory_space<hbm>>
          %dma_wait3A_1261 = tpu.memref_squeeze %dma_wait3A_1260 : memref<1x8x128xi32, #tpu.memory_space<hbm>> -> memref<8x128xi32, #tpu.memory_space<hbm>>
          tpu.wait_dma2 semaphore(%arg12 : memref<!tpu.dma_semaphore, #tpu.memory_space<semaphore_mem>>) src(%dma_wait3A_1261 : memref<8x128xi32, #tpu.memory_space<hbm>>) dst(%dma_wait3A_1258 : memref<8x128xi32, #tpu.memory_space<vmem>>)
        } else {
        }
      } else {
      }
      %add3A_372 = arith.constant 1 : i32
      %add3A_373 = arith.addi %add3A_362, %add3A_372 : i32
      %lt3A_374 = arith.constant 10 : i32
      %lt3A_375 = arith.cmpi slt, %add3A_373, %lt3A_374 : i32
      %convert_element_type3A_376 = arith.extui %lt3A_375 : i1 to i32
      %cond3A_377 = arith.constant 0 : i32
      %cond3A_378 = arith.cmpi ne, %convert_element_type3A_376, %cond3A_377 : i32
      scf.if %cond3A_378 {
        %add3A_1233 = arith.constant 1 : i32
        %add3A_1234 = arith.addi %add3A_362, %add3A_1233 : i32
        %lt3A_1235 = arith.constant 31 : i32
        %lt3A_1236 = arith.cmpi slt, %add3A, %lt3A_1235 : i32
        %convert_element_type3A_1237 = arith.extui %lt3A_1236 : i1 to i32
        %cond3A_1238 = arith.constant 1 : i32
        %cond3A_1239 = arith.constant 0 : i32
        %cond3A_1240 = arith.cmpi ne, %convert_element_type3A_1237, %cond3A_1239 : i32
        scf.if %cond3A_1240 {
          %mul3A_1247 = arith.constant 8 : i32
          %mul3A_1248 = arith.muli %add3A_1234, %mul3A_1247 : i32
          %add3A_1249 = arith.addi %mul3A_2, %mul3A_1248 : i32
          %dma_start3A_1250 = arith.constant 1 : i32
          %dma_start3A_1251 = arith.constant 0 : i32
          %dma_start3A_1252 = arith.constant 0 : i32
          %dma_start3A_1253 = tpu.memref_slice %arg7[%cond3A_1238, %dma_start3A_1251, %dma_start3A_1252] : memref<2x8x128xi32, #tpu.memory_space<vmem>> -> memref<1x8x128xi32, #tpu.memory_space<vmem>>
          %dma_start3A_1254 = tpu.memref_squeeze %dma_start3A_1253 : memref<1x8x128xi32, #tpu.memory_space<vmem>> -> memref<8x128xi32, #tpu.memory_space<vmem>>
          %dma_start3A_1255 = arith.constant 0 : i32
          %dma_start3A_1256 = tpu.memref_slice %arg3[%dma_start3A_1250, %add3A_1249, %dma_start3A_1255] : memref<2x2500x128xi32, #tpu.memory_space<hbm>> -> memref<1x8x128xi32, #tpu.memory_space<hbm>>
          %dma_start3A_1257 = tpu.memref_squeeze %dma_start3A_1256 : memref<1x8x128xi32, #tpu.memory_space<hbm>> -> memref<8x128xi32, #tpu.memory_space<hbm>>
          %dma_start3A_1258 = arith.constant 0 : i32
          %dma_start3A_1259 = arith.constant 0 : i32
          %dma_start3A_1260 = tpu.memref_slice %arg7[%cond3A_1238, %dma_start3A_1258, %dma_start3A_1259] : memref<2x8x128xi32, #tpu.memory_space<vmem>> -> memref<1x8x128xi32, #tpu.memory_space<vmem>>
          %dma_start3A_1261 = tpu.memref_squeeze %dma_start3A_1260 : memref<1x8x128xi32, #tpu.memory_space<vmem>> -> memref<8x128xi32, #tpu.memory_space<vmem>>
          %dma_start3A_1262 = arith.constant 0 : i32
          %dma_start3A_1263 = tpu.memref_slice %arg3[%dma_start3A_1250, %add3A_1249, %dma_start3A_1262] : memref<2x2500x128xi32, #tpu.memory_space<hbm>> -> memref<1x8x128xi32, #tpu.memory_space<hbm>>
          %dma_start3A_1264 = tpu.memref_squeeze %dma_start3A_1263 : memref<1x8x128xi32, #tpu.memory_space<hbm>> -> memref<8x128xi32, #tpu.memory_space<hbm>>
          tpu.enqueue_dma source(%dma_start3A_1264 : memref<8x128xi32, #tpu.memory_space<hbm>>) target(%dma_start3A_1261 : memref<8x128xi32, #tpu.memory_space<vmem>>) target_semaphore(%arg12 : memref<!tpu.dma_semaphore, #tpu.memory_space<semaphore_mem>>)
        } else {
        }
        %eq3A_1241 = arith.constant 31 : i32
        %eq3A_1242 = arith.cmpi eq, %add3A, %eq3A_1241 : i32
        %convert_element_type3A_1243 = arith.extui %eq3A_1242 : i1 to i32
        %cond3A_1244 = arith.constant 1 : i32
        %cond3A_1245 = arith.constant 0 : i32
        %cond3A_1246 = arith.cmpi ne, %convert_element_type3A_1243, %cond3A_1245 : i32
        scf.if %cond3A_1246 {
          %mul3A_1247 = arith.constant 8 : i32
          %mul3A_1248 = arith.muli %add3A_1234, %mul3A_1247 : i32
          %dma_start3A_1249 = arith.constant 1 : i32
          %dma_start3A_1250 = arith.constant 0 : i32
          %dma_start3A_1251 = arith.constant 0 : i32
          %dma_start3A_1252 = tpu.memref_slice %arg7[%cond3A_1244, %dma_start3A_1250, %dma_start3A_1251] : memref<2x8x128xi32, #tpu.memory_space<vmem>> -> memref<1x8x128xi32, #tpu.memory_space<vmem>>
          %dma_start3A_1253 = tpu.memref_squeeze %dma_start3A_1252 : memref<1x8x128xi32, #tpu.memory_space<vmem>> -> memref<8x128xi32, #tpu.memory_space<vmem>>
          %dma_start3A_1254 = arith.constant 0 : i32
          %dma_start3A_1255 = tpu.memref_slice %arg4[%dma_start3A_1249, %mul3A_1248, %dma_start3A_1254] : memref<2x80x128xi32, #tpu.memory_space<hbm>> -> memref<1x8x128xi32, #tpu.memory_space<hbm>>
          %dma_start3A_1256 = tpu.memref_squeeze %dma_start3A_1255 : memref<1x8x128xi32, #tpu.memory_space<hbm>> -> memref<8x128xi32, #tpu.memory_space<hbm>>
          %dma_start3A_1257 = arith.constant 0 : i32
          %dma_start3A_1258 = arith.constant 0 : i32
          %dma_start3A_1259 = tpu.memref_slice %arg7[%cond3A_1244, %dma_start3A_1257, %dma_start3A_1258] : memref<2x8x128xi32, #tpu.memory_space<vmem>> -> memref<1x8x128xi32, #tpu.memory_space<vmem>>
          %dma_start3A_1260 = tpu.memref_squeeze %dma_start3A_1259 : memref<1x8x128xi32, #tpu.memory_space<vmem>> -> memref<8x128xi32, #tpu.memory_space<vmem>>
          %dma_start3A_1261 = arith.constant 0 : i32
          %dma_start3A_1262 = tpu.memref_slice %arg4[%dma_start3A_1249, %mul3A_1248, %dma_start3A_1261] : memref<2x80x128xi32, #tpu.memory_space<hbm>> -> memref<1x8x128xi32, #tpu.memory_space<hbm>>
          %dma_start3A_1263 = tpu.memref_squeeze %dma_start3A_1262 : memref<1x8x128xi32, #tpu.memory_space<hbm>> -> memref<8x128xi32, #tpu.memory_space<hbm>>
          tpu.enqueue_dma source(%dma_start3A_1263 : memref<8x128xi32, #tpu.memory_space<hbm>>) target(%dma_start3A_1260 : memref<8x128xi32, #tpu.memory_space<vmem>>) target_semaphore(%arg12 : memref<!tpu.dma_semaphore, #tpu.memory_space<semaphore_mem>>)
        } else {
        }
      } else {
      }
      %mul3A_379 = arith.constant 8 : i32
      %mul3A_380 = arith.muli %add3A_362, %mul3A_379 : i32
      %add3A_381 = arith.constant 0 : i32
      %add3A_382 = arith.addi %mul3A_380, %add3A_381 : i32
      %add3A_383 = arith.constant 1 : i32
      %add3A_384 = arith.addi %add3A_382, %add3A_383 : i32
      %dma_start3A_385 = arith.constant 1 : i32
      %dma_start3A_386 = arith.constant 0 : i32
      %dma_start3A_387 = arith.constant 0 : i32
      %dma_start3A_388 = tpu.memref_slice %arg8[%dma_start3A_385, %dma_start3A_386, %dma_start3A_387] : memref<2x128x128xf32, #tpu.memory_space<vmem>> -> memref<1x128x128xf32, #tpu.memory_space<vmem>>
      %dma_start3A_389 = tpu.memref_squeeze %dma_start3A_388 : memref<1x128x128xf32, #tpu.memory_space<vmem>> -> memref<128x128xf32, #tpu.memory_space<vmem>>
      %dma_start3A_390 = arith.constant 0 : i32
      %dma_start3A_391 = tpu.memref_slice %arg6[%add3A_384, %dma_start3A_390] : memref<80x128xi32, #tpu.memory_space<vmem>> -> memref<1x128xi32, #tpu.memory_space<vmem>>
      %dma_start3A_392 = tpu.memref_squeeze %dma_start3A_391 : memref<1x128xi32, #tpu.memory_space<vmem>> -> memref<128xi32, #tpu.memory_space<vmem>>
      %dma_start3A_393 = arith.constant 0 : i32
      %dma_start3A_394 = arith.constant 0 : i32
      %dma_start3A_395 = tpu.memref_slice %arg2[%dma_start3A_393, %dma_start3A_394] : memref<10000x128xf32, #tpu.memory_space<hbm>> -> memref<10000x128xf32, #tpu.memory_space<hbm>>
      tpu.enqueue_indirect_dma source(%dma_start3A_395 : memref<10000x128xf32, #tpu.memory_space<hbm>>) target(%dma_start3A_389 : memref<128x128xf32, #tpu.memory_space<vmem>>) offsets(%dma_start3A_392 : memref<128xi32, #tpu.memory_space<vmem>>) semaphore(%arg11 : memref<!tpu.dma_semaphore, #tpu.memory_space<semaphore_mem>>)
      %dma_wait3A_396 = arith.constant 0 : i32
      %dma_wait3A_397 = arith.constant 0 : i32
      %dma_wait3A_398 = arith.constant 0 : i32
      %dma_wait3A_399 = tpu.memref_slice %arg8[%dma_wait3A_396, %dma_wait3A_397, %dma_wait3A_398] : memref<2x128x128xf32, #tpu.memory_space<vmem>> -> memref<1x128x128xf32, #tpu.memory_space<vmem>>
      %dma_wait3A_400 = tpu.memref_squeeze %dma_wait3A_399 : memref<1x128x128xf32, #tpu.memory_space<vmem>> -> memref<128x128xf32, #tpu.memory_space<vmem>>
      %dma_wait3A_401 = arith.constant 0 : i32
      %dma_wait3A_402 = tpu.memref_slice %arg6[%add3A_382, %dma_wait3A_401] : memref<80x128xi32, #tpu.memory_space<vmem>> -> memref<1x128xi32, #tpu.memory_space<vmem>>
      %dma_wait3A_403 = tpu.memref_squeeze %dma_wait3A_402 : memref<1x128xi32, #tpu.memory_space<vmem>> -> memref<128xi32, #tpu.memory_space<vmem>>
      %dma_wait3A_404 = arith.constant 0 : i32
      %dma_wait3A_405 = arith.constant 0 : i32
      %dma_wait3A_406 = tpu.memref_slice %arg2[%dma_wait3A_404, %dma_wait3A_405] : memref<10000x128xf32, #tpu.memory_space<hbm>> -> memref<10000x128xf32, #tpu.memory_space<hbm>>
      tpu.wait_indirect_dma semaphore(%arg10 : memref<!tpu.dma_semaphore, #tpu.memory_space<semaphore_mem>>) src(%dma_wait3A_406 : memref<10000x128xf32, #tpu.memory_space<hbm>>) dst(%dma_wait3A_400 : memref<128x128xf32, #tpu.memory_space<vmem>>)
      %dma_start3A_407 = arith.constant 0 : i32
      %dma_start3A_408 = arith.constant 0 : i32
      %dma_start3A_409 = arith.constant 0 : i32
      %dma_start3A_410 = arith.constant 0 : i32
      %dma_start3A_411 = arith.constant 0 : i32
      %dma_start3A_412 = tpu.memref_slice %arg8[%dma_start3A_407, %dma_start3A_410, %dma_start3A_411] : memref<2x128x128xf32, #tpu.memory_space<vmem>> -> memref<1x128x128xf32, #tpu.memory_space<vmem>>
      %dma_start3A_413 = tpu.memref_squeeze %dma_start3A_412 : memref<1x128x128xf32, #tpu.memory_space<vmem>> -> memref<128x128xf32, #tpu.memory_space<vmem>>
      %dma_start3A_414 = arith.constant 0 : i32
      %dma_start3A_415 = tpu.memref_slice %arg7[%dma_start3A_408, %dma_start3A_409, %dma_start3A_414] : memref<2x8x128xi32, #tpu.memory_space<vmem>> -> memref<1x1x128xi32, #tpu.memory_space<vmem>>
      %dma_start3A_416 = tpu.memref_squeeze %dma_start3A_415 : memref<1x1x128xi32, #tpu.memory_space<vmem>> -> memref<128xi32, #tpu.memory_space<vmem>>
      %dma_start3A_417 = arith.constant 0 : i32
      %dma_start3A_418 = arith.constant 0 : i32
      %dma_start3A_419 = tpu.memref_slice %arg9[%dma_start3A_417, %dma_start3A_418] : memref<10240x128xf32, #tpu.memory_space<vmem_shared>> -> memref<10240x128xf32, #tpu.memory_space<vmem_shared>>
      tpu.enqueue_indirect_dma source(%dma_start3A_413 : memref<128x128xf32, #tpu.memory_space<vmem>>) target(%dma_start3A_419 : memref<10240x128xf32, #tpu.memory_space<vmem_shared>>) offsets(%dma_start3A_416 : memref<128xi32, #tpu.memory_space<vmem>>) semaphore(%arg13 : memref<!tpu.dma_semaphore, #tpu.memory_space<semaphore_mem>>) {add = true}
      %mul3A_420 = arith.constant 8 : i32
      %mul3A_421 = arith.muli %add3A_362, %mul3A_420 : i32
      %add3A_422 = arith.constant 1 : i32
      %add3A_423 = arith.addi %mul3A_421, %add3A_422 : i32
      %dma_wait3A_424 = arith.constant 0 : i32
      %dma_wait3A_425 = arith.constant 0 : i32
      %dma_wait3A_426 = arith.constant 0 : i32
      %dma_wait3A_427 = arith.constant 0 : i32
      %dma_wait3A_428 = arith.constant 0 : i32
      %dma_wait3A_429 = tpu.memref_slice %arg8[%dma_wait3A_424, %dma_wait3A_427, %dma_wait3A_428] : memref<2x128x128xf32, #tpu.memory_space<vmem>> -> memref<1x128x128xf32, #tpu.memory_space<vmem>>
      %dma_wait3A_430 = tpu.memref_squeeze %dma_wait3A_429 : memref<1x128x128xf32, #tpu.memory_space<vmem>> -> memref<128x128xf32, #tpu.memory_space<vmem>>
      %dma_wait3A_431 = arith.constant 0 : i32
      %dma_wait3A_432 = tpu.memref_slice %arg7[%dma_wait3A_425, %dma_wait3A_426, %dma_wait3A_431] : memref<2x8x128xi32, #tpu.memory_space<vmem>> -> memref<1x1x128xi32, #tpu.memory_space<vmem>>
      %dma_wait3A_433 = tpu.memref_squeeze %dma_wait3A_432 : memref<1x1x128xi32, #tpu.memory_space<vmem>> -> memref<128xi32, #tpu.memory_space<vmem>>
      %dma_wait3A_434 = arith.constant 0 : i32
      %dma_wait3A_435 = arith.constant 0 : i32
      %dma_wait3A_436 = tpu.memref_slice %arg9[%dma_wait3A_434, %dma_wait3A_435] : memref<10240x128xf32, #tpu.memory_space<vmem_shared>> -> memref<10240x128xf32, #tpu.memory_space<vmem_shared>>
      tpu.wait_indirect_dma semaphore(%arg13 : memref<!tpu.dma_semaphore, #tpu.memory_space<semaphore_mem>>) src(%dma_wait3A_430 : memref<128x128xf32, #tpu.memory_space<vmem>>) dst(%dma_wait3A_436 : memref<10240x128xf32, #tpu.memory_space<vmem_shared>>)
      %add3A_437 = arith.constant 1 : i32
      %add3A_438 = arith.addi %add3A_423, %add3A_437 : i32
      %dma_start3A_439 = arith.constant 0 : i32
      %dma_start3A_440 = arith.constant 0 : i32
      %dma_start3A_441 = arith.constant 0 : i32
      %dma_start3A_442 = tpu.memref_slice %arg8[%dma_start3A_439, %dma_start3A_440, %dma_start3A_441] : memref<2x128x128xf32, #tpu.memory_space<vmem>> -> memref<1x128x128xf32, #tpu.memory_space<vmem>>
      %dma_start3A_443 = tpu.memref_squeeze %dma_start3A_442 : memref<1x128x128xf32, #tpu.memory_space<vmem>> -> memref<128x128xf32, #tpu.memory_space<vmem>>
      %dma_start3A_444 = arith.constant 0 : i32
      %dma_start3A_445 = tpu.memref_slice %arg6[%add3A_438, %dma_start3A_444] : memref<80x128xi32, #tpu.memory_space<vmem>> -> memref<1x128xi32, #tpu.memory_space<vmem>>
      %dma_start3A_446 = tpu.memref_squeeze %dma_start3A_445 : memref<1x128xi32, #tpu.memory_space<vmem>> -> memref<128xi32, #tpu.memory_space<vmem>>
      %dma_start3A_447 = arith.constant 0 : i32
      %dma_start3A_448 = arith.constant 0 : i32
      %dma_start3A_449 = tpu.memref_slice %arg2[%dma_start3A_447, %dma_start3A_448] : memref<10000x128xf32, #tpu.memory_space<hbm>> -> memref<10000x128xf32, #tpu.memory_space<hbm>>
      tpu.enqueue_indirect_dma source(%dma_start3A_449 : memref<10000x128xf32, #tpu.memory_space<hbm>>) target(%dma_start3A_443 : memref<128x128xf32, #tpu.memory_space<vmem>>) offsets(%dma_start3A_446 : memref<128xi32, #tpu.memory_space<vmem>>) semaphore(%arg10 : memref<!tpu.dma_semaphore, #tpu.memory_space<semaphore_mem>>)
      %dma_wait3A_450 = arith.constant 1 : i32
      %dma_wait3A_451 = arith.constant 0 : i32
      %dma_wait3A_452 = arith.constant 0 : i32
      %dma_wait3A_453 = tpu.memref_slice %arg8[%dma_wait3A_450, %dma_wait3A_451, %dma_wait3A_452] : memref<2x128x128xf32, #tpu.memory_space<vmem>> -> memref<1x128x128xf32, #tpu.memory_space<vmem>>
      %dma_wait3A_454 = tpu.memref_squeeze %dma_wait3A_453 : memref<1x128x128xf32, #tpu.memory_space<vmem>> -> memref<128x128xf32, #tpu.memory_space<vmem>>
      %dma_wait3A_455 = arith.constant 0 : i32
      %dma_wait3A_456 = tpu.memref_slice %arg6[%add3A_423, %dma_wait3A_455] : memref<80x128xi32, #tpu.memory_space<vmem>> -> memref<1x128xi32, #tpu.memory_space<vmem>>
      %dma_wait3A_457 = tpu.memref_squeeze %dma_wait3A_456 : memref<1x128xi32, #tpu.memory_space<vmem>> -> memref<128xi32, #tpu.memory_space<vmem>>
      %dma_wait3A_458 = arith.constant 0 : i32
      %dma_wait3A_459 = arith.constant 0 : i32
      %dma_wait3A_460 = tpu.memref_slice %arg2[%dma_wait3A_458, %dma_wait3A_459] : memref<10000x128xf32, #tpu.memory_space<hbm>> -> memref<10000x128xf32, #tpu.memory_space<hbm>>
      tpu.wait_indirect_dma semaphore(%arg11 : memref<!tpu.dma_semaphore, #tpu.memory_space<semaphore_mem>>) src(%dma_wait3A_460 : memref<10000x128xf32, #tpu.memory_space<hbm>>) dst(%dma_wait3A_454 : memref<128x128xf32, #tpu.memory_space<vmem>>)
      %dma_start3A_461 = arith.constant 1 : i32
      %dma_start3A_462 = arith.constant 0 : i32
      %dma_start3A_463 = arith.constant 1 : i32
      %dma_start3A_464 = arith.constant 0 : i32
      %dma_start3A_465 = arith.constant 0 : i32
      %dma_start3A_466 = tpu.memref_slice %arg8[%dma_start3A_461, %dma_start3A_464, %dma_start3A_465] : memref<2x128x128xf32, #tpu.memory_space<vmem>> -> memref<1x128x128xf32, #tpu.memory_space<vmem>>
      %dma_start3A_467 = tpu.memref_squeeze %dma_start3A_466 : memref<1x128x128xf32, #tpu.memory_space<vmem>> -> memref<128x128xf32, #tpu.memory_space<vmem>>
      %dma_start3A_468 = arith.constant 0 : i32
      %dma_start3A_469 = tpu.memref_slice %arg7[%dma_start3A_462, %dma_start3A_463, %dma_start3A_468] : memref<2x8x128xi32, #tpu.memory_space<vmem>> -> memref<1x1x128xi32, #tpu.memory_space<vmem>>
      %dma_start3A_470 = tpu.memref_squeeze %dma_start3A_469 : memref<1x1x128xi32, #tpu.memory_space<vmem>> -> memref<128xi32, #tpu.memory_space<vmem>>
      %dma_start3A_471 = arith.constant 0 : i32
      %dma_start3A_472 = arith.constant 0 : i32
      %dma_start3A_473 = tpu.memref_slice %arg9[%dma_start3A_471, %dma_start3A_472] : memref<10240x128xf32, #tpu.memory_space<vmem_shared>> -> memref<10240x128xf32, #tpu.memory_space<vmem_shared>>
      tpu.enqueue_indirect_dma source(%dma_start3A_467 : memref<128x128xf32, #tpu.memory_space<vmem>>) target(%dma_start3A_473 : memref<10240x128xf32, #tpu.memory_space<vmem_shared>>) offsets(%dma_start3A_470 : memref<128xi32, #tpu.memory_space<vmem>>) semaphore(%arg14 : memref<!tpu.dma_semaphore, #tpu.memory_space<semaphore_mem>>) {add = true}
      %mul3A_474 = arith.constant 8 : i32
      %mul3A_475 = arith.muli %add3A_362, %mul3A_474 : i32
      %add3A_476 = arith.constant 2 : i32
      %add3A_477 = arith.addi %mul3A_475, %add3A_476 : i32
      %dma_wait3A_478 = arith.constant 1 : i32
      %dma_wait3A_479 = arith.constant 0 : i32
      %dma_wait3A_480 = arith.constant 1 : i32
      %dma_wait3A_481 = arith.constant 0 : i32
      %dma_wait3A_482 = arith.constant 0 : i32
      %dma_wait3A_483 = tpu.memref_slice %arg8[%dma_wait3A_478, %dma_wait3A_481, %dma_wait3A_482] : memref<2x128x128xf32, #tpu.memory_space<vmem>> -> memref<1x128x128xf32, #tpu.memory_space<vmem>>
      %dma_wait3A_484 = tpu.memref_squeeze %dma_wait3A_483 : memref<1x128x128xf32, #tpu.memory_space<vmem>> -> memref<128x128xf32, #tpu.memory_space<vmem>>
      %dma_wait3A_485 = arith.constant 0 : i32
      %dma_wait3A_486 = tpu.memref_slice %arg7[%dma_wait3A_479, %dma_wait3A_480, %dma_wait3A_485] : memref<2x8x128xi32, #tpu.memory_space<vmem>> -> memref<1x1x128xi32, #tpu.memory_space<vmem>>
      %dma_wait3A_487 = tpu.memref_squeeze %dma_wait3A_486 : memref<1x1x128xi32, #tpu.memory_space<vmem>> -> memref<128xi32, #tpu.memory_space<vmem>>
      %dma_wait3A_488 = arith.constant 0 : i32
      %dma_wait3A_489 = arith.constant 0 : i32
      %dma_wait3A_490 = tpu.memref_slice %arg9[%dma_wait3A_488, %dma_wait3A_489] : memref<10240x128xf32, #tpu.memory_space<vmem_shared>> -> memref<10240x128xf32, #tpu.memory_space<vmem_shared>>
      tpu.wait_indirect_dma semaphore(%arg14 : memref<!tpu.dma_semaphore, #tpu.memory_space<semaphore_mem>>) src(%dma_wait3A_484 : memref<128x128xf32, #tpu.memory_space<vmem>>) dst(%dma_wait3A_490 : memref<10240x128xf32, #tpu.memory_space<vmem_shared>>)
      %add3A_491 = arith.constant 1 : i32
      %add3A_492 = arith.addi %add3A_477, %add3A_491 : i32
      %dma_start3A_493 = arith.constant 1 : i32
      %dma_start3A_494 = arith.constant 0 : i32
      %dma_start3A_495 = arith.constant 0 : i32
      %dma_start3A_496 = tpu.memref_slice %arg8[%dma_start3A_493, %dma_start3A_494, %dma_start3A_495] : memref<2x128x128xf32, #tpu.memory_space<vmem>> -> memref<1x128x128xf32, #tpu.memory_space<vmem>>
      %dma_start3A_497 = tpu.memref_squeeze %dma_start3A_496 : memref<1x128x128xf32, #tpu.memory_space<vmem>> -> memref<128x128xf32, #tpu.memory_space<vmem>>
      %dma_start3A_498 = arith.constant 0 : i32
      %dma_start3A_499 = tpu.memref_slice %arg6[%add3A_492, %dma_start3A_498] : memref<80x128xi32, #tpu.memory_space<vmem>> -> memref<1x128xi32, #tpu.memory_space<vmem>>
      %dma_start3A_500 = tpu.memref_squeeze %dma_start3A_499 : memref<1x128xi32, #tpu.memory_space<vmem>> -> memref<128xi32, #tpu.memory_space<vmem>>
      %dma_start3A_501 = arith.constant 0 : i32
      %dma_start3A_502 = arith.constant 0 : i32
      %dma_start3A_503 = tpu.memref_slice %arg2[%dma_start3A_501, %dma_start3A_502] : memref<10000x128xf32, #tpu.memory_space<hbm>> -> memref<10000x128xf32, #tpu.memory_space<hbm>>
      tpu.enqueue_indirect_dma source(%dma_start3A_503 : memref<10000x128xf32, #tpu.memory_space<hbm>>) target(%dma_start3A_497 : memref<128x128xf32, #tpu.memory_space<vmem>>) offsets(%dma_start3A_500 : memref<128xi32, #tpu.memory_space<vmem>>) semaphore(%arg11 : memref<!tpu.dma_semaphore, #tpu.memory_space<semaphore_mem>>)
      %dma_wait3A_504 = arith.constant 0 : i32
      %dma_wait3A_505 = arith.constant 0 : i32
      %dma_wait3A_506 = arith.constant 0 : i32
      %dma_wait3A_507 = tpu.memref_slice %arg8[%dma_wait3A_504, %dma_wait3A_505, %dma_wait3A_506] : memref<2x128x128xf32, #tpu.memory_space<vmem>> -> memref<1x128x128xf32, #tpu.memory_space<vmem>>
      %dma_wait3A_508 = tpu.memref_squeeze %dma_wait3A_507 : memref<1x128x128xf32, #tpu.memory_space<vmem>> -> memref<128x128xf32, #tpu.memory_space<vmem>>
      %dma_wait3A_509 = arith.constant 0 : i32
      %dma_wait3A_510 = tpu.memref_slice %arg6[%add3A_477, %dma_wait3A_509] : memref<80x128xi32, #tpu.memory_space<vmem>> -> memref<1x128xi32, #tpu.memory_space<vmem>>
      %dma_wait3A_511 = tpu.memref_squeeze %dma_wait3A_510 : memref<1x128xi32, #tpu.memory_space<vmem>> -> memref<128xi32, #tpu.memory_space<vmem>>
      %dma_wait3A_512 = arith.constant 0 : i32
      %dma_wait3A_513 = arith.constant 0 : i32
      %dma_wait3A_514 = tpu.memref_slice %arg2[%dma_wait3A_512, %dma_wait3A_513] : memref<10000x128xf32, #tpu.memory_space<hbm>> -> memref<10000x128xf32, #tpu.memory_space<hbm>>
      tpu.wait_indirect_dma semaphore(%arg10 : memref<!tpu.dma_semaphore, #tpu.memory_space<semaphore_mem>>) src(%dma_wait3A_514 : memref<10000x128xf32, #tpu.memory_space<hbm>>) dst(%dma_wait3A_508 : memref<128x128xf32, #tpu.memory_space<vmem>>)
      %dma_start3A_515 = arith.constant 0 : i32
      %dma_start3A_516 = arith.constant 0 : i32
      %dma_start3A_517 = arith.constant 2 : i32
      %dma_start3A_518 = arith.constant 0 : i32
      %dma_start3A_519 = arith.constant 0 : i32
      %dma_start3A_520 = tpu.memref_slice %arg8[%dma_start3A_515, %dma_start3A_518, %dma_start3A_519] : memref<2x128x128xf32, #tpu.memory_space<vmem>> -> memref<1x128x128xf32, #tpu.memory_space<vmem>>
      %dma_start3A_521 = tpu.memref_squeeze %dma_start3A_520 : memref<1x128x128xf32, #tpu.memory_space<vmem>> -> memref<128x128xf32, #tpu.memory_space<vmem>>
      %dma_start3A_522 = arith.constant 0 : i32
      %dma_start3A_523 = tpu.memref_slice %arg7[%dma_start3A_516, %dma_start3A_517, %dma_start3A_522] : memref<2x8x128xi32, #tpu.memory_space<vmem>> -> memref<1x1x128xi32, #tpu.memory_space<vmem>>
      %dma_start3A_524 = tpu.memref_squeeze %dma_start3A_523 : memref<1x1x128xi32, #tpu.memory_space<vmem>> -> memref<128xi32, #tpu.memory_space<vmem>>
      %dma_start3A_525 = arith.constant 0 : i32
      %dma_start3A_526 = arith.constant 0 : i32
      %dma_start3A_527 = tpu.memref_slice %arg9[%dma_start3A_525, %dma_start3A_526] : memref<10240x128xf32, #tpu.memory_space<vmem_shared>> -> memref<10240x128xf32, #tpu.memory_space<vmem_shared>>
      tpu.enqueue_indirect_dma source(%dma_start3A_521 : memref<128x128xf32, #tpu.memory_space<vmem>>) target(%dma_start3A_527 : memref<10240x128xf32, #tpu.memory_space<vmem_shared>>) offsets(%dma_start3A_524 : memref<128xi32, #tpu.memory_space<vmem>>) semaphore(%arg13 : memref<!tpu.dma_semaphore, #tpu.memory_space<semaphore_mem>>) {add = true}
      %mul3A_528 = arith.constant 8 : i32
      %mul3A_529 = arith.muli %add3A_362, %mul3A_528 : i32
      %add3A_530 = arith.constant 3 : i32
      %add3A_531 = arith.addi %mul3A_529, %add3A_530 : i32
      %dma_wait3A_532 = arith.constant 0 : i32
      %dma_wait3A_533 = arith.constant 0 : i32
      %dma_wait3A_534 = arith.constant 2 : i32
      %dma_wait3A_535 = arith.constant 0 : i32
      %dma_wait3A_536 = arith.constant 0 : i32
      %dma_wait3A_537 = tpu.memref_slice %arg8[%dma_wait3A_532, %dma_wait3A_535, %dma_wait3A_536] : memref<2x128x128xf32, #tpu.memory_space<vmem>> -> memref<1x128x128xf32, #tpu.memory_space<vmem>>
      %dma_wait3A_538 = tpu.memref_squeeze %dma_wait3A_537 : memref<1x128x128xf32, #tpu.memory_space<vmem>> -> memref<128x128xf32, #tpu.memory_space<vmem>>
      %dma_wait3A_539 = arith.constant 0 : i32
      %dma_wait3A_540 = tpu.memref_slice %arg7[%dma_wait3A_533, %dma_wait3A_534, %dma_wait3A_539] : memref<2x8x128xi32, #tpu.memory_space<vmem>> -> memref<1x1x128xi32, #tpu.memory_space<vmem>>
      %dma_wait3A_541 = tpu.memref_squeeze %dma_wait3A_540 : memref<1x1x128xi32, #tpu.memory_space<vmem>> -> memref<128xi32, #tpu.memory_space<vmem>>
      %dma_wait3A_542 = arith.constant 0 : i32
      %dma_wait3A_543 = arith.constant 0 : i32
      %dma_wait3A_544 = tpu.memref_slice %arg9[%dma_wait3A_542, %dma_wait3A_543] : memref<10240x128xf32, #tpu.memory_space<vmem_shared>> -> memref<10240x128xf32, #tpu.memory_space<vmem_shared>>
      tpu.wait_indirect_dma semaphore(%arg13 : memref<!tpu.dma_semaphore, #tpu.memory_space<semaphore_mem>>) src(%dma_wait3A_538 : memref<128x128xf32, #tpu.memory_space<vmem>>) dst(%dma_wait3A_544 : memref<10240x128xf32, #tpu.memory_space<vmem_shared>>)
      %add3A_545 = arith.constant 1 : i32
      %add3A_546 = arith.addi %add3A_531, %add3A_545 : i32
      %dma_start3A_547 = arith.constant 0 : i32
      %dma_start3A_548 = arith.constant 0 : i32
      %dma_start3A_549 = arith.constant 0 : i32
      %dma_start3A_550 = tpu.memref_slice %arg8[%dma_start3A_547, %dma_start3A_548, %dma_start3A_549] : memref<2x128x128xf32, #tpu.memory_space<vmem>> -> memref<1x128x128xf32, #tpu.memory_space<vmem>>
      %dma_start3A_551 = tpu.memref_squeeze %dma_start3A_550 : memref<1x128x128xf32, #tpu.memory_space<vmem>> -> memref<128x128xf32, #tpu.memory_space<vmem>>
      %dma_start3A_552 = arith.constant 0 : i32
      %dma_start3A_553 = tpu.memref_slice %arg6[%add3A_546, %dma_start3A_552] : memref<80x128xi32, #tpu.memory_space<vmem>> -> memref<1x128xi32, #tpu.memory_space<vmem>>
      %dma_start3A_554 = tpu.memref_squeeze %dma_start3A_553 : memref<1x128xi32, #tpu.memory_space<vmem>> -> memref<128xi32, #tpu.memory_space<vmem>>
      %dma_start3A_555 = arith.constant 0 : i32
      %dma_start3A_556 = arith.constant 0 : i32
      %dma_start3A_557 = tpu.memref_slice %arg2[%dma_start3A_555, %dma_start3A_556] : memref<10000x128xf32, #tpu.memory_space<hbm>> -> memref<10000x128xf32, #tpu.memory_space<hbm>>
      tpu.enqueue_indirect_dma source(%dma_start3A_557 : memref<10000x128xf32, #tpu.memory_space<hbm>>) target(%dma_start3A_551 : memref<128x128xf32, #tpu.memory_space<vmem>>) offsets(%dma_start3A_554 : memref<128xi32, #tpu.memory_space<vmem>>) semaphore(%arg10 : memref<!tpu.dma_semaphore, #tpu.memory_space<semaphore_mem>>)
      %dma_wait3A_558 = arith.constant 1 : i32
      %dma_wait3A_559 = arith.constant 0 : i32
      %dma_wait3A_560 = arith.constant 0 : i32
      %dma_wait3A_561 = tpu.memref_slice %arg8[%dma_wait3A_558, %dma_wait3A_559, %dma_wait3A_560] : memref<2x128x128xf32, #tpu.memory_space<vmem>> -> memref<1x128x128xf32, #tpu.memory_space<vmem>>
      %dma_wait3A_562 = tpu.memref_squeeze %dma_wait3A_561 : memref<1x128x128xf32, #tpu.memory_space<vmem>> -> memref<128x128xf32, #tpu.memory_space<vmem>>
      %dma_wait3A_563 = arith.constant 0 : i32
      %dma_wait3A_564 = tpu.memref_slice %arg6[%add3A_531, %dma_wait3A_563] : memref<80x128xi32, #tpu.memory_space<vmem>> -> memref<1x128xi32, #tpu.memory_space<vmem>>
      %dma_wait3A_565 = tpu.memref_squeeze %dma_wait3A_564 : memref<1x128xi32, #tpu.memory_space<vmem>> -> memref<128xi32, #tpu.memory_space<vmem>>
      %dma_wait3A_566 = arith.constant 0 : i32
      %dma_wait3A_567 = arith.constant 0 : i32
      %dma_wait3A_568 = tpu.memref_slice %arg2[%dma_wait3A_566, %dma_wait3A_567] : memref<10000x128xf32, #tpu.memory_space<hbm>> -> memref<10000x128xf32, #tpu.memory_space<hbm>>
      tpu.wait_indirect_dma semaphore(%arg11 : memref<!tpu.dma_semaphore, #tpu.memory_space<semaphore_mem>>) src(%dma_wait3A_568 : memref<10000x128xf32, #tpu.memory_space<hbm>>) dst(%dma_wait3A_562 : memref<128x128xf32, #tpu.memory_space<vmem>>)
      %dma_start3A_569 = arith.constant 1 : i32
      %dma_start3A_570 = arith.constant 0 : i32
      %dma_start3A_571 = arith.constant 3 : i32
      %dma_start3A_572 = arith.constant 0 : i32
      %dma_start3A_573 = arith.constant 0 : i32
      %dma_start3A_574 = tpu.memref_slice %arg8[%dma_start3A_569, %dma_start3A_572, %dma_start3A_573] : memref<2x128x128xf32, #tpu.memory_space<vmem>> -> memref<1x128x128xf32, #tpu.memory_space<vmem>>
      %dma_start3A_575 = tpu.memref_squeeze %dma_start3A_574 : memref<1x128x128xf32, #tpu.memory_space<vmem>> -> memref<128x128xf32, #tpu.memory_space<vmem>>
      %dma_start3A_576 = arith.constant 0 : i32
      %dma_start3A_577 = tpu.memref_slice %arg7[%dma_start3A_570, %dma_start3A_571, %dma_start3A_576] : memref<2x8x128xi32, #tpu.memory_space<vmem>> -> memref<1x1x128xi32, #tpu.memory_space<vmem>>
      %dma_start3A_578 = tpu.memref_squeeze %dma_start3A_577 : memref<1x1x128xi32, #tpu.memory_space<vmem>> -> memref<128xi32, #tpu.memory_space<vmem>>
      %dma_start3A_579 = arith.constant 0 : i32
      %dma_start3A_580 = arith.constant 0 : i32
      %dma_start3A_581 = tpu.memref_slice %arg9[%dma_start3A_579, %dma_start3A_580] : memref<10240x128xf32, #tpu.memory_space<vmem_shared>> -> memref<10240x128xf32, #tpu.memory_space<vmem_shared>>
      tpu.enqueue_indirect_dma source(%dma_start3A_575 : memref<128x128xf32, #tpu.memory_space<vmem>>) target(%dma_start3A_581 : memref<10240x128xf32, #tpu.memory_space<vmem_shared>>) offsets(%dma_start3A_578 : memref<128xi32, #tpu.memory_space<vmem>>) semaphore(%arg14 : memref<!tpu.dma_semaphore, #tpu.memory_space<semaphore_mem>>) {add = true}
      %mul3A_582 = arith.constant 8 : i32
      %mul3A_583 = arith.muli %add3A_362, %mul3A_582 : i32
      %add3A_584 = arith.constant 4 : i32
      %add3A_585 = arith.addi %mul3A_583, %add3A_584 : i32
      %dma_wait3A_586 = arith.constant 1 : i32
      %dma_wait3A_587 = arith.constant 0 : i32
      %dma_wait3A_588 = arith.constant 3 : i32
      %dma_wait3A_589 = arith.constant 0 : i32
      %dma_wait3A_590 = arith.constant 0 : i32
      %dma_wait3A_591 = tpu.memref_slice %arg8[%dma_wait3A_586, %dma_wait3A_589, %dma_wait3A_590] : memref<2x128x128xf32, #tpu.memory_space<vmem>> -> memref<1x128x128xf32, #tpu.memory_space<vmem>>
      %dma_wait3A_592 = tpu.memref_squeeze %dma_wait3A_591 : memref<1x128x128xf32, #tpu.memory_space<vmem>> -> memref<128x128xf32, #tpu.memory_space<vmem>>
      %dma_wait3A_593 = arith.constant 0 : i32
      %dma_wait3A_594 = tpu.memref_slice %arg7[%dma_wait3A_587, %dma_wait3A_588, %dma_wait3A_593] : memref<2x8x128xi32, #tpu.memory_space<vmem>> -> memref<1x1x128xi32, #tpu.memory_space<vmem>>
      %dma_wait3A_595 = tpu.memref_squeeze %dma_wait3A_594 : memref<1x1x128xi32, #tpu.memory_space<vmem>> -> memref<128xi32, #tpu.memory_space<vmem>>
      %dma_wait3A_596 = arith.constant 0 : i32
      %dma_wait3A_597 = arith.constant 0 : i32
      %dma_wait3A_598 = tpu.memref_slice %arg9[%dma_wait3A_596, %dma_wait3A_597] : memref<10240x128xf32, #tpu.memory_space<vmem_shared>> -> memref<10240x128xf32, #tpu.memory_space<vmem_shared>>
      tpu.wait_indirect_dma semaphore(%arg14 : memref<!tpu.dma_semaphore, #tpu.memory_space<semaphore_mem>>) src(%dma_wait3A_592 : memref<128x128xf32, #tpu.memory_space<vmem>>) dst(%dma_wait3A_598 : memref<10240x128xf32, #tpu.memory_space<vmem_shared>>)
      %add3A_599 = arith.constant 1 : i32
      %add3A_600 = arith.addi %add3A_585, %add3A_599 : i32
      %dma_start3A_601 = arith.constant 1 : i32
      %dma_start3A_602 = arith.constant 0 : i32
      %dma_start3A_603 = arith.constant 0 : i32
      %dma_start3A_604 = tpu.memref_slice %arg8[%dma_start3A_601, %dma_start3A_602, %dma_start3A_603] : memref<2x128x128xf32, #tpu.memory_space<vmem>> -> memref<1x128x128xf32, #tpu.memory_space<vmem>>
      %dma_start3A_605 = tpu.memref_squeeze %dma_start3A_604 : memref<1x128x128xf32, #tpu.memory_space<vmem>> -> memref<128x128xf32, #tpu.memory_space<vmem>>
      %dma_start3A_606 = arith.constant 0 : i32
      %dma_start3A_607 = tpu.memref_slice %arg6[%add3A_600, %dma_start3A_606] : memref<80x128xi32, #tpu.memory_space<vmem>> -> memref<1x128xi32, #tpu.memory_space<vmem>>
      %dma_start3A_608 = tpu.memref_squeeze %dma_start3A_607 : memref<1x128xi32, #tpu.memory_space<vmem>> -> memref<128xi32, #tpu.memory_space<vmem>>
      %dma_start3A_609 = arith.constant 0 : i32
      %dma_start3A_610 = arith.constant 0 : i32
      %dma_start3A_611 = tpu.memref_slice %arg2[%dma_start3A_609, %dma_start3A_610] : memref<10000x128xf32, #tpu.memory_space<hbm>> -> memref<10000x128xf32, #tpu.memory_space<hbm>>
      tpu.enqueue_indirect_dma source(%dma_start3A_611 : memref<10000x128xf32, #tpu.memory_space<hbm>>) target(%dma_start3A_605 : memref<128x128xf32, #tpu.memory_space<vmem>>) offsets(%dma_start3A_608 : memref<128xi32, #tpu.memory_space<vmem>>) semaphore(%arg11 : memref<!tpu.dma_semaphore, #tpu.memory_space<semaphore_mem>>)
      %dma_wait3A_612 = arith.constant 0 : i32
      %dma_wait3A_613 = arith.constant 0 : i32
      %dma_wait3A_614 = arith.constant 0 : i32
      %dma_wait3A_615 = tpu.memref_slice %arg8[%dma_wait3A_612, %dma_wait3A_613, %dma_wait3A_614] : memref<2x128x128xf32, #tpu.memory_space<vmem>> -> memref<1x128x128xf32, #tpu.memory_space<vmem>>
      %dma_wait3A_616 = tpu.memref_squeeze %dma_wait3A_615 : memref<1x128x128xf32, #tpu.memory_space<vmem>> -> memref<128x128xf32, #tpu.memory_space<vmem>>
      %dma_wait3A_617 = arith.constant 0 : i32
      %dma_wait3A_618 = tpu.memref_slice %arg6[%add3A_585, %dma_wait3A_617] : memref<80x128xi32, #tpu.memory_space<vmem>> -> memref<1x128xi32, #tpu.memory_space<vmem>>
      %dma_wait3A_619 = tpu.memref_squeeze %dma_wait3A_618 : memref<1x128xi32, #tpu.memory_space<vmem>> -> memref<128xi32, #tpu.memory_space<vmem>>
      %dma_wait3A_620 = arith.constant 0 : i32
      %dma_wait3A_621 = arith.constant 0 : i32
      %dma_wait3A_622 = tpu.memref_slice %arg2[%dma_wait3A_620, %dma_wait3A_621] : memref<10000x128xf32, #tpu.memory_space<hbm>> -> memref<10000x128xf32, #tpu.memory_space<hbm>>
      tpu.wait_indirect_dma semaphore(%arg10 : memref<!tpu.dma_semaphore, #tpu.memory_space<semaphore_mem>>) src(%dma_wait3A_622 : memref<10000x128xf32, #tpu.memory_space<hbm>>) dst(%dma_wait3A_616 : memref<128x128xf32, #tpu.memory_space<vmem>>)
      %dma_start3A_623 = arith.constant 0 : i32
      %dma_start3A_624 = arith.constant 0 : i32
      %dma_start3A_625 = arith.constant 4 : i32
      %dma_start3A_626 = arith.constant 0 : i32
      %dma_start3A_627 = arith.constant 0 : i32
      %dma_start3A_628 = tpu.memref_slice %arg8[%dma_start3A_623, %dma_start3A_626, %dma_start3A_627] : memref<2x128x128xf32, #tpu.memory_space<vmem>> -> memref<1x128x128xf32, #tpu.memory_space<vmem>>
      %dma_start3A_629 = tpu.memref_squeeze %dma_start3A_628 : memref<1x128x128xf32, #tpu.memory_space<vmem>> -> memref<128x128xf32, #tpu.memory_space<vmem>>
      %dma_start3A_630 = arith.constant 0 : i32
      %dma_start3A_631 = tpu.memref_slice %arg7[%dma_start3A_624, %dma_start3A_625, %dma_start3A_630] : memref<2x8x128xi32, #tpu.memory_space<vmem>> -> memref<1x1x128xi32, #tpu.memory_space<vmem>>
      %dma_start3A_632 = tpu.memref_squeeze %dma_start3A_631 : memref<1x1x128xi32, #tpu.memory_space<vmem>> -> memref<128xi32, #tpu.memory_space<vmem>>
      %dma_start3A_633 = arith.constant 0 : i32
      %dma_start3A_634 = arith.constant 0 : i32
      %dma_start3A_635 = tpu.memref_slice %arg9[%dma_start3A_633, %dma_start3A_634] : memref<10240x128xf32, #tpu.memory_space<vmem_shared>> -> memref<10240x128xf32, #tpu.memory_space<vmem_shared>>
      tpu.enqueue_indirect_dma source(%dma_start3A_629 : memref<128x128xf32, #tpu.memory_space<vmem>>) target(%dma_start3A_635 : memref<10240x128xf32, #tpu.memory_space<vmem_shared>>) offsets(%dma_start3A_632 : memref<128xi32, #tpu.memory_space<vmem>>) semaphore(%arg13 : memref<!tpu.dma_semaphore, #tpu.memory_space<semaphore_mem>>) {add = true}
      %mul3A_636 = arith.constant 8 : i32
      %mul3A_637 = arith.muli %add3A_362, %mul3A_636 : i32
      %add3A_638 = arith.constant 5 : i32
      %add3A_639 = arith.addi %mul3A_637, %add3A_638 : i32
      %dma_wait3A_640 = arith.constant 0 : i32
      %dma_wait3A_641 = arith.constant 0 : i32
      %dma_wait3A_642 = arith.constant 4 : i32
      %dma_wait3A_643 = arith.constant 0 : i32
      %dma_wait3A_644 = arith.constant 0 : i32
      %dma_wait3A_645 = tpu.memref_slice %arg8[%dma_wait3A_640, %dma_wait3A_643, %dma_wait3A_644] : memref<2x128x128xf32, #tpu.memory_space<vmem>> -> memref<1x128x128xf32, #tpu.memory_space<vmem>>
      %dma_wait3A_646 = tpu.memref_squeeze %dma_wait3A_645 : memref<1x128x128xf32, #tpu.memory_space<vmem>> -> memref<128x128xf32, #tpu.memory_space<vmem>>
      %dma_wait3A_647 = arith.constant 0 : i32
      %dma_wait3A_648 = tpu.memref_slice %arg7[%dma_wait3A_641, %dma_wait3A_642, %dma_wait3A_647] : memref<2x8x128xi32, #tpu.memory_space<vmem>> -> memref<1x1x128xi32, #tpu.memory_space<vmem>>
      %dma_wait3A_649 = tpu.memref_squeeze %dma_wait3A_648 : memref<1x1x128xi32, #tpu.memory_space<vmem>> -> memref<128xi32, #tpu.memory_space<vmem>>
      %dma_wait3A_650 = arith.constant 0 : i32
      %dma_wait3A_651 = arith.constant 0 : i32
      %dma_wait3A_652 = tpu.memref_slice %arg9[%dma_wait3A_650, %dma_wait3A_651] : memref<10240x128xf32, #tpu.memory_space<vmem_shared>> -> memref<10240x128xf32, #tpu.memory_space<vmem_shared>>
      tpu.wait_indirect_dma semaphore(%arg13 : memref<!tpu.dma_semaphore, #tpu.memory_space<semaphore_mem>>) src(%dma_wait3A_646 : memref<128x128xf32, #tpu.memory_space<vmem>>) dst(%dma_wait3A_652 : memref<10240x128xf32, #tpu.memory_space<vmem_shared>>)
      %add3A_653 = arith.constant 1 : i32
      %add3A_654 = arith.addi %add3A_639, %add3A_653 : i32
      %dma_start3A_655 = arith.constant 0 : i32
      %dma_start3A_656 = arith.constant 0 : i32
      %dma_start3A_657 = arith.constant 0 : i32
      %dma_start3A_658 = tpu.memref_slice %arg8[%dma_start3A_655, %dma_start3A_656, %dma_start3A_657] : memref<2x128x128xf32, #tpu.memory_space<vmem>> -> memref<1x128x128xf32, #tpu.memory_space<vmem>>
      %dma_start3A_659 = tpu.memref_squeeze %dma_start3A_658 : memref<1x128x128xf32, #tpu.memory_space<vmem>> -> memref<128x128xf32, #tpu.memory_space<vmem>>
      %dma_start3A_660 = arith.constant 0 : i32
      %dma_start3A_661 = tpu.memref_slice %arg6[%add3A_654, %dma_start3A_660] : memref<80x128xi32, #tpu.memory_space<vmem>> -> memref<1x128xi32, #tpu.memory_space<vmem>>
      %dma_start3A_662 = tpu.memref_squeeze %dma_start3A_661 : memref<1x128xi32, #tpu.memory_space<vmem>> -> memref<128xi32, #tpu.memory_space<vmem>>
      %dma_start3A_663 = arith.constant 0 : i32
      %dma_start3A_664 = arith.constant 0 : i32
      %dma_start3A_665 = tpu.memref_slice %arg2[%dma_start3A_663, %dma_start3A_664] : memref<10000x128xf32, #tpu.memory_space<hbm>> -> memref<10000x128xf32, #tpu.memory_space<hbm>>
      tpu.enqueue_indirect_dma source(%dma_start3A_665 : memref<10000x128xf32, #tpu.memory_space<hbm>>) target(%dma_start3A_659 : memref<128x128xf32, #tpu.memory_space<vmem>>) offsets(%dma_start3A_662 : memref<128xi32, #tpu.memory_space<vmem>>) semaphore(%arg10 : memref<!tpu.dma_semaphore, #tpu.memory_space<semaphore_mem>>)
      %dma_wait3A_666 = arith.constant 1 : i32
      %dma_wait3A_667 = arith.constant 0 : i32
      %dma_wait3A_668 = arith.constant 0 : i32
      %dma_wait3A_669 = tpu.memref_slice %arg8[%dma_wait3A_666, %dma_wait3A_667, %dma_wait3A_668] : memref<2x128x128xf32, #tpu.memory_space<vmem>> -> memref<1x128x128xf32, #tpu.memory_space<vmem>>
      %dma_wait3A_670 = tpu.memref_squeeze %dma_wait3A_669 : memref<1x128x128xf32, #tpu.memory_space<vmem>> -> memref<128x128xf32, #tpu.memory_space<vmem>>
      %dma_wait3A_671 = arith.constant 0 : i32
      %dma_wait3A_672 = tpu.memref_slice %arg6[%add3A_639, %dma_wait3A_671] : memref<80x128xi32, #tpu.memory_space<vmem>> -> memref<1x128xi32, #tpu.memory_space<vmem>>
      %dma_wait3A_673 = tpu.memref_squeeze %dma_wait3A_672 : memref<1x128xi32, #tpu.memory_space<vmem>> -> memref<128xi32, #tpu.memory_space<vmem>>
      %dma_wait3A_674 = arith.constant 0 : i32
      %dma_wait3A_675 = arith.constant 0 : i32
      %dma_wait3A_676 = tpu.memref_slice %arg2[%dma_wait3A_674, %dma_wait3A_675] : memref<10000x128xf32, #tpu.memory_space<hbm>> -> memref<10000x128xf32, #tpu.memory_space<hbm>>
      tpu.wait_indirect_dma semaphore(%arg11 : memref<!tpu.dma_semaphore, #tpu.memory_space<semaphore_mem>>) src(%dma_wait3A_676 : memref<10000x128xf32, #tpu.memory_space<hbm>>) dst(%dma_wait3A_670 : memref<128x128xf32, #tpu.memory_space<vmem>>)
      %dma_start3A_677 = arith.constant 1 : i32
      %dma_start3A_678 = arith.constant 0 : i32
      %dma_start3A_679 = arith.constant 5 : i32
      %dma_start3A_680 = arith.constant 0 : i32
      %dma_start3A_681 = arith.constant 0 : i32
      %dma_start3A_682 = tpu.memref_slice %arg8[%dma_start3A_677, %dma_start3A_680, %dma_start3A_681] : memref<2x128x128xf32, #tpu.memory_space<vmem>> -> memref<1x128x128xf32, #tpu.memory_space<vmem>>
      %dma_start3A_683 = tpu.memref_squeeze %dma_start3A_682 : memref<1x128x128xf32, #tpu.memory_space<vmem>> -> memref<128x128xf32, #tpu.memory_space<vmem>>
      %dma_start3A_684 = arith.constant 0 : i32
      %dma_start3A_685 = tpu.memref_slice %arg7[%dma_start3A_678, %dma_start3A_679, %dma_start3A_684] : memref<2x8x128xi32, #tpu.memory_space<vmem>> -> memref<1x1x128xi32, #tpu.memory_space<vmem>>
      %dma_start3A_686 = tpu.memref_squeeze %dma_start3A_685 : memref<1x1x128xi32, #tpu.memory_space<vmem>> -> memref<128xi32, #tpu.memory_space<vmem>>
      %dma_start3A_687 = arith.constant 0 : i32
      %dma_start3A_688 = arith.constant 0 : i32
      %dma_start3A_689 = tpu.memref_slice %arg9[%dma_start3A_687, %dma_start3A_688] : memref<10240x128xf32, #tpu.memory_space<vmem_shared>> -> memref<10240x128xf32, #tpu.memory_space<vmem_shared>>
      tpu.enqueue_indirect_dma source(%dma_start3A_683 : memref<128x128xf32, #tpu.memory_space<vmem>>) target(%dma_start3A_689 : memref<10240x128xf32, #tpu.memory_space<vmem_shared>>) offsets(%dma_start3A_686 : memref<128xi32, #tpu.memory_space<vmem>>) semaphore(%arg14 : memref<!tpu.dma_semaphore, #tpu.memory_space<semaphore_mem>>) {add = true}
      %mul3A_690 = arith.constant 8 : i32
      %mul3A_691 = arith.muli %add3A_362, %mul3A_690 : i32
      %add3A_692 = arith.constant 6 : i32
      %add3A_693 = arith.addi %mul3A_691, %add3A_692 : i32
      %dma_wait3A_694 = arith.constant 1 : i32
      %dma_wait3A_695 = arith.constant 0 : i32
      %dma_wait3A_696 = arith.constant 5 : i32
      %dma_wait3A_697 = arith.constant 0 : i32
      %dma_wait3A_698 = arith.constant 0 : i32
      %dma_wait3A_699 = tpu.memref_slice %arg8[%dma_wait3A_694, %dma_wait3A_697, %dma_wait3A_698] : memref<2x128x128xf32, #tpu.memory_space<vmem>> -> memref<1x128x128xf32, #tpu.memory_space<vmem>>
      %dma_wait3A_700 = tpu.memref_squeeze %dma_wait3A_699 : memref<1x128x128xf32, #tpu.memory_space<vmem>> -> memref<128x128xf32, #tpu.memory_space<vmem>>
      %dma_wait3A_701 = arith.constant 0 : i32
      %dma_wait3A_702 = tpu.memref_slice %arg7[%dma_wait3A_695, %dma_wait3A_696, %dma_wait3A_701] : memref<2x8x128xi32, #tpu.memory_space<vmem>> -> memref<1x1x128xi32, #tpu.memory_space<vmem>>
      %dma_wait3A_703 = tpu.memref_squeeze %dma_wait3A_702 : memref<1x1x128xi32, #tpu.memory_space<vmem>> -> memref<128xi32, #tpu.memory_space<vmem>>
      %dma_wait3A_704 = arith.constant 0 : i32
      %dma_wait3A_705 = arith.constant 0 : i32
      %dma_wait3A_706 = tpu.memref_slice %arg9[%dma_wait3A_704, %dma_wait3A_705] : memref<10240x128xf32, #tpu.memory_space<vmem_shared>> -> memref<10240x128xf32, #tpu.memory_space<vmem_shared>>
      tpu.wait_indirect_dma semaphore(%arg14 : memref<!tpu.dma_semaphore, #tpu.memory_space<semaphore_mem>>) src(%dma_wait3A_700 : memref<128x128xf32, #tpu.memory_space<vmem>>) dst(%dma_wait3A_706 : memref<10240x128xf32, #tpu.memory_space<vmem_shared>>)
      %add3A_707 = arith.constant 1 : i32
      %add3A_708 = arith.addi %add3A_693, %add3A_707 : i32
      %dma_start3A_709 = arith.constant 1 : i32
      %dma_start3A_710 = arith.constant 0 : i32
      %dma_start3A_711 = arith.constant 0 : i32
      %dma_start3A_712 = tpu.memref_slice %arg8[%dma_start3A_709, %dma_start3A_710, %dma_start3A_711] : memref<2x128x128xf32, #tpu.memory_space<vmem>> -> memref<1x128x128xf32, #tpu.memory_space<vmem>>
      %dma_start3A_713 = tpu.memref_squeeze %dma_start3A_712 : memref<1x128x128xf32, #tpu.memory_space<vmem>> -> memref<128x128xf32, #tpu.memory_space<vmem>>
      %dma_start3A_714 = arith.constant 0 : i32
      %dma_start3A_715 = tpu.memref_slice %arg6[%add3A_708, %dma_start3A_714] : memref<80x128xi32, #tpu.memory_space<vmem>> -> memref<1x128xi32, #tpu.memory_space<vmem>>
      %dma_start3A_716 = tpu.memref_squeeze %dma_start3A_715 : memref<1x128xi32, #tpu.memory_space<vmem>> -> memref<128xi32, #tpu.memory_space<vmem>>
      %dma_start3A_717 = arith.constant 0 : i32
      %dma_start3A_718 = arith.constant 0 : i32
      %dma_start3A_719 = tpu.memref_slice %arg2[%dma_start3A_717, %dma_start3A_718] : memref<10000x128xf32, #tpu.memory_space<hbm>> -> memref<10000x128xf32, #tpu.memory_space<hbm>>
      tpu.enqueue_indirect_dma source(%dma_start3A_719 : memref<10000x128xf32, #tpu.memory_space<hbm>>) target(%dma_start3A_713 : memref<128x128xf32, #tpu.memory_space<vmem>>) offsets(%dma_start3A_716 : memref<128xi32, #tpu.memory_space<vmem>>) semaphore(%arg11 : memref<!tpu.dma_semaphore, #tpu.memory_space<semaphore_mem>>)
      %dma_wait3A_720 = arith.constant 0 : i32
      %dma_wait3A_721 = arith.constant 0 : i32
      %dma_wait3A_722 = arith.constant 0 : i32
      %dma_wait3A_723 = tpu.memref_slice %arg8[%dma_wait3A_720, %dma_wait3A_721, %dma_wait3A_722] : memref<2x128x128xf32, #tpu.memory_space<vmem>> -> memref<1x128x128xf32, #tpu.memory_space<vmem>>
      %dma_wait3A_724 = tpu.memref_squeeze %dma_wait3A_723 : memref<1x128x128xf32, #tpu.memory_space<vmem>> -> memref<128x128xf32, #tpu.memory_space<vmem>>
      %dma_wait3A_725 = arith.constant 0 : i32
      %dma_wait3A_726 = tpu.memref_slice %arg6[%add3A_693, %dma_wait3A_725] : memref<80x128xi32, #tpu.memory_space<vmem>> -> memref<1x128xi32, #tpu.memory_space<vmem>>
      %dma_wait3A_727 = tpu.memref_squeeze %dma_wait3A_726 : memref<1x128xi32, #tpu.memory_space<vmem>> -> memref<128xi32, #tpu.memory_space<vmem>>
      %dma_wait3A_728 = arith.constant 0 : i32
      %dma_wait3A_729 = arith.constant 0 : i32
      %dma_wait3A_730 = tpu.memref_slice %arg2[%dma_wait3A_728, %dma_wait3A_729] : memref<10000x128xf32, #tpu.memory_space<hbm>> -> memref<10000x128xf32, #tpu.memory_space<hbm>>
      tpu.wait_indirect_dma semaphore(%arg10 : memref<!tpu.dma_semaphore, #tpu.memory_space<semaphore_mem>>) src(%dma_wait3A_730 : memref<10000x128xf32, #tpu.memory_space<hbm>>) dst(%dma_wait3A_724 : memref<128x128xf32, #tpu.memory_space<vmem>>)
      %dma_start3A_731 = arith.constant 0 : i32
      %dma_start3A_732 = arith.constant 0 : i32
      %dma_start3A_733 = arith.constant 6 : i32
      %dma_start3A_734 = arith.constant 0 : i32
      %dma_start3A_735 = arith.constant 0 : i32
      %dma_start3A_736 = tpu.memref_slice %arg8[%dma_start3A_731, %dma_start3A_734, %dma_start3A_735] : memref<2x128x128xf32, #tpu.memory_space<vmem>> -> memref<1x128x128xf32, #tpu.memory_space<vmem>>
      %dma_start3A_737 = tpu.memref_squeeze %dma_start3A_736 : memref<1x128x128xf32, #tpu.memory_space<vmem>> -> memref<128x128xf32, #tpu.memory_space<vmem>>
      %dma_start3A_738 = arith.constant 0 : i32
      %dma_start3A_739 = tpu.memref_slice %arg7[%dma_start3A_732, %dma_start3A_733, %dma_start3A_738] : memref<2x8x128xi32, #tpu.memory_space<vmem>> -> memref<1x1x128xi32, #tpu.memory_space<vmem>>
      %dma_start3A_740 = tpu.memref_squeeze %dma_start3A_739 : memref<1x1x128xi32, #tpu.memory_space<vmem>> -> memref<128xi32, #tpu.memory_space<vmem>>
      %dma_start3A_741 = arith.constant 0 : i32
      %dma_start3A_742 = arith.constant 0 : i32
      %dma_start3A_743 = tpu.memref_slice %arg9[%dma_start3A_741, %dma_start3A_742] : memref<10240x128xf32, #tpu.memory_space<vmem_shared>> -> memref<10240x128xf32, #tpu.memory_space<vmem_shared>>
      tpu.enqueue_indirect_dma source(%dma_start3A_737 : memref<128x128xf32, #tpu.memory_space<vmem>>) target(%dma_start3A_743 : memref<10240x128xf32, #tpu.memory_space<vmem_shared>>) offsets(%dma_start3A_740 : memref<128xi32, #tpu.memory_space<vmem>>) semaphore(%arg13 : memref<!tpu.dma_semaphore, #tpu.memory_space<semaphore_mem>>) {add = true}
      %mul3A_744 = arith.constant 8 : i32
      %mul3A_745 = arith.muli %add3A_362, %mul3A_744 : i32
      %add3A_746 = arith.constant 7 : i32
      %add3A_747 = arith.addi %mul3A_745, %add3A_746 : i32
      %dma_wait3A_748 = arith.constant 0 : i32
      %dma_wait3A_749 = arith.constant 0 : i32
      %dma_wait3A_750 = arith.constant 6 : i32
      %dma_wait3A_751 = arith.constant 0 : i32
      %dma_wait3A_752 = arith.constant 0 : i32
      %dma_wait3A_753 = tpu.memref_slice %arg8[%dma_wait3A_748, %dma_wait3A_751, %dma_wait3A_752] : memref<2x128x128xf32, #tpu.memory_space<vmem>> -> memref<1x128x128xf32, #tpu.memory_space<vmem>>
      %dma_wait3A_754 = tpu.memref_squeeze %dma_wait3A_753 : memref<1x128x128xf32, #tpu.memory_space<vmem>> -> memref<128x128xf32, #tpu.memory_space<vmem>>
      %dma_wait3A_755 = arith.constant 0 : i32
      %dma_wait3A_756 = tpu.memref_slice %arg7[%dma_wait3A_749, %dma_wait3A_750, %dma_wait3A_755] : memref<2x8x128xi32, #tpu.memory_space<vmem>> -> memref<1x1x128xi32, #tpu.memory_space<vmem>>
      %dma_wait3A_757 = tpu.memref_squeeze %dma_wait3A_756 : memref<1x1x128xi32, #tpu.memory_space<vmem>> -> memref<128xi32, #tpu.memory_space<vmem>>
      %dma_wait3A_758 = arith.constant 0 : i32
      %dma_wait3A_759 = arith.constant 0 : i32
      %dma_wait3A_760 = tpu.memref_slice %arg9[%dma_wait3A_758, %dma_wait3A_759] : memref<10240x128xf32, #tpu.memory_space<vmem_shared>> -> memref<10240x128xf32, #tpu.memory_space<vmem_shared>>
      tpu.wait_indirect_dma semaphore(%arg13 : memref<!tpu.dma_semaphore, #tpu.memory_space<semaphore_mem>>) src(%dma_wait3A_754 : memref<128x128xf32, #tpu.memory_space<vmem>>) dst(%dma_wait3A_760 : memref<10240x128xf32, #tpu.memory_space<vmem_shared>>)
      %add3A_761 = arith.constant 1 : i32
      %add3A_762 = arith.addi %add3A_362, %add3A_761 : i32
      %lt3A_763 = arith.constant 10 : i32
      %lt3A_764 = arith.cmpi slt, %add3A_762, %lt3A_763 : i32
      %convert_element_type3A_765 = arith.extui %lt3A_764 : i1 to i32
      %cond3A_766 = arith.constant 0 : i32
      %cond3A_767 = arith.cmpi ne, %convert_element_type3A_765, %cond3A_766 : i32
      scf.if %cond3A_767 {
        %add3A_1233 = arith.constant 1 : i32
        %add3A_1234 = arith.addi %add3A_747, %add3A_1233 : i32
        %dma_start3A_1235 = arith.constant 0 : i32
        %dma_start3A_1236 = arith.constant 0 : i32
        %dma_start3A_1237 = arith.constant 0 : i32
        %dma_start3A_1238 = tpu.memref_slice %arg8[%dma_start3A_1235, %dma_start3A_1236, %dma_start3A_1237] : memref<2x128x128xf32, #tpu.memory_space<vmem>> -> memref<1x128x128xf32, #tpu.memory_space<vmem>>
        %dma_start3A_1239 = tpu.memref_squeeze %dma_start3A_1238 : memref<1x128x128xf32, #tpu.memory_space<vmem>> -> memref<128x128xf32, #tpu.memory_space<vmem>>
        %dma_start3A_1240 = arith.constant 0 : i32
        %dma_start3A_1241 = tpu.memref_slice %arg6[%add3A_1234, %dma_start3A_1240] : memref<80x128xi32, #tpu.memory_space<vmem>> -> memref<1x128xi32, #tpu.memory_space<vmem>>
        %dma_start3A_1242 = tpu.memref_squeeze %dma_start3A_1241 : memref<1x128xi32, #tpu.memory_space<vmem>> -> memref<128xi32, #tpu.memory_space<vmem>>
        %dma_start3A_1243 = arith.constant 0 : i32
        %dma_start3A_1244 = arith.constant 0 : i32
        %dma_start3A_1245 = tpu.memref_slice %arg2[%dma_start3A_1243, %dma_start3A_1244] : memref<10000x128xf32, #tpu.memory_space<hbm>> -> memref<10000x128xf32, #tpu.memory_space<hbm>>
        tpu.enqueue_indirect_dma source(%dma_start3A_1245 : memref<10000x128xf32, #tpu.memory_space<hbm>>) target(%dma_start3A_1239 : memref<128x128xf32, #tpu.memory_space<vmem>>) offsets(%dma_start3A_1242 : memref<128xi32, #tpu.memory_space<vmem>>) semaphore(%arg10 : memref<!tpu.dma_semaphore, #tpu.memory_space<semaphore_mem>>)
      } else {
      }
      %dma_wait3A_768 = arith.constant 1 : i32
      %dma_wait3A_769 = arith.constant 0 : i32
      %dma_wait3A_770 = arith.constant 0 : i32
      %dma_wait3A_771 = tpu.memref_slice %arg8[%dma_wait3A_768, %dma_wait3A_769, %dma_wait3A_770] : memref<2x128x128xf32, #tpu.memory_space<vmem>> -> memref<1x128x128xf32, #tpu.memory_space<vmem>>
      %dma_wait3A_772 = tpu.memref_squeeze %dma_wait3A_771 : memref<1x128x128xf32, #tpu.memory_space<vmem>> -> memref<128x128xf32, #tpu.memory_space<vmem>>
      %dma_wait3A_773 = arith.constant 0 : i32
      %dma_wait3A_774 = tpu.memref_slice %arg6[%add3A_747, %dma_wait3A_773] : memref<80x128xi32, #tpu.memory_space<vmem>> -> memref<1x128xi32, #tpu.memory_space<vmem>>
      %dma_wait3A_775 = tpu.memref_squeeze %dma_wait3A_774 : memref<1x128xi32, #tpu.memory_space<vmem>> -> memref<128xi32, #tpu.memory_space<vmem>>
      %dma_wait3A_776 = arith.constant 0 : i32
      %dma_wait3A_777 = arith.constant 0 : i32
      %dma_wait3A_778 = tpu.memref_slice %arg2[%dma_wait3A_776, %dma_wait3A_777] : memref<10000x128xf32, #tpu.memory_space<hbm>> -> memref<10000x128xf32, #tpu.memory_space<hbm>>
      tpu.wait_indirect_dma semaphore(%arg11 : memref<!tpu.dma_semaphore, #tpu.memory_space<semaphore_mem>>) src(%dma_wait3A_778 : memref<10000x128xf32, #tpu.memory_space<hbm>>) dst(%dma_wait3A_772 : memref<128x128xf32, #tpu.memory_space<vmem>>)
      %dma_start3A_779 = arith.constant 1 : i32
      %dma_start3A_780 = arith.constant 0 : i32
      %dma_start3A_781 = arith.constant 7 : i32
      %dma_start3A_782 = arith.constant 0 : i32
      %dma_start3A_783 = arith.constant 0 : i32
      %dma_start3A_784 = tpu.memref_slice %arg8[%dma_start3A_779, %dma_start3A_782, %dma_start3A_783] : memref<2x128x128xf32, #tpu.memory_space<vmem>> -> memref<1x128x128xf32, #tpu.memory_space<vmem>>
      %dma_start3A_785 = tpu.memref_squeeze %dma_start3A_784 : memref<1x128x128xf32, #tpu.memory_space<vmem>> -> memref<128x128xf32, #tpu.memory_space<vmem>>
      %dma_start3A_786 = arith.constant 0 : i32
      %dma_start3A_787 = tpu.memref_slice %arg7[%dma_start3A_780, %dma_start3A_781, %dma_start3A_786] : memref<2x8x128xi32, #tpu.memory_space<vmem>> -> memref<1x1x128xi32, #tpu.memory_space<vmem>>
      %dma_start3A_788 = tpu.memref_squeeze %dma_start3A_787 : memref<1x1x128xi32, #tpu.memory_space<vmem>> -> memref<128xi32, #tpu.memory_space<vmem>>
      %dma_start3A_789 = arith.constant 0 : i32
      %dma_start3A_790 = arith.constant 0 : i32
      %dma_start3A_791 = tpu.memref_slice %arg9[%dma_start3A_789, %dma_start3A_790] : memref<10240x128xf32, #tpu.memory_space<vmem_shared>> -> memref<10240x128xf32, #tpu.memory_space<vmem_shared>>
      tpu.enqueue_indirect_dma source(%dma_start3A_785 : memref<128x128xf32, #tpu.memory_space<vmem>>) target(%dma_start3A_791 : memref<10240x128xf32, #tpu.memory_space<vmem_shared>>) offsets(%dma_start3A_788 : memref<128xi32, #tpu.memory_space<vmem>>) semaphore(%arg14 : memref<!tpu.dma_semaphore, #tpu.memory_space<semaphore_mem>>) {add = true}
      %mul3A_792 = arith.constant 2 : i32
      %mul3A_793 = arith.muli %add3A_358, %mul3A_792 : i32
      %add3A_794 = arith.constant 1 : i32
      %add3A_795 = arith.addi %mul3A_793, %add3A_794 : i32
      %gt3A_796 = arith.constant 0 : i32
      %gt3A_797 = arith.cmpi sgt, %add3A_795, %gt3A_796 : i32
      %convert_element_type3A_798 = arith.extui %gt3A_797 : i1 to i32
      %cond3A_799 = arith.constant 0 : i32
      %cond3A_800 = arith.cmpi ne, %convert_element_type3A_798, %cond3A_799 : i32
      scf.if %cond3A_800 {
        %dma_wait3A_1233 = arith.constant 1 : i32
        %dma_wait3A_1234 = arith.constant 0 : i32
        %dma_wait3A_1235 = arith.constant 7 : i32
        %dma_wait3A_1236 = arith.constant 0 : i32
        %dma_wait3A_1237 = arith.constant 0 : i32
        %dma_wait3A_1238 = tpu.memref_slice %arg8[%dma_wait3A_1233, %dma_wait3A_1236, %dma_wait3A_1237] : memref<2x128x128xf32, #tpu.memory_space<vmem>> -> memref<1x128x128xf32, #tpu.memory_space<vmem>>
        %dma_wait3A_1239 = tpu.memref_squeeze %dma_wait3A_1238 : memref<1x128x128xf32, #tpu.memory_space<vmem>> -> memref<128x128xf32, #tpu.memory_space<vmem>>
        %dma_wait3A_1240 = arith.constant 0 : i32
        %dma_wait3A_1241 = tpu.memref_slice %arg7[%dma_wait3A_1234, %dma_wait3A_1235, %dma_wait3A_1240] : memref<2x8x128xi32, #tpu.memory_space<vmem>> -> memref<1x1x128xi32, #tpu.memory_space<vmem>>
        %dma_wait3A_1242 = tpu.memref_squeeze %dma_wait3A_1241 : memref<1x1x128xi32, #tpu.memory_space<vmem>> -> memref<128xi32, #tpu.memory_space<vmem>>
        %dma_wait3A_1243 = arith.constant 0 : i32
        %dma_wait3A_1244 = arith.constant 0 : i32
        %dma_wait3A_1245 = tpu.memref_slice %arg9[%dma_wait3A_1243, %dma_wait3A_1244] : memref<10240x128xf32, #tpu.memory_space<vmem_shared>> -> memref<10240x128xf32, #tpu.memory_space<vmem_shared>>
        tpu.wait_indirect_dma semaphore(%arg14 : memref<!tpu.dma_semaphore, #tpu.memory_space<semaphore_mem>>) src(%dma_wait3A_1239 : memref<128x128xf32, #tpu.memory_space<vmem>>) dst(%dma_wait3A_1245 : memref<10240x128xf32, #tpu.memory_space<vmem_shared>>)
      } else {
      }
      %lt3A_801 = arith.constant 31 : i32
      %lt3A_802 = arith.cmpi slt, %add3A, %lt3A_801 : i32
      %convert_element_type3A_803 = arith.extui %lt3A_802 : i1 to i32
      %cond3A_804 = arith.constant 1 : i32
      %cond3A_805 = arith.constant 0 : i32
      %cond3A_806 = arith.cmpi ne, %convert_element_type3A_803, %cond3A_805 : i32
      scf.if %cond3A_806 {
        %mul3A_1233 = arith.constant 8 : i32
        %mul3A_1234 = arith.muli %add3A_795, %mul3A_1233 : i32
        %add3A_1235 = arith.addi %mul3A_2, %mul3A_1234 : i32
        %dma_wait3A_1236 = arith.constant 1 : i32
        %dma_wait3A_1237 = arith.constant 0 : i32
        %dma_wait3A_1238 = arith.constant 0 : i32
        %dma_wait3A_1239 = tpu.memref_slice %arg7[%cond3A_804, %dma_wait3A_1237, %dma_wait3A_1238] : memref<2x8x128xi32, #tpu.memory_space<vmem>> -> memref<1x8x128xi32, #tpu.memory_space<vmem>>
        %dma_wait3A_1240 = tpu.memref_squeeze %dma_wait3A_1239 : memref<1x8x128xi32, #tpu.memory_space<vmem>> -> memref<8x128xi32, #tpu.memory_space<vmem>>
        %dma_wait3A_1241 = arith.constant 0 : i32
        %dma_wait3A_1242 = tpu.memref_slice %arg3[%dma_wait3A_1236, %add3A_1235, %dma_wait3A_1241] : memref<2x2500x128xi32, #tpu.memory_space<hbm>> -> memref<1x8x128xi32, #tpu.memory_space<hbm>>
        %dma_wait3A_1243 = tpu.memref_squeeze %dma_wait3A_1242 : memref<1x8x128xi32, #tpu.memory_space<hbm>> -> memref<8x128xi32, #tpu.memory_space<hbm>>
        %dma_wait3A_1244 = arith.constant 0 : i32
        %dma_wait3A_1245 = arith.constant 0 : i32
        %dma_wait3A_1246 = tpu.memref_slice %arg7[%cond3A_804, %dma_wait3A_1244, %dma_wait3A_1245] : memref<2x8x128xi32, #tpu.memory_space<vmem>> -> memref<1x8x128xi32, #tpu.memory_space<vmem>>
        %dma_wait3A_1247 = tpu.memref_squeeze %dma_wait3A_1246 : memref<1x8x128xi32, #tpu.memory_space<vmem>> -> memref<8x128xi32, #tpu.memory_space<vmem>>
        %dma_wait3A_1248 = arith.constant 0 : i32
        %dma_wait3A_1249 = tpu.memref_slice %arg3[%dma_wait3A_1236, %add3A_1235, %dma_wait3A_1248] : memref<2x2500x128xi32, #tpu.memory_space<hbm>> -> memref<1x8x128xi32, #tpu.memory_space<hbm>>
        %dma_wait3A_1250 = tpu.memref_squeeze %dma_wait3A_1249 : memref<1x8x128xi32, #tpu.memory_space<hbm>> -> memref<8x128xi32, #tpu.memory_space<hbm>>
        tpu.wait_dma2 semaphore(%arg12 : memref<!tpu.dma_semaphore, #tpu.memory_space<semaphore_mem>>) src(%dma_wait3A_1250 : memref<8x128xi32, #tpu.memory_space<hbm>>) dst(%dma_wait3A_1247 : memref<8x128xi32, #tpu.memory_space<vmem>>)
      } else {
      }
      %eq3A_807 = arith.constant 31 : i32
      %eq3A_808 = arith.cmpi eq, %add3A, %eq3A_807 : i32
      %convert_element_type3A_809 = arith.extui %eq3A_808 : i1 to i32
      %cond3A_810 = arith.constant 1 : i32
      %cond3A_811 = arith.constant 0 : i32
      %cond3A_812 = arith.cmpi ne, %convert_element_type3A_809, %cond3A_811 : i32
      scf.if %cond3A_812 {
        %mul3A_1233 = arith.constant 8 : i32
        %mul3A_1234 = arith.muli %add3A_795, %mul3A_1233 : i32
        %dma_wait3A_1235 = arith.constant 1 : i32
        %dma_wait3A_1236 = arith.constant 0 : i32
        %dma_wait3A_1237 = arith.constant 0 : i32
        %dma_wait3A_1238 = tpu.memref_slice %arg7[%cond3A_810, %dma_wait3A_1236, %dma_wait3A_1237] : memref<2x8x128xi32, #tpu.memory_space<vmem>> -> memref<1x8x128xi32, #tpu.memory_space<vmem>>
        %dma_wait3A_1239 = tpu.memref_squeeze %dma_wait3A_1238 : memref<1x8x128xi32, #tpu.memory_space<vmem>> -> memref<8x128xi32, #tpu.memory_space<vmem>>
        %dma_wait3A_1240 = arith.constant 0 : i32
        %dma_wait3A_1241 = tpu.memref_slice %arg4[%dma_wait3A_1235, %mul3A_1234, %dma_wait3A_1240] : memref<2x80x128xi32, #tpu.memory_space<hbm>> -> memref<1x8x128xi32, #tpu.memory_space<hbm>>
        %dma_wait3A_1242 = tpu.memref_squeeze %dma_wait3A_1241 : memref<1x8x128xi32, #tpu.memory_space<hbm>> -> memref<8x128xi32, #tpu.memory_space<hbm>>
        %dma_wait3A_1243 = arith.constant 0 : i32
        %dma_wait3A_1244 = arith.constant 0 : i32
        %dma_wait3A_1245 = tpu.memref_slice %arg7[%cond3A_810, %dma_wait3A_1243, %dma_wait3A_1244] : memref<2x8x128xi32, #tpu.memory_space<vmem>> -> memref<1x8x128xi32, #tpu.memory_space<vmem>>
        %dma_wait3A_1246 = tpu.memref_squeeze %dma_wait3A_1245 : memref<1x8x128xi32, #tpu.memory_space<vmem>> -> memref<8x128xi32, #tpu.memory_space<vmem>>
        %dma_wait3A_1247 = arith.constant 0 : i32
        %dma_wait3A_1248 = tpu.memref_slice %arg4[%dma_wait3A_1235, %mul3A_1234, %dma_wait3A_1247] : memref<2x80x128xi32, #tpu.memory_space<hbm>> -> memref<1x8x128xi32, #tpu.memory_space<hbm>>
        %dma_wait3A_1249 = tpu.memref_squeeze %dma_wait3A_1248 : memref<1x8x128xi32, #tpu.memory_space<hbm>> -> memref<8x128xi32, #tpu.memory_space<hbm>>
        tpu.wait_dma2 semaphore(%arg12 : memref<!tpu.dma_semaphore, #tpu.memory_space<semaphore_mem>>) src(%dma_wait3A_1249 : memref<8x128xi32, #tpu.memory_space<hbm>>) dst(%dma_wait3A_1246 : memref<8x128xi32, #tpu.memory_space<vmem>>)
      } else {
      }
      %add3A_813 = arith.constant 1 : i32
      %add3A_814 = arith.addi %add3A_795, %add3A_813 : i32
      %lt3A_815 = arith.constant 10 : i32
      %lt3A_816 = arith.cmpi slt, %add3A_814, %lt3A_815 : i32
      %convert_element_type3A_817 = arith.extui %lt3A_816 : i1 to i32
      %cond3A_818 = arith.constant 0 : i32
      %cond3A_819 = arith.cmpi ne, %convert_element_type3A_817, %cond3A_818 : i32
      scf.if %cond3A_819 {
        %add3A_1233 = arith.constant 1 : i32
        %add3A_1234 = arith.addi %add3A_795, %add3A_1233 : i32
        %lt3A_1235 = arith.constant 31 : i32
        %lt3A_1236 = arith.cmpi slt, %add3A, %lt3A_1235 : i32
        %convert_element_type3A_1237 = arith.extui %lt3A_1236 : i1 to i32
        %cond3A_1238 = arith.constant 0 : i32
        %cond3A_1239 = arith.constant 0 : i32
        %cond3A_1240 = arith.cmpi ne, %convert_element_type3A_1237, %cond3A_1239 : i32
        scf.if %cond3A_1240 {
          %mul3A_1247 = arith.constant 8 : i32
          %mul3A_1248 = arith.muli %add3A_1234, %mul3A_1247 : i32
          %add3A_1249 = arith.addi %mul3A_2, %mul3A_1248 : i32
          %dma_start3A_1250 = arith.constant 1 : i32
          %dma_start3A_1251 = arith.constant 0 : i32
          %dma_start3A_1252 = arith.constant 0 : i32
          %dma_start3A_1253 = tpu.memref_slice %arg7[%cond3A_1238, %dma_start3A_1251, %dma_start3A_1252] : memref<2x8x128xi32, #tpu.memory_space<vmem>> -> memref<1x8x128xi32, #tpu.memory_space<vmem>>
          %dma_start3A_1254 = tpu.memref_squeeze %dma_start3A_1253 : memref<1x8x128xi32, #tpu.memory_space<vmem>> -> memref<8x128xi32, #tpu.memory_space<vmem>>
          %dma_start3A_1255 = arith.constant 0 : i32
          %dma_start3A_1256 = tpu.memref_slice %arg3[%dma_start3A_1250, %add3A_1249, %dma_start3A_1255] : memref<2x2500x128xi32, #tpu.memory_space<hbm>> -> memref<1x8x128xi32, #tpu.memory_space<hbm>>
          %dma_start3A_1257 = tpu.memref_squeeze %dma_start3A_1256 : memref<1x8x128xi32, #tpu.memory_space<hbm>> -> memref<8x128xi32, #tpu.memory_space<hbm>>
          %dma_start3A_1258 = arith.constant 0 : i32
          %dma_start3A_1259 = arith.constant 0 : i32
          %dma_start3A_1260 = tpu.memref_slice %arg7[%cond3A_1238, %dma_start3A_1258, %dma_start3A_1259] : memref<2x8x128xi32, #tpu.memory_space<vmem>> -> memref<1x8x128xi32, #tpu.memory_space<vmem>>
          %dma_start3A_1261 = tpu.memref_squeeze %dma_start3A_1260 : memref<1x8x128xi32, #tpu.memory_space<vmem>> -> memref<8x128xi32, #tpu.memory_space<vmem>>
          %dma_start3A_1262 = arith.constant 0 : i32
          %dma_start3A_1263 = tpu.memref_slice %arg3[%dma_start3A_1250, %add3A_1249, %dma_start3A_1262] : memref<2x2500x128xi32, #tpu.memory_space<hbm>> -> memref<1x8x128xi32, #tpu.memory_space<hbm>>
          %dma_start3A_1264 = tpu.memref_squeeze %dma_start3A_1263 : memref<1x8x128xi32, #tpu.memory_space<hbm>> -> memref<8x128xi32, #tpu.memory_space<hbm>>
          tpu.enqueue_dma source(%dma_start3A_1264 : memref<8x128xi32, #tpu.memory_space<hbm>>) target(%dma_start3A_1261 : memref<8x128xi32, #tpu.memory_space<vmem>>) target_semaphore(%arg12 : memref<!tpu.dma_semaphore, #tpu.memory_space<semaphore_mem>>)
        } else {
        }
        %eq3A_1241 = arith.constant 31 : i32
        %eq3A_1242 = arith.cmpi eq, %add3A, %eq3A_1241 : i32
        %convert_element_type3A_1243 = arith.extui %eq3A_1242 : i1 to i32
        %cond3A_1244 = arith.constant 0 : i32
        %cond3A_1245 = arith.constant 0 : i32
        %cond3A_1246 = arith.cmpi ne, %convert_element_type3A_1243, %cond3A_1245 : i32
        scf.if %cond3A_1246 {
          %mul3A_1247 = arith.constant 8 : i32
          %mul3A_1248 = arith.muli %add3A_1234, %mul3A_1247 : i32
          %dma_start3A_1249 = arith.constant 1 : i32
          %dma_start3A_1250 = arith.constant 0 : i32
          %dma_start3A_1251 = arith.constant 0 : i32
          %dma_start3A_1252 = tpu.memref_slice %arg7[%cond3A_1244, %dma_start3A_1250, %dma_start3A_1251] : memref<2x8x128xi32, #tpu.memory_space<vmem>> -> memref<1x8x128xi32, #tpu.memory_space<vmem>>
          %dma_start3A_1253 = tpu.memref_squeeze %dma_start3A_1252 : memref<1x8x128xi32, #tpu.memory_space<vmem>> -> memref<8x128xi32, #tpu.memory_space<vmem>>
          %dma_start3A_1254 = arith.constant 0 : i32
          %dma_start3A_1255 = tpu.memref_slice %arg4[%dma_start3A_1249, %mul3A_1248, %dma_start3A_1254] : memref<2x80x128xi32, #tpu.memory_space<hbm>> -> memref<1x8x128xi32, #tpu.memory_space<hbm>>
          %dma_start3A_1256 = tpu.memref_squeeze %dma_start3A_1255 : memref<1x8x128xi32, #tpu.memory_space<hbm>> -> memref<8x128xi32, #tpu.memory_space<hbm>>
          %dma_start3A_1257 = arith.constant 0 : i32
          %dma_start3A_1258 = arith.constant 0 : i32
          %dma_start3A_1259 = tpu.memref_slice %arg7[%cond3A_1244, %dma_start3A_1257, %dma_start3A_1258] : memref<2x8x128xi32, #tpu.memory_space<vmem>> -> memref<1x8x128xi32, #tpu.memory_space<vmem>>
          %dma_start3A_1260 = tpu.memref_squeeze %dma_start3A_1259 : memref<1x8x128xi32, #tpu.memory_space<vmem>> -> memref<8x128xi32, #tpu.memory_space<vmem>>
          %dma_start3A_1261 = arith.constant 0 : i32
          %dma_start3A_1262 = tpu.memref_slice %arg4[%dma_start3A_1249, %mul3A_1248, %dma_start3A_1261] : memref<2x80x128xi32, #tpu.memory_space<hbm>> -> memref<1x8x128xi32, #tpu.memory_space<hbm>>
          %dma_start3A_1263 = tpu.memref_squeeze %dma_start3A_1262 : memref<1x8x128xi32, #tpu.memory_space<hbm>> -> memref<8x128xi32, #tpu.memory_space<hbm>>
          tpu.enqueue_dma source(%dma_start3A_1263 : memref<8x128xi32, #tpu.memory_space<hbm>>) target(%dma_start3A_1260 : memref<8x128xi32, #tpu.memory_space<vmem>>) target_semaphore(%arg12 : memref<!tpu.dma_semaphore, #tpu.memory_space<semaphore_mem>>)
        } else {
        }
      } else {
      }
      %mul3A_820 = arith.constant 8 : i32
      %mul3A_821 = arith.muli %add3A_795, %mul3A_820 : i32
      %add3A_822 = arith.constant 0 : i32
      %add3A_823 = arith.addi %mul3A_821, %add3A_822 : i32
      %add3A_824 = arith.constant 1 : i32
      %add3A_825 = arith.addi %add3A_823, %add3A_824 : i32
      %dma_start3A_826 = arith.constant 1 : i32
      %dma_start3A_827 = arith.constant 0 : i32
      %dma_start3A_828 = arith.constant 0 : i32
      %dma_start3A_829 = tpu.memref_slice %arg8[%dma_start3A_826, %dma_start3A_827, %dma_start3A_828] : memref<2x128x128xf32, #tpu.memory_space<vmem>> -> memref<1x128x128xf32, #tpu.memory_space<vmem>>
      %dma_start3A_830 = tpu.memref_squeeze %dma_start3A_829 : memref<1x128x128xf32, #tpu.memory_space<vmem>> -> memref<128x128xf32, #tpu.memory_space<vmem>>
      %dma_start3A_831 = arith.constant 0 : i32
      %dma_start3A_832 = tpu.memref_slice %arg6[%add3A_825, %dma_start3A_831] : memref<80x128xi32, #tpu.memory_space<vmem>> -> memref<1x128xi32, #tpu.memory_space<vmem>>
      %dma_start3A_833 = tpu.memref_squeeze %dma_start3A_832 : memref<1x128xi32, #tpu.memory_space<vmem>> -> memref<128xi32, #tpu.memory_space<vmem>>
      %dma_start3A_834 = arith.constant 0 : i32
      %dma_start3A_835 = arith.constant 0 : i32
      %dma_start3A_836 = tpu.memref_slice %arg2[%dma_start3A_834, %dma_start3A_835] : memref<10000x128xf32, #tpu.memory_space<hbm>> -> memref<10000x128xf32, #tpu.memory_space<hbm>>
      tpu.enqueue_indirect_dma source(%dma_start3A_836 : memref<10000x128xf32, #tpu.memory_space<hbm>>) target(%dma_start3A_830 : memref<128x128xf32, #tpu.memory_space<vmem>>) offsets(%dma_start3A_833 : memref<128xi32, #tpu.memory_space<vmem>>) semaphore(%arg11 : memref<!tpu.dma_semaphore, #tpu.memory_space<semaphore_mem>>)
      %dma_wait3A_837 = arith.constant 0 : i32
      %dma_wait3A_838 = arith.constant 0 : i32
      %dma_wait3A_839 = arith.constant 0 : i32
      %dma_wait3A_840 = tpu.memref_slice %arg8[%dma_wait3A_837, %dma_wait3A_838, %dma_wait3A_839] : memref<2x128x128xf32, #tpu.memory_space<vmem>> -> memref<1x128x128xf32, #tpu.memory_space<vmem>>
      %dma_wait3A_841 = tpu.memref_squeeze %dma_wait3A_840 : memref<1x128x128xf32, #tpu.memory_space<vmem>> -> memref<128x128xf32, #tpu.memory_space<vmem>>
      %dma_wait3A_842 = arith.constant 0 : i32
      %dma_wait3A_843 = tpu.memref_slice %arg6[%add3A_823, %dma_wait3A_842] : memref<80x128xi32, #tpu.memory_space<vmem>> -> memref<1x128xi32, #tpu.memory_space<vmem>>
      %dma_wait3A_844 = tpu.memref_squeeze %dma_wait3A_843 : memref<1x128xi32, #tpu.memory_space<vmem>> -> memref<128xi32, #tpu.memory_space<vmem>>
      %dma_wait3A_845 = arith.constant 0 : i32
      %dma_wait3A_846 = arith.constant 0 : i32
      %dma_wait3A_847 = tpu.memref_slice %arg2[%dma_wait3A_845, %dma_wait3A_846] : memref<10000x128xf32, #tpu.memory_space<hbm>> -> memref<10000x128xf32, #tpu.memory_space<hbm>>
      tpu.wait_indirect_dma semaphore(%arg10 : memref<!tpu.dma_semaphore, #tpu.memory_space<semaphore_mem>>) src(%dma_wait3A_847 : memref<10000x128xf32, #tpu.memory_space<hbm>>) dst(%dma_wait3A_841 : memref<128x128xf32, #tpu.memory_space<vmem>>)
      %dma_start3A_848 = arith.constant 0 : i32
      %dma_start3A_849 = arith.constant 1 : i32
      %dma_start3A_850 = arith.constant 0 : i32
      %dma_start3A_851 = arith.constant 0 : i32
      %dma_start3A_852 = arith.constant 0 : i32
      %dma_start3A_853 = tpu.memref_slice %arg8[%dma_start3A_848, %dma_start3A_851, %dma_start3A_852] : memref<2x128x128xf32, #tpu.memory_space<vmem>> -> memref<1x128x128xf32, #tpu.memory_space<vmem>>
      %dma_start3A_854 = tpu.memref_squeeze %dma_start3A_853 : memref<1x128x128xf32, #tpu.memory_space<vmem>> -> memref<128x128xf32, #tpu.memory_space<vmem>>
      %dma_start3A_855 = arith.constant 0 : i32
      %dma_start3A_856 = tpu.memref_slice %arg7[%dma_start3A_849, %dma_start3A_850, %dma_start3A_855] : memref<2x8x128xi32, #tpu.memory_space<vmem>> -> memref<1x1x128xi32, #tpu.memory_space<vmem>>
      %dma_start3A_857 = tpu.memref_squeeze %dma_start3A_856 : memref<1x1x128xi32, #tpu.memory_space<vmem>> -> memref<128xi32, #tpu.memory_space<vmem>>
      %dma_start3A_858 = arith.constant 0 : i32
      %dma_start3A_859 = arith.constant 0 : i32
      %dma_start3A_860 = tpu.memref_slice %arg9[%dma_start3A_858, %dma_start3A_859] : memref<10240x128xf32, #tpu.memory_space<vmem_shared>> -> memref<10240x128xf32, #tpu.memory_space<vmem_shared>>
      tpu.enqueue_indirect_dma source(%dma_start3A_854 : memref<128x128xf32, #tpu.memory_space<vmem>>) target(%dma_start3A_860 : memref<10240x128xf32, #tpu.memory_space<vmem_shared>>) offsets(%dma_start3A_857 : memref<128xi32, #tpu.memory_space<vmem>>) semaphore(%arg13 : memref<!tpu.dma_semaphore, #tpu.memory_space<semaphore_mem>>) {add = true}
      %mul3A_861 = arith.constant 8 : i32
      %mul3A_862 = arith.muli %add3A_795, %mul3A_861 : i32
      %add3A_863 = arith.constant 1 : i32
      %add3A_864 = arith.addi %mul3A_862, %add3A_863 : i32
      %dma_wait3A_865 = arith.constant 0 : i32
      %dma_wait3A_866 = arith.constant 1 : i32
      %dma_wait3A_867 = arith.constant 0 : i32
      %dma_wait3A_868 = arith.constant 0 : i32
      %dma_wait3A_869 = arith.constant 0 : i32
      %dma_wait3A_870 = tpu.memref_slice %arg8[%dma_wait3A_865, %dma_wait3A_868, %dma_wait3A_869] : memref<2x128x128xf32, #tpu.memory_space<vmem>> -> memref<1x128x128xf32, #tpu.memory_space<vmem>>
      %dma_wait3A_871 = tpu.memref_squeeze %dma_wait3A_870 : memref<1x128x128xf32, #tpu.memory_space<vmem>> -> memref<128x128xf32, #tpu.memory_space<vmem>>
      %dma_wait3A_872 = arith.constant 0 : i32
      %dma_wait3A_873 = tpu.memref_slice %arg7[%dma_wait3A_866, %dma_wait3A_867, %dma_wait3A_872] : memref<2x8x128xi32, #tpu.memory_space<vmem>> -> memref<1x1x128xi32, #tpu.memory_space<vmem>>
      %dma_wait3A_874 = tpu.memref_squeeze %dma_wait3A_873 : memref<1x1x128xi32, #tpu.memory_space<vmem>> -> memref<128xi32, #tpu.memory_space<vmem>>
      %dma_wait3A_875 = arith.constant 0 : i32
      %dma_wait3A_876 = arith.constant 0 : i32
      %dma_wait3A_877 = tpu.memref_slice %arg9[%dma_wait3A_875, %dma_wait3A_876] : memref<10240x128xf32, #tpu.memory_space<vmem_shared>> -> memref<10240x128xf32, #tpu.memory_space<vmem_shared>>
      tpu.wait_indirect_dma semaphore(%arg13 : memref<!tpu.dma_semaphore, #tpu.memory_space<semaphore_mem>>) src(%dma_wait3A_871 : memref<128x128xf32, #tpu.memory_space<vmem>>) dst(%dma_wait3A_877 : memref<10240x128xf32, #tpu.memory_space<vmem_shared>>)
      %add3A_878 = arith.constant 1 : i32
      %add3A_879 = arith.addi %add3A_864, %add3A_878 : i32
      %dma_start3A_880 = arith.constant 0 : i32
      %dma_start3A_881 = arith.constant 0 : i32
      %dma_start3A_882 = arith.constant 0 : i32
      %dma_start3A_883 = tpu.memref_slice %arg8[%dma_start3A_880, %dma_start3A_881, %dma_start3A_882] : memref<2x128x128xf32, #tpu.memory_space<vmem>> -> memref<1x128x128xf32, #tpu.memory_space<vmem>>
      %dma_start3A_884 = tpu.memref_squeeze %dma_start3A_883 : memref<1x128x128xf32, #tpu.memory_space<vmem>> -> memref<128x128xf32, #tpu.memory_space<vmem>>
      %dma_start3A_885 = arith.constant 0 : i32
      %dma_start3A_886 = tpu.memref_slice %arg6[%add3A_879, %dma_start3A_885] : memref<80x128xi32, #tpu.memory_space<vmem>> -> memref<1x128xi32, #tpu.memory_space<vmem>>
      %dma_start3A_887 = tpu.memref_squeeze %dma_start3A_886 : memref<1x128xi32, #tpu.memory_space<vmem>> -> memref<128xi32, #tpu.memory_space<vmem>>
      %dma_start3A_888 = arith.constant 0 : i32
      %dma_start3A_889 = arith.constant 0 : i32
      %dma_start3A_890 = tpu.memref_slice %arg2[%dma_start3A_888, %dma_start3A_889] : memref<10000x128xf32, #tpu.memory_space<hbm>> -> memref<10000x128xf32, #tpu.memory_space<hbm>>
      tpu.enqueue_indirect_dma source(%dma_start3A_890 : memref<10000x128xf32, #tpu.memory_space<hbm>>) target(%dma_start3A_884 : memref<128x128xf32, #tpu.memory_space<vmem>>) offsets(%dma_start3A_887 : memref<128xi32, #tpu.memory_space<vmem>>) semaphore(%arg10 : memref<!tpu.dma_semaphore, #tpu.memory_space<semaphore_mem>>)
      %dma_wait3A_891 = arith.constant 1 : i32
      %dma_wait3A_892 = arith.constant 0 : i32
      %dma_wait3A_893 = arith.constant 0 : i32
      %dma_wait3A_894 = tpu.memref_slice %arg8[%dma_wait3A_891, %dma_wait3A_892, %dma_wait3A_893] : memref<2x128x128xf32, #tpu.memory_space<vmem>> -> memref<1x128x128xf32, #tpu.memory_space<vmem>>
      %dma_wait3A_895 = tpu.memref_squeeze %dma_wait3A_894 : memref<1x128x128xf32, #tpu.memory_space<vmem>> -> memref<128x128xf32, #tpu.memory_space<vmem>>
      %dma_wait3A_896 = arith.constant 0 : i32
      %dma_wait3A_897 = tpu.memref_slice %arg6[%add3A_864, %dma_wait3A_896] : memref<80x128xi32, #tpu.memory_space<vmem>> -> memref<1x128xi32, #tpu.memory_space<vmem>>
      %dma_wait3A_898 = tpu.memref_squeeze %dma_wait3A_897 : memref<1x128xi32, #tpu.memory_space<vmem>> -> memref<128xi32, #tpu.memory_space<vmem>>
      %dma_wait3A_899 = arith.constant 0 : i32
      %dma_wait3A_900 = arith.constant 0 : i32
      %dma_wait3A_901 = tpu.memref_slice %arg2[%dma_wait3A_899, %dma_wait3A_900] : memref<10000x128xf32, #tpu.memory_space<hbm>> -> memref<10000x128xf32, #tpu.memory_space<hbm>>
      tpu.wait_indirect_dma semaphore(%arg11 : memref<!tpu.dma_semaphore, #tpu.memory_space<semaphore_mem>>) src(%dma_wait3A_901 : memref<10000x128xf32, #tpu.memory_space<hbm>>) dst(%dma_wait3A_895 : memref<128x128xf32, #tpu.memory_space<vmem>>)
      %dma_start3A_902 = arith.constant 1 : i32
      %dma_start3A_903 = arith.constant 1 : i32
      %dma_start3A_904 = arith.constant 1 : i32
      %dma_start3A_905 = arith.constant 0 : i32
      %dma_start3A_906 = arith.constant 0 : i32
      %dma_start3A_907 = tpu.memref_slice %arg8[%dma_start3A_902, %dma_start3A_905, %dma_start3A_906] : memref<2x128x128xf32, #tpu.memory_space<vmem>> -> memref<1x128x128xf32, #tpu.memory_space<vmem>>
      %dma_start3A_908 = tpu.memref_squeeze %dma_start3A_907 : memref<1x128x128xf32, #tpu.memory_space<vmem>> -> memref<128x128xf32, #tpu.memory_space<vmem>>
      %dma_start3A_909 = arith.constant 0 : i32
      %dma_start3A_910 = tpu.memref_slice %arg7[%dma_start3A_903, %dma_start3A_904, %dma_start3A_909] : memref<2x8x128xi32, #tpu.memory_space<vmem>> -> memref<1x1x128xi32, #tpu.memory_space<vmem>>
      %dma_start3A_911 = tpu.memref_squeeze %dma_start3A_910 : memref<1x1x128xi32, #tpu.memory_space<vmem>> -> memref<128xi32, #tpu.memory_space<vmem>>
      %dma_start3A_912 = arith.constant 0 : i32
      %dma_start3A_913 = arith.constant 0 : i32
      %dma_start3A_914 = tpu.memref_slice %arg9[%dma_start3A_912, %dma_start3A_913] : memref<10240x128xf32, #tpu.memory_space<vmem_shared>> -> memref<10240x128xf32, #tpu.memory_space<vmem_shared>>
      tpu.enqueue_indirect_dma source(%dma_start3A_908 : memref<128x128xf32, #tpu.memory_space<vmem>>) target(%dma_start3A_914 : memref<10240x128xf32, #tpu.memory_space<vmem_shared>>) offsets(%dma_start3A_911 : memref<128xi32, #tpu.memory_space<vmem>>) semaphore(%arg14 : memref<!tpu.dma_semaphore, #tpu.memory_space<semaphore_mem>>) {add = true}
      %mul3A_915 = arith.constant 8 : i32
      %mul3A_916 = arith.muli %add3A_795, %mul3A_915 : i32
      %add3A_917 = arith.constant 2 : i32
      %add3A_918 = arith.addi %mul3A_916, %add3A_917 : i32
      %dma_wait3A_919 = arith.constant 1 : i32
      %dma_wait3A_920 = arith.constant 1 : i32
      %dma_wait3A_921 = arith.constant 1 : i32
      %dma_wait3A_922 = arith.constant 0 : i32
      %dma_wait3A_923 = arith.constant 0 : i32
      %dma_wait3A_924 = tpu.memref_slice %arg8[%dma_wait3A_919, %dma_wait3A_922, %dma_wait3A_923] : memref<2x128x128xf32, #tpu.memory_space<vmem>> -> memref<1x128x128xf32, #tpu.memory_space<vmem>>
      %dma_wait3A_925 = tpu.memref_squeeze %dma_wait3A_924 : memref<1x128x128xf32, #tpu.memory_space<vmem>> -> memref<128x128xf32, #tpu.memory_space<vmem>>
      %dma_wait3A_926 = arith.constant 0 : i32
      %dma_wait3A_927 = tpu.memref_slice %arg7[%dma_wait3A_920, %dma_wait3A_921, %dma_wait3A_926] : memref<2x8x128xi32, #tpu.memory_space<vmem>> -> memref<1x1x128xi32, #tpu.memory_space<vmem>>
      %dma_wait3A_928 = tpu.memref_squeeze %dma_wait3A_927 : memref<1x1x128xi32, #tpu.memory_space<vmem>> -> memref<128xi32, #tpu.memory_space<vmem>>
      %dma_wait3A_929 = arith.constant 0 : i32
      %dma_wait3A_930 = arith.constant 0 : i32
      %dma_wait3A_931 = tpu.memref_slice %arg9[%dma_wait3A_929, %dma_wait3A_930] : memref<10240x128xf32, #tpu.memory_space<vmem_shared>> -> memref<10240x128xf32, #tpu.memory_space<vmem_shared>>
      tpu.wait_indirect_dma semaphore(%arg14 : memref<!tpu.dma_semaphore, #tpu.memory_space<semaphore_mem>>) src(%dma_wait3A_925 : memref<128x128xf32, #tpu.memory_space<vmem>>) dst(%dma_wait3A_931 : memref<10240x128xf32, #tpu.memory_space<vmem_shared>>)
      %add3A_932 = arith.constant 1 : i32
      %add3A_933 = arith.addi %add3A_918, %add3A_932 : i32
      %dma_start3A_934 = arith.constant 1 : i32
      %dma_start3A_935 = arith.constant 0 : i32
      %dma_start3A_936 = arith.constant 0 : i32
      %dma_start3A_937 = tpu.memref_slice %arg8[%dma_start3A_934, %dma_start3A_935, %dma_start3A_936] : memref<2x128x128xf32, #tpu.memory_space<vmem>> -> memref<1x128x128xf32, #tpu.memory_space<vmem>>
      %dma_start3A_938 = tpu.memref_squeeze %dma_start3A_937 : memref<1x128x128xf32, #tpu.memory_space<vmem>> -> memref<128x128xf32, #tpu.memory_space<vmem>>
      %dma_start3A_939 = arith.constant 0 : i32
      %dma_start3A_940 = tpu.memref_slice %arg6[%add3A_933, %dma_start3A_939] : memref<80x128xi32, #tpu.memory_space<vmem>> -> memref<1x128xi32, #tpu.memory_space<vmem>>
      %dma_start3A_941 = tpu.memref_squeeze %dma_start3A_940 : memref<1x128xi32, #tpu.memory_space<vmem>> -> memref<128xi32, #tpu.memory_space<vmem>>
      %dma_start3A_942 = arith.constant 0 : i32
      %dma_start3A_943 = arith.constant 0 : i32
      %dma_start3A_944 = tpu.memref_slice %arg2[%dma_start3A_942, %dma_start3A_943] : memref<10000x128xf32, #tpu.memory_space<hbm>> -> memref<10000x128xf32, #tpu.memory_space<hbm>>
      tpu.enqueue_indirect_dma source(%dma_start3A_944 : memref<10000x128xf32, #tpu.memory_space<hbm>>) target(%dma_start3A_938 : memref<128x128xf32, #tpu.memory_space<vmem>>) offsets(%dma_start3A_941 : memref<128xi32, #tpu.memory_space<vmem>>) semaphore(%arg11 : memref<!tpu.dma_semaphore, #tpu.memory_space<semaphore_mem>>)
      %dma_wait3A_945 = arith.constant 0 : i32
      %dma_wait3A_946 = arith.constant 0 : i32
      %dma_wait3A_947 = arith.constant 0 : i32
      %dma_wait3A_948 = tpu.memref_slice %arg8[%dma_wait3A_945, %dma_wait3A_946, %dma_wait3A_947] : memref<2x128x128xf32, #tpu.memory_space<vmem>> -> memref<1x128x128xf32, #tpu.memory_space<vmem>>
      %dma_wait3A_949 = tpu.memref_squeeze %dma_wait3A_948 : memref<1x128x128xf32, #tpu.memory_space<vmem>> -> memref<128x128xf32, #tpu.memory_space<vmem>>
      %dma_wait3A_950 = arith.constant 0 : i32
      %dma_wait3A_951 = tpu.memref_slice %arg6[%add3A_918, %dma_wait3A_950] : memref<80x128xi32, #tpu.memory_space<vmem>> -> memref<1x128xi32, #tpu.memory_space<vmem>>
      %dma_wait3A_952 = tpu.memref_squeeze %dma_wait3A_951 : memref<1x128xi32, #tpu.memory_space<vmem>> -> memref<128xi32, #tpu.memory_space<vmem>>
      %dma_wait3A_953 = arith.constant 0 : i32
      %dma_wait3A_954 = arith.constant 0 : i32
      %dma_wait3A_955 = tpu.memref_slice %arg2[%dma_wait3A_953, %dma_wait3A_954] : memref<10000x128xf32, #tpu.memory_space<hbm>> -> memref<10000x128xf32, #tpu.memory_space<hbm>>
      tpu.wait_indirect_dma semaphore(%arg10 : memref<!tpu.dma_semaphore, #tpu.memory_space<semaphore_mem>>) src(%dma_wait3A_955 : memref<10000x128xf32, #tpu.memory_space<hbm>>) dst(%dma_wait3A_949 : memref<128x128xf32, #tpu.memory_space<vmem>>)
      %dma_start3A_956 = arith.constant 0 : i32
      %dma_start3A_957 = arith.constant 1 : i32
      %dma_start3A_958 = arith.constant 2 : i32
      %dma_start3A_959 = arith.constant 0 : i32
      %dma_start3A_960 = arith.constant 0 : i32
      %dma_start3A_961 = tpu.memref_slice %arg8[%dma_start3A_956, %dma_start3A_959, %dma_start3A_960] : memref<2x128x128xf32, #tpu.memory_space<vmem>> -> memref<1x128x128xf32, #tpu.memory_space<vmem>>
      %dma_start3A_962 = tpu.memref_squeeze %dma_start3A_961 : memref<1x128x128xf32, #tpu.memory_space<vmem>> -> memref<128x128xf32, #tpu.memory_space<vmem>>
      %dma_start3A_963 = arith.constant 0 : i32
      %dma_start3A_964 = tpu.memref_slice %arg7[%dma_start3A_957, %dma_start3A_958, %dma_start3A_963] : memref<2x8x128xi32, #tpu.memory_space<vmem>> -> memref<1x1x128xi32, #tpu.memory_space<vmem>>
      %dma_start3A_965 = tpu.memref_squeeze %dma_start3A_964 : memref<1x1x128xi32, #tpu.memory_space<vmem>> -> memref<128xi32, #tpu.memory_space<vmem>>
      %dma_start3A_966 = arith.constant 0 : i32
      %dma_start3A_967 = arith.constant 0 : i32
      %dma_start3A_968 = tpu.memref_slice %arg9[%dma_start3A_966, %dma_start3A_967] : memref<10240x128xf32, #tpu.memory_space<vmem_shared>> -> memref<10240x128xf32, #tpu.memory_space<vmem_shared>>
      tpu.enqueue_indirect_dma source(%dma_start3A_962 : memref<128x128xf32, #tpu.memory_space<vmem>>) target(%dma_start3A_968 : memref<10240x128xf32, #tpu.memory_space<vmem_shared>>) offsets(%dma_start3A_965 : memref<128xi32, #tpu.memory_space<vmem>>) semaphore(%arg13 : memref<!tpu.dma_semaphore, #tpu.memory_space<semaphore_mem>>) {add = true}
      %mul3A_969 = arith.constant 8 : i32
      %mul3A_970 = arith.muli %add3A_795, %mul3A_969 : i32
      %add3A_971 = arith.constant 3 : i32
      %add3A_972 = arith.addi %mul3A_970, %add3A_971 : i32
      %dma_wait3A_973 = arith.constant 0 : i32
      %dma_wait3A_974 = arith.constant 1 : i32
      %dma_wait3A_975 = arith.constant 2 : i32
      %dma_wait3A_976 = arith.constant 0 : i32
      %dma_wait3A_977 = arith.constant 0 : i32
      %dma_wait3A_978 = tpu.memref_slice %arg8[%dma_wait3A_973, %dma_wait3A_976, %dma_wait3A_977] : memref<2x128x128xf32, #tpu.memory_space<vmem>> -> memref<1x128x128xf32, #tpu.memory_space<vmem>>
      %dma_wait3A_979 = tpu.memref_squeeze %dma_wait3A_978 : memref<1x128x128xf32, #tpu.memory_space<vmem>> -> memref<128x128xf32, #tpu.memory_space<vmem>>
      %dma_wait3A_980 = arith.constant 0 : i32
      %dma_wait3A_981 = tpu.memref_slice %arg7[%dma_wait3A_974, %dma_wait3A_975, %dma_wait3A_980] : memref<2x8x128xi32, #tpu.memory_space<vmem>> -> memref<1x1x128xi32, #tpu.memory_space<vmem>>
      %dma_wait3A_982 = tpu.memref_squeeze %dma_wait3A_981 : memref<1x1x128xi32, #tpu.memory_space<vmem>> -> memref<128xi32, #tpu.memory_space<vmem>>
      %dma_wait3A_983 = arith.constant 0 : i32
      %dma_wait3A_984 = arith.constant 0 : i32
      %dma_wait3A_985 = tpu.memref_slice %arg9[%dma_wait3A_983, %dma_wait3A_984] : memref<10240x128xf32, #tpu.memory_space<vmem_shared>> -> memref<10240x128xf32, #tpu.memory_space<vmem_shared>>
      tpu.wait_indirect_dma semaphore(%arg13 : memref<!tpu.dma_semaphore, #tpu.memory_space<semaphore_mem>>) src(%dma_wait3A_979 : memref<128x128xf32, #tpu.memory_space<vmem>>) dst(%dma_wait3A_985 : memref<10240x128xf32, #tpu.memory_space<vmem_shared>>)
      %add3A_986 = arith.constant 1 : i32
      %add3A_987 = arith.addi %add3A_972, %add3A_986 : i32
      %dma_start3A_988 = arith.constant 0 : i32
      %dma_start3A_989 = arith.constant 0 : i32
      %dma_start3A_990 = arith.constant 0 : i32
      %dma_start3A_991 = tpu.memref_slice %arg8[%dma_start3A_988, %dma_start3A_989, %dma_start3A_990] : memref<2x128x128xf32, #tpu.memory_space<vmem>> -> memref<1x128x128xf32, #tpu.memory_space<vmem>>
      %dma_start3A_992 = tpu.memref_squeeze %dma_start3A_991 : memref<1x128x128xf32, #tpu.memory_space<vmem>> -> memref<128x128xf32, #tpu.memory_space<vmem>>
      %dma_start3A_993 = arith.constant 0 : i32
      %dma_start3A_994 = tpu.memref_slice %arg6[%add3A_987, %dma_start3A_993] : memref<80x128xi32, #tpu.memory_space<vmem>> -> memref<1x128xi32, #tpu.memory_space<vmem>>
      %dma_start3A_995 = tpu.memref_squeeze %dma_start3A_994 : memref<1x128xi32, #tpu.memory_space<vmem>> -> memref<128xi32, #tpu.memory_space<vmem>>
      %dma_start3A_996 = arith.constant 0 : i32
      %dma_start3A_997 = arith.constant 0 : i32
      %dma_start3A_998 = tpu.memref_slice %arg2[%dma_start3A_996, %dma_start3A_997] : memref<10000x128xf32, #tpu.memory_space<hbm>> -> memref<10000x128xf32, #tpu.memory_space<hbm>>
      tpu.enqueue_indirect_dma source(%dma_start3A_998 : memref<10000x128xf32, #tpu.memory_space<hbm>>) target(%dma_start3A_992 : memref<128x128xf32, #tpu.memory_space<vmem>>) offsets(%dma_start3A_995 : memref<128xi32, #tpu.memory_space<vmem>>) semaphore(%arg10 : memref<!tpu.dma_semaphore, #tpu.memory_space<semaphore_mem>>)
      %dma_wait3A_999 = arith.constant 1 : i32
      %dma_wait3A_1000 = arith.constant 0 : i32
      %dma_wait3A_1001 = arith.constant 0 : i32
      %dma_wait3A_1002 = tpu.memref_slice %arg8[%dma_wait3A_999, %dma_wait3A_1000, %dma_wait3A_1001] : memref<2x128x128xf32, #tpu.memory_space<vmem>> -> memref<1x128x128xf32, #tpu.memory_space<vmem>>
      %dma_wait3A_1003 = tpu.memref_squeeze %dma_wait3A_1002 : memref<1x128x128xf32, #tpu.memory_space<vmem>> -> memref<128x128xf32, #tpu.memory_space<vmem>>
      %dma_wait3A_1004 = arith.constant 0 : i32
      %dma_wait3A_1005 = tpu.memref_slice %arg6[%add3A_972, %dma_wait3A_1004] : memref<80x128xi32, #tpu.memory_space<vmem>> -> memref<1x128xi32, #tpu.memory_space<vmem>>
      %dma_wait3A_1006 = tpu.memref_squeeze %dma_wait3A_1005 : memref<1x128xi32, #tpu.memory_space<vmem>> -> memref<128xi32, #tpu.memory_space<vmem>>
      %dma_wait3A_1007 = arith.constant 0 : i32
      %dma_wait3A_1008 = arith.constant 0 : i32
      %dma_wait3A_1009 = tpu.memref_slice %arg2[%dma_wait3A_1007, %dma_wait3A_1008] : memref<10000x128xf32, #tpu.memory_space<hbm>> -> memref<10000x128xf32, #tpu.memory_space<hbm>>
      tpu.wait_indirect_dma semaphore(%arg11 : memref<!tpu.dma_semaphore, #tpu.memory_space<semaphore_mem>>) src(%dma_wait3A_1009 : memref<10000x128xf32, #tpu.memory_space<hbm>>) dst(%dma_wait3A_1003 : memref<128x128xf32, #tpu.memory_space<vmem>>)
      %dma_start3A_1010 = arith.constant 1 : i32
      %dma_start3A_1011 = arith.constant 1 : i32
      %dma_start3A_1012 = arith.constant 3 : i32
      %dma_start3A_1013 = arith.constant 0 : i32
      %dma_start3A_1014 = arith.constant 0 : i32
      %dma_start3A_1015 = tpu.memref_slice %arg8[%dma_start3A_1010, %dma_start3A_1013, %dma_start3A_1014] : memref<2x128x128xf32, #tpu.memory_space<vmem>> -> memref<1x128x128xf32, #tpu.memory_space<vmem>>
      %dma_start3A_1016 = tpu.memref_squeeze %dma_start3A_1015 : memref<1x128x128xf32, #tpu.memory_space<vmem>> -> memref<128x128xf32, #tpu.memory_space<vmem>>
      %dma_start3A_1017 = arith.constant 0 : i32
      %dma_start3A_1018 = tpu.memref_slice %arg7[%dma_start3A_1011, %dma_start3A_1012, %dma_start3A_1017] : memref<2x8x128xi32, #tpu.memory_space<vmem>> -> memref<1x1x128xi32, #tpu.memory_space<vmem>>
      %dma_start3A_1019 = tpu.memref_squeeze %dma_start3A_1018 : memref<1x1x128xi32, #tpu.memory_space<vmem>> -> memref<128xi32, #tpu.memory_space<vmem>>
      %dma_start3A_1020 = arith.constant 0 : i32
      %dma_start3A_1021 = arith.constant 0 : i32
      %dma_start3A_1022 = tpu.memref_slice %arg9[%dma_start3A_1020, %dma_start3A_1021] : memref<10240x128xf32, #tpu.memory_space<vmem_shared>> -> memref<10240x128xf32, #tpu.memory_space<vmem_shared>>
      tpu.enqueue_indirect_dma source(%dma_start3A_1016 : memref<128x128xf32, #tpu.memory_space<vmem>>) target(%dma_start3A_1022 : memref<10240x128xf32, #tpu.memory_space<vmem_shared>>) offsets(%dma_start3A_1019 : memref<128xi32, #tpu.memory_space<vmem>>) semaphore(%arg14 : memref<!tpu.dma_semaphore, #tpu.memory_space<semaphore_mem>>) {add = true}
      %mul3A_1023 = arith.constant 8 : i32
      %mul3A_1024 = arith.muli %add3A_795, %mul3A_1023 : i32
      %add3A_1025 = arith.constant 4 : i32
      %add3A_1026 = arith.addi %mul3A_1024, %add3A_1025 : i32
      %dma_wait3A_1027 = arith.constant 1 : i32
      %dma_wait3A_1028 = arith.constant 1 : i32
      %dma_wait3A_1029 = arith.constant 3 : i32
      %dma_wait3A_1030 = arith.constant 0 : i32
      %dma_wait3A_1031 = arith.constant 0 : i32
      %dma_wait3A_1032 = tpu.memref_slice %arg8[%dma_wait3A_1027, %dma_wait3A_1030, %dma_wait3A_1031] : memref<2x128x128xf32, #tpu.memory_space<vmem>> -> memref<1x128x128xf32, #tpu.memory_space<vmem>>
      %dma_wait3A_1033 = tpu.memref_squeeze %dma_wait3A_1032 : memref<1x128x128xf32, #tpu.memory_space<vmem>> -> memref<128x128xf32, #tpu.memory_space<vmem>>
      %dma_wait3A_1034 = arith.constant 0 : i32
      %dma_wait3A_1035 = tpu.memref_slice %arg7[%dma_wait3A_1028, %dma_wait3A_1029, %dma_wait3A_1034] : memref<2x8x128xi32, #tpu.memory_space<vmem>> -> memref<1x1x128xi32, #tpu.memory_space<vmem>>
      %dma_wait3A_1036 = tpu.memref_squeeze %dma_wait3A_1035 : memref<1x1x128xi32, #tpu.memory_space<vmem>> -> memref<128xi32, #tpu.memory_space<vmem>>
      %dma_wait3A_1037 = arith.constant 0 : i32
      %dma_wait3A_1038 = arith.constant 0 : i32
      %dma_wait3A_1039 = tpu.memref_slice %arg9[%dma_wait3A_1037, %dma_wait3A_1038] : memref<10240x128xf32, #tpu.memory_space<vmem_shared>> -> memref<10240x128xf32, #tpu.memory_space<vmem_shared>>
      tpu.wait_indirect_dma semaphore(%arg14 : memref<!tpu.dma_semaphore, #tpu.memory_space<semaphore_mem>>) src(%dma_wait3A_1033 : memref<128x128xf32, #tpu.memory_space<vmem>>) dst(%dma_wait3A_1039 : memref<10240x128xf32, #tpu.memory_space<vmem_shared>>)
      %add3A_1040 = arith.constant 1 : i32
      %add3A_1041 = arith.addi %add3A_1026, %add3A_1040 : i32
      %dma_start3A_1042 = arith.constant 1 : i32
      %dma_start3A_1043 = arith.constant 0 : i32
      %dma_start3A_1044 = arith.constant 0 : i32
      %dma_start3A_1045 = tpu.memref_slice %arg8[%dma_start3A_1042, %dma_start3A_1043, %dma_start3A_1044] : memref<2x128x128xf32, #tpu.memory_space<vmem>> -> memref<1x128x128xf32, #tpu.memory_space<vmem>>
      %dma_start3A_1046 = tpu.memref_squeeze %dma_start3A_1045 : memref<1x128x128xf32, #tpu.memory_space<vmem>> -> memref<128x128xf32, #tpu.memory_space<vmem>>
      %dma_start3A_1047 = arith.constant 0 : i32
      %dma_start3A_1048 = tpu.memref_slice %arg6[%add3A_1041, %dma_start3A_1047] : memref<80x128xi32, #tpu.memory_space<vmem>> -> memref<1x128xi32, #tpu.memory_space<vmem>>
      %dma_start3A_1049 = tpu.memref_squeeze %dma_start3A_1048 : memref<1x128xi32, #tpu.memory_space<vmem>> -> memref<128xi32, #tpu.memory_space<vmem>>
      %dma_start3A_1050 = arith.constant 0 : i32
      %dma_start3A_1051 = arith.constant 0 : i32
      %dma_start3A_1052 = tpu.memref_slice %arg2[%dma_start3A_1050, %dma_start3A_1051] : memref<10000x128xf32, #tpu.memory_space<hbm>> -> memref<10000x128xf32, #tpu.memory_space<hbm>>
      tpu.enqueue_indirect_dma source(%dma_start3A_1052 : memref<10000x128xf32, #tpu.memory_space<hbm>>) target(%dma_start3A_1046 : memref<128x128xf32, #tpu.memory_space<vmem>>) offsets(%dma_start3A_1049 : memref<128xi32, #tpu.memory_space<vmem>>) semaphore(%arg11 : memref<!tpu.dma_semaphore, #tpu.memory_space<semaphore_mem>>)
      %dma_wait3A_1053 = arith.constant 0 : i32
      %dma_wait3A_1054 = arith.constant 0 : i32
      %dma_wait3A_1055 = arith.constant 0 : i32
      %dma_wait3A_1056 = tpu.memref_slice %arg8[%dma_wait3A_1053, %dma_wait3A_1054, %dma_wait3A_1055] : memref<2x128x128xf32, #tpu.memory_space<vmem>> -> memref<1x128x128xf32, #tpu.memory_space<vmem>>
      %dma_wait3A_1057 = tpu.memref_squeeze %dma_wait3A_1056 : memref<1x128x128xf32, #tpu.memory_space<vmem>> -> memref<128x128xf32, #tpu.memory_space<vmem>>
      %dma_wait3A_1058 = arith.constant 0 : i32
      %dma_wait3A_1059 = tpu.memref_slice %arg6[%add3A_1026, %dma_wait3A_1058] : memref<80x128xi32, #tpu.memory_space<vmem>> -> memref<1x128xi32, #tpu.memory_space<vmem>>
      %dma_wait3A_1060 = tpu.memref_squeeze %dma_wait3A_1059 : memref<1x128xi32, #tpu.memory_space<vmem>> -> memref<128xi32, #tpu.memory_space<vmem>>
      %dma_wait3A_1061 = arith.constant 0 : i32
      %dma_wait3A_1062 = arith.constant 0 : i32
      %dma_wait3A_1063 = tpu.memref_slice %arg2[%dma_wait3A_1061, %dma_wait3A_1062] : memref<10000x128xf32, #tpu.memory_space<hbm>> -> memref<10000x128xf32, #tpu.memory_space<hbm>>
      tpu.wait_indirect_dma semaphore(%arg10 : memref<!tpu.dma_semaphore, #tpu.memory_space<semaphore_mem>>) src(%dma_wait3A_1063 : memref<10000x128xf32, #tpu.memory_space<hbm>>) dst(%dma_wait3A_1057 : memref<128x128xf32, #tpu.memory_space<vmem>>)
      %dma_start3A_1064 = arith.constant 0 : i32
      %dma_start3A_1065 = arith.constant 1 : i32
      %dma_start3A_1066 = arith.constant 4 : i32
      %dma_start3A_1067 = arith.constant 0 : i32
      %dma_start3A_1068 = arith.constant 0 : i32
      %dma_start3A_1069 = tpu.memref_slice %arg8[%dma_start3A_1064, %dma_start3A_1067, %dma_start3A_1068] : memref<2x128x128xf32, #tpu.memory_space<vmem>> -> memref<1x128x128xf32, #tpu.memory_space<vmem>>
      %dma_start3A_1070 = tpu.memref_squeeze %dma_start3A_1069 : memref<1x128x128xf32, #tpu.memory_space<vmem>> -> memref<128x128xf32, #tpu.memory_space<vmem>>
      %dma_start3A_1071 = arith.constant 0 : i32
      %dma_start3A_1072 = tpu.memref_slice %arg7[%dma_start3A_1065, %dma_start3A_1066, %dma_start3A_1071] : memref<2x8x128xi32, #tpu.memory_space<vmem>> -> memref<1x1x128xi32, #tpu.memory_space<vmem>>
      %dma_start3A_1073 = tpu.memref_squeeze %dma_start3A_1072 : memref<1x1x128xi32, #tpu.memory_space<vmem>> -> memref<128xi32, #tpu.memory_space<vmem>>
      %dma_start3A_1074 = arith.constant 0 : i32
      %dma_start3A_1075 = arith.constant 0 : i32
      %dma_start3A_1076 = tpu.memref_slice %arg9[%dma_start3A_1074, %dma_start3A_1075] : memref<10240x128xf32, #tpu.memory_space<vmem_shared>> -> memref<10240x128xf32, #tpu.memory_space<vmem_shared>>
      tpu.enqueue_indirect_dma source(%dma_start3A_1070 : memref<128x128xf32, #tpu.memory_space<vmem>>) target(%dma_start3A_1076 : memref<10240x128xf32, #tpu.memory_space<vmem_shared>>) offsets(%dma_start3A_1073 : memref<128xi32, #tpu.memory_space<vmem>>) semaphore(%arg13 : memref<!tpu.dma_semaphore, #tpu.memory_space<semaphore_mem>>) {add = true}
      %mul3A_1077 = arith.constant 8 : i32
      %mul3A_1078 = arith.muli %add3A_795, %mul3A_1077 : i32
      %add3A_1079 = arith.constant 5 : i32
      %add3A_1080 = arith.addi %mul3A_1078, %add3A_1079 : i32
      %dma_wait3A_1081 = arith.constant 0 : i32
      %dma_wait3A_1082 = arith.constant 1 : i32
      %dma_wait3A_1083 = arith.constant 4 : i32
      %dma_wait3A_1084 = arith.constant 0 : i32
      %dma_wait3A_1085 = arith.constant 0 : i32
      %dma_wait3A_1086 = tpu.memref_slice %arg8[%dma_wait3A_1081, %dma_wait3A_1084, %dma_wait3A_1085] : memref<2x128x128xf32, #tpu.memory_space<vmem>> -> memref<1x128x128xf32, #tpu.memory_space<vmem>>
      %dma_wait3A_1087 = tpu.memref_squeeze %dma_wait3A_1086 : memref<1x128x128xf32, #tpu.memory_space<vmem>> -> memref<128x128xf32, #tpu.memory_space<vmem>>
      %dma_wait3A_1088 = arith.constant 0 : i32
      %dma_wait3A_1089 = tpu.memref_slice %arg7[%dma_wait3A_1082, %dma_wait3A_1083, %dma_wait3A_1088] : memref<2x8x128xi32, #tpu.memory_space<vmem>> -> memref<1x1x128xi32, #tpu.memory_space<vmem>>
      %dma_wait3A_1090 = tpu.memref_squeeze %dma_wait3A_1089 : memref<1x1x128xi32, #tpu.memory_space<vmem>> -> memref<128xi32, #tpu.memory_space<vmem>>
      %dma_wait3A_1091 = arith.constant 0 : i32
      %dma_wait3A_1092 = arith.constant 0 : i32
      %dma_wait3A_1093 = tpu.memref_slice %arg9[%dma_wait3A_1091, %dma_wait3A_1092] : memref<10240x128xf32, #tpu.memory_space<vmem_shared>> -> memref<10240x128xf32, #tpu.memory_space<vmem_shared>>
      tpu.wait_indirect_dma semaphore(%arg13 : memref<!tpu.dma_semaphore, #tpu.memory_space<semaphore_mem>>) src(%dma_wait3A_1087 : memref<128x128xf32, #tpu.memory_space<vmem>>) dst(%dma_wait3A_1093 : memref<10240x128xf32, #tpu.memory_space<vmem_shared>>)
      %add3A_1094 = arith.constant 1 : i32
      %add3A_1095 = arith.addi %add3A_1080, %add3A_1094 : i32
      %dma_start3A_1096 = arith.constant 0 : i32
      %dma_start3A_1097 = arith.constant 0 : i32
      %dma_start3A_1098 = arith.constant 0 : i32
      %dma_start3A_1099 = tpu.memref_slice %arg8[%dma_start3A_1096, %dma_start3A_1097, %dma_start3A_1098] : memref<2x128x128xf32, #tpu.memory_space<vmem>> -> memref<1x128x128xf32, #tpu.memory_space<vmem>>
      %dma_start3A_1100 = tpu.memref_squeeze %dma_start3A_1099 : memref<1x128x128xf32, #tpu.memory_space<vmem>> -> memref<128x128xf32, #tpu.memory_space<vmem>>
      %dma_start3A_1101 = arith.constant 0 : i32
      %dma_start3A_1102 = tpu.memref_slice %arg6[%add3A_1095, %dma_start3A_1101] : memref<80x128xi32, #tpu.memory_space<vmem>> -> memref<1x128xi32, #tpu.memory_space<vmem>>
      %dma_start3A_1103 = tpu.memref_squeeze %dma_start3A_1102 : memref<1x128xi32, #tpu.memory_space<vmem>> -> memref<128xi32, #tpu.memory_space<vmem>>
      %dma_start3A_1104 = arith.constant 0 : i32
      %dma_start3A_1105 = arith.constant 0 : i32
      %dma_start3A_1106 = tpu.memref_slice %arg2[%dma_start3A_1104, %dma_start3A_1105] : memref<10000x128xf32, #tpu.memory_space<hbm>> -> memref<10000x128xf32, #tpu.memory_space<hbm>>
      tpu.enqueue_indirect_dma source(%dma_start3A_1106 : memref<10000x128xf32, #tpu.memory_space<hbm>>) target(%dma_start3A_1100 : memref<128x128xf32, #tpu.memory_space<vmem>>) offsets(%dma_start3A_1103 : memref<128xi32, #tpu.memory_space<vmem>>) semaphore(%arg10 : memref<!tpu.dma_semaphore, #tpu.memory_space<semaphore_mem>>)
      %dma_wait3A_1107 = arith.constant 1 : i32
      %dma_wait3A_1108 = arith.constant 0 : i32
      %dma_wait3A_1109 = arith.constant 0 : i32
      %dma_wait3A_1110 = tpu.memref_slice %arg8[%dma_wait3A_1107, %dma_wait3A_1108, %dma_wait3A_1109] : memref<2x128x128xf32, #tpu.memory_space<vmem>> -> memref<1x128x128xf32, #tpu.memory_space<vmem>>
      %dma_wait3A_1111 = tpu.memref_squeeze %dma_wait3A_1110 : memref<1x128x128xf32, #tpu.memory_space<vmem>> -> memref<128x128xf32, #tpu.memory_space<vmem>>
      %dma_wait3A_1112 = arith.constant 0 : i32
      %dma_wait3A_1113 = tpu.memref_slice %arg6[%add3A_1080, %dma_wait3A_1112] : memref<80x128xi32, #tpu.memory_space<vmem>> -> memref<1x128xi32, #tpu.memory_space<vmem>>
      %dma_wait3A_1114 = tpu.memref_squeeze %dma_wait3A_1113 : memref<1x128xi32, #tpu.memory_space<vmem>> -> memref<128xi32, #tpu.memory_space<vmem>>
      %dma_wait3A_1115 = arith.constant 0 : i32
      %dma_wait3A_1116 = arith.constant 0 : i32
      %dma_wait3A_1117 = tpu.memref_slice %arg2[%dma_wait3A_1115, %dma_wait3A_1116] : memref<10000x128xf32, #tpu.memory_space<hbm>> -> memref<10000x128xf32, #tpu.memory_space<hbm>>
      tpu.wait_indirect_dma semaphore(%arg11 : memref<!tpu.dma_semaphore, #tpu.memory_space<semaphore_mem>>) src(%dma_wait3A_1117 : memref<10000x128xf32, #tpu.memory_space<hbm>>) dst(%dma_wait3A_1111 : memref<128x128xf32, #tpu.memory_space<vmem>>)
      %dma_start3A_1118 = arith.constant 1 : i32
      %dma_start3A_1119 = arith.constant 1 : i32
      %dma_start3A_1120 = arith.constant 5 : i32
      %dma_start3A_1121 = arith.constant 0 : i32
      %dma_start3A_1122 = arith.constant 0 : i32
      %dma_start3A_1123 = tpu.memref_slice %arg8[%dma_start3A_1118, %dma_start3A_1121, %dma_start3A_1122] : memref<2x128x128xf32, #tpu.memory_space<vmem>> -> memref<1x128x128xf32, #tpu.memory_space<vmem>>
      %dma_start3A_1124 = tpu.memref_squeeze %dma_start3A_1123 : memref<1x128x128xf32, #tpu.memory_space<vmem>> -> memref<128x128xf32, #tpu.memory_space<vmem>>
      %dma_start3A_1125 = arith.constant 0 : i32
      %dma_start3A_1126 = tpu.memref_slice %arg7[%dma_start3A_1119, %dma_start3A_1120, %dma_start3A_1125] : memref<2x8x128xi32, #tpu.memory_space<vmem>> -> memref<1x1x128xi32, #tpu.memory_space<vmem>>
      %dma_start3A_1127 = tpu.memref_squeeze %dma_start3A_1126 : memref<1x1x128xi32, #tpu.memory_space<vmem>> -> memref<128xi32, #tpu.memory_space<vmem>>
      %dma_start3A_1128 = arith.constant 0 : i32
      %dma_start3A_1129 = arith.constant 0 : i32
      %dma_start3A_1130 = tpu.memref_slice %arg9[%dma_start3A_1128, %dma_start3A_1129] : memref<10240x128xf32, #tpu.memory_space<vmem_shared>> -> memref<10240x128xf32, #tpu.memory_space<vmem_shared>>
      tpu.enqueue_indirect_dma source(%dma_start3A_1124 : memref<128x128xf32, #tpu.memory_space<vmem>>) target(%dma_start3A_1130 : memref<10240x128xf32, #tpu.memory_space<vmem_shared>>) offsets(%dma_start3A_1127 : memref<128xi32, #tpu.memory_space<vmem>>) semaphore(%arg14 : memref<!tpu.dma_semaphore, #tpu.memory_space<semaphore_mem>>) {add = true}
      %mul3A_1131 = arith.constant 8 : i32
      %mul3A_1132 = arith.muli %add3A_795, %mul3A_1131 : i32
      %add3A_1133 = arith.constant 6 : i32
      %add3A_1134 = arith.addi %mul3A_1132, %add3A_1133 : i32
      %dma_wait3A_1135 = arith.constant 1 : i32
      %dma_wait3A_1136 = arith.constant 1 : i32
      %dma_wait3A_1137 = arith.constant 5 : i32
      %dma_wait3A_1138 = arith.constant 0 : i32
      %dma_wait3A_1139 = arith.constant 0 : i32
      %dma_wait3A_1140 = tpu.memref_slice %arg8[%dma_wait3A_1135, %dma_wait3A_1138, %dma_wait3A_1139] : memref<2x128x128xf32, #tpu.memory_space<vmem>> -> memref<1x128x128xf32, #tpu.memory_space<vmem>>
      %dma_wait3A_1141 = tpu.memref_squeeze %dma_wait3A_1140 : memref<1x128x128xf32, #tpu.memory_space<vmem>> -> memref<128x128xf32, #tpu.memory_space<vmem>>
      %dma_wait3A_1142 = arith.constant 0 : i32
      %dma_wait3A_1143 = tpu.memref_slice %arg7[%dma_wait3A_1136, %dma_wait3A_1137, %dma_wait3A_1142] : memref<2x8x128xi32, #tpu.memory_space<vmem>> -> memref<1x1x128xi32, #tpu.memory_space<vmem>>
      %dma_wait3A_1144 = tpu.memref_squeeze %dma_wait3A_1143 : memref<1x1x128xi32, #tpu.memory_space<vmem>> -> memref<128xi32, #tpu.memory_space<vmem>>
      %dma_wait3A_1145 = arith.constant 0 : i32
      %dma_wait3A_1146 = arith.constant 0 : i32
      %dma_wait3A_1147 = tpu.memref_slice %arg9[%dma_wait3A_1145, %dma_wait3A_1146] : memref<10240x128xf32, #tpu.memory_space<vmem_shared>> -> memref<10240x128xf32, #tpu.memory_space<vmem_shared>>
      tpu.wait_indirect_dma semaphore(%arg14 : memref<!tpu.dma_semaphore, #tpu.memory_space<semaphore_mem>>) src(%dma_wait3A_1141 : memref<128x128xf32, #tpu.memory_space<vmem>>) dst(%dma_wait3A_1147 : memref<10240x128xf32, #tpu.memory_space<vmem_shared>>)
      %add3A_1148 = arith.constant 1 : i32
      %add3A_1149 = arith.addi %add3A_1134, %add3A_1148 : i32
      %dma_start3A_1150 = arith.constant 1 : i32
      %dma_start3A_1151 = arith.constant 0 : i32
      %dma_start3A_1152 = arith.constant 0 : i32
      %dma_start3A_1153 = tpu.memref_slice %arg8[%dma_start3A_1150, %dma_start3A_1151, %dma_start3A_1152] : memref<2x128x128xf32, #tpu.memory_space<vmem>> -> memref<1x128x128xf32, #tpu.memory_space<vmem>>
      %dma_start3A_1154 = tpu.memref_squeeze %dma_start3A_1153 : memref<1x128x128xf32, #tpu.memory_space<vmem>> -> memref<128x128xf32, #tpu.memory_space<vmem>>
      %dma_start3A_1155 = arith.constant 0 : i32
      %dma_start3A_1156 = tpu.memref_slice %arg6[%add3A_1149, %dma_start3A_1155] : memref<80x128xi32, #tpu.memory_space<vmem>> -> memref<1x128xi32, #tpu.memory_space<vmem>>
      %dma_start3A_1157 = tpu.memref_squeeze %dma_start3A_1156 : memref<1x128xi32, #tpu.memory_space<vmem>> -> memref<128xi32, #tpu.memory_space<vmem>>
      %dma_start3A_1158 = arith.constant 0 : i32
      %dma_start3A_1159 = arith.constant 0 : i32
      %dma_start3A_1160 = tpu.memref_slice %arg2[%dma_start3A_1158, %dma_start3A_1159] : memref<10000x128xf32, #tpu.memory_space<hbm>> -> memref<10000x128xf32, #tpu.memory_space<hbm>>
      tpu.enqueue_indirect_dma source(%dma_start3A_1160 : memref<10000x128xf32, #tpu.memory_space<hbm>>) target(%dma_start3A_1154 : memref<128x128xf32, #tpu.memory_space<vmem>>) offsets(%dma_start3A_1157 : memref<128xi32, #tpu.memory_space<vmem>>) semaphore(%arg11 : memref<!tpu.dma_semaphore, #tpu.memory_space<semaphore_mem>>)
      %dma_wait3A_1161 = arith.constant 0 : i32
      %dma_wait3A_1162 = arith.constant 0 : i32
      %dma_wait3A_1163 = arith.constant 0 : i32
      %dma_wait3A_1164 = tpu.memref_slice %arg8[%dma_wait3A_1161, %dma_wait3A_1162, %dma_wait3A_1163] : memref<2x128x128xf32, #tpu.memory_space<vmem>> -> memref<1x128x128xf32, #tpu.memory_space<vmem>>
      %dma_wait3A_1165 = tpu.memref_squeeze %dma_wait3A_1164 : memref<1x128x128xf32, #tpu.memory_space<vmem>> -> memref<128x128xf32, #tpu.memory_space<vmem>>
      %dma_wait3A_1166 = arith.constant 0 : i32
      %dma_wait3A_1167 = tpu.memref_slice %arg6[%add3A_1134, %dma_wait3A_1166] : memref<80x128xi32, #tpu.memory_space<vmem>> -> memref<1x128xi32, #tpu.memory_space<vmem>>
      %dma_wait3A_1168 = tpu.memref_squeeze %dma_wait3A_1167 : memref<1x128xi32, #tpu.memory_space<vmem>> -> memref<128xi32, #tpu.memory_space<vmem>>
      %dma_wait3A_1169 = arith.constant 0 : i32
      %dma_wait3A_1170 = arith.constant 0 : i32
      %dma_wait3A_1171 = tpu.memref_slice %arg2[%dma_wait3A_1169, %dma_wait3A_1170] : memref<10000x128xf32, #tpu.memory_space<hbm>> -> memref<10000x128xf32, #tpu.memory_space<hbm>>
      tpu.wait_indirect_dma semaphore(%arg10 : memref<!tpu.dma_semaphore, #tpu.memory_space<semaphore_mem>>) src(%dma_wait3A_1171 : memref<10000x128xf32, #tpu.memory_space<hbm>>) dst(%dma_wait3A_1165 : memref<128x128xf32, #tpu.memory_space<vmem>>)
      %dma_start3A_1172 = arith.constant 0 : i32
      %dma_start3A_1173 = arith.constant 1 : i32
      %dma_start3A_1174 = arith.constant 6 : i32
      %dma_start3A_1175 = arith.constant 0 : i32
      %dma_start3A_1176 = arith.constant 0 : i32
      %dma_start3A_1177 = tpu.memref_slice %arg8[%dma_start3A_1172, %dma_start3A_1175, %dma_start3A_1176] : memref<2x128x128xf32, #tpu.memory_space<vmem>> -> memref<1x128x128xf32, #tpu.memory_space<vmem>>
      %dma_start3A_1178 = tpu.memref_squeeze %dma_start3A_1177 : memref<1x128x128xf32, #tpu.memory_space<vmem>> -> memref<128x128xf32, #tpu.memory_space<vmem>>
      %dma_start3A_1179 = arith.constant 0 : i32
      %dma_start3A_1180 = tpu.memref_slice %arg7[%dma_start3A_1173, %dma_start3A_1174, %dma_start3A_1179] : memref<2x8x128xi32, #tpu.memory_space<vmem>> -> memref<1x1x128xi32, #tpu.memory_space<vmem>>
      %dma_start3A_1181 = tpu.memref_squeeze %dma_start3A_1180 : memref<1x1x128xi32, #tpu.memory_space<vmem>> -> memref<128xi32, #tpu.memory_space<vmem>>
      %dma_start3A_1182 = arith.constant 0 : i32
      %dma_start3A_1183 = arith.constant 0 : i32
      %dma_start3A_1184 = tpu.memref_slice %arg9[%dma_start3A_1182, %dma_start3A_1183] : memref<10240x128xf32, #tpu.memory_space<vmem_shared>> -> memref<10240x128xf32, #tpu.memory_space<vmem_shared>>
      tpu.enqueue_indirect_dma source(%dma_start3A_1178 : memref<128x128xf32, #tpu.memory_space<vmem>>) target(%dma_start3A_1184 : memref<10240x128xf32, #tpu.memory_space<vmem_shared>>) offsets(%dma_start3A_1181 : memref<128xi32, #tpu.memory_space<vmem>>) semaphore(%arg13 : memref<!tpu.dma_semaphore, #tpu.memory_space<semaphore_mem>>) {add = true}
      %mul3A_1185 = arith.constant 8 : i32
      %mul3A_1186 = arith.muli %add3A_795, %mul3A_1185 : i32
      %add3A_1187 = arith.constant 7 : i32
      %add3A_1188 = arith.addi %mul3A_1186, %add3A_1187 : i32
      %dma_wait3A_1189 = arith.constant 0 : i32
      %dma_wait3A_1190 = arith.constant 1 : i32
      %dma_wait3A_1191 = arith.constant 6 : i32
      %dma_wait3A_1192 = arith.constant 0 : i32
      %dma_wait3A_1193 = arith.constant 0 : i32
      %dma_wait3A_1194 = tpu.memref_slice %arg8[%dma_wait3A_1189, %dma_wait3A_1192, %dma_wait3A_1193] : memref<2x128x128xf32, #tpu.memory_space<vmem>> -> memref<1x128x128xf32, #tpu.memory_space<vmem>>
      %dma_wait3A_1195 = tpu.memref_squeeze %dma_wait3A_1194 : memref<1x128x128xf32, #tpu.memory_space<vmem>> -> memref<128x128xf32, #tpu.memory_space<vmem>>
      %dma_wait3A_1196 = arith.constant 0 : i32
      %dma_wait3A_1197 = tpu.memref_slice %arg7[%dma_wait3A_1190, %dma_wait3A_1191, %dma_wait3A_1196] : memref<2x8x128xi32, #tpu.memory_space<vmem>> -> memref<1x1x128xi32, #tpu.memory_space<vmem>>
      %dma_wait3A_1198 = tpu.memref_squeeze %dma_wait3A_1197 : memref<1x1x128xi32, #tpu.memory_space<vmem>> -> memref<128xi32, #tpu.memory_space<vmem>>
      %dma_wait3A_1199 = arith.constant 0 : i32
      %dma_wait3A_1200 = arith.constant 0 : i32
      %dma_wait3A_1201 = tpu.memref_slice %arg9[%dma_wait3A_1199, %dma_wait3A_1200] : memref<10240x128xf32, #tpu.memory_space<vmem_shared>> -> memref<10240x128xf32, #tpu.memory_space<vmem_shared>>
      tpu.wait_indirect_dma semaphore(%arg13 : memref<!tpu.dma_semaphore, #tpu.memory_space<semaphore_mem>>) src(%dma_wait3A_1195 : memref<128x128xf32, #tpu.memory_space<vmem>>) dst(%dma_wait3A_1201 : memref<10240x128xf32, #tpu.memory_space<vmem_shared>>)
      %add3A_1202 = arith.constant 1 : i32
      %add3A_1203 = arith.addi %add3A_795, %add3A_1202 : i32
      %lt3A_1204 = arith.constant 10 : i32
      %lt3A_1205 = arith.cmpi slt, %add3A_1203, %lt3A_1204 : i32
      %convert_element_type3A_1206 = arith.extui %lt3A_1205 : i1 to i32
      %cond3A_1207 = arith.constant 0 : i32
      %cond3A_1208 = arith.cmpi ne, %convert_element_type3A_1206, %cond3A_1207 : i32
      scf.if %cond3A_1208 {
        %add3A_1233 = arith.constant 1 : i32
        %add3A_1234 = arith.addi %add3A_1188, %add3A_1233 : i32
        %dma_start3A_1235 = arith.constant 0 : i32
        %dma_start3A_1236 = arith.constant 0 : i32
        %dma_start3A_1237 = arith.constant 0 : i32
        %dma_start3A_1238 = tpu.memref_slice %arg8[%dma_start3A_1235, %dma_start3A_1236, %dma_start3A_1237] : memref<2x128x128xf32, #tpu.memory_space<vmem>> -> memref<1x128x128xf32, #tpu.memory_space<vmem>>
        %dma_start3A_1239 = tpu.memref_squeeze %dma_start3A_1238 : memref<1x128x128xf32, #tpu.memory_space<vmem>> -> memref<128x128xf32, #tpu.memory_space<vmem>>
        %dma_start3A_1240 = arith.constant 0 : i32
        %dma_start3A_1241 = tpu.memref_slice %arg6[%add3A_1234, %dma_start3A_1240] : memref<80x128xi32, #tpu.memory_space<vmem>> -> memref<1x128xi32, #tpu.memory_space<vmem>>
        %dma_start3A_1242 = tpu.memref_squeeze %dma_start3A_1241 : memref<1x128xi32, #tpu.memory_space<vmem>> -> memref<128xi32, #tpu.memory_space<vmem>>
        %dma_start3A_1243 = arith.constant 0 : i32
        %dma_start3A_1244 = arith.constant 0 : i32
        %dma_start3A_1245 = tpu.memref_slice %arg2[%dma_start3A_1243, %dma_start3A_1244] : memref<10000x128xf32, #tpu.memory_space<hbm>> -> memref<10000x128xf32, #tpu.memory_space<hbm>>
        tpu.enqueue_indirect_dma source(%dma_start3A_1245 : memref<10000x128xf32, #tpu.memory_space<hbm>>) target(%dma_start3A_1239 : memref<128x128xf32, #tpu.memory_space<vmem>>) offsets(%dma_start3A_1242 : memref<128xi32, #tpu.memory_space<vmem>>) semaphore(%arg10 : memref<!tpu.dma_semaphore, #tpu.memory_space<semaphore_mem>>)
      } else {
      }
      %dma_wait3A_1209 = arith.constant 1 : i32
      %dma_wait3A_1210 = arith.constant 0 : i32
      %dma_wait3A_1211 = arith.constant 0 : i32
      %dma_wait3A_1212 = tpu.memref_slice %arg8[%dma_wait3A_1209, %dma_wait3A_1210, %dma_wait3A_1211] : memref<2x128x128xf32, #tpu.memory_space<vmem>> -> memref<1x128x128xf32, #tpu.memory_space<vmem>>
      %dma_wait3A_1213 = tpu.memref_squeeze %dma_wait3A_1212 : memref<1x128x128xf32, #tpu.memory_space<vmem>> -> memref<128x128xf32, #tpu.memory_space<vmem>>
      %dma_wait3A_1214 = arith.constant 0 : i32
      %dma_wait3A_1215 = tpu.memref_slice %arg6[%add3A_1188, %dma_wait3A_1214] : memref<80x128xi32, #tpu.memory_space<vmem>> -> memref<1x128xi32, #tpu.memory_space<vmem>>
      %dma_wait3A_1216 = tpu.memref_squeeze %dma_wait3A_1215 : memref<1x128xi32, #tpu.memory_space<vmem>> -> memref<128xi32, #tpu.memory_space<vmem>>
      %dma_wait3A_1217 = arith.constant 0 : i32
      %dma_wait3A_1218 = arith.constant 0 : i32
      %dma_wait3A_1219 = tpu.memref_slice %arg2[%dma_wait3A_1217, %dma_wait3A_1218] : memref<10000x128xf32, #tpu.memory_space<hbm>> -> memref<10000x128xf32, #tpu.memory_space<hbm>>
      tpu.wait_indirect_dma semaphore(%arg11 : memref<!tpu.dma_semaphore, #tpu.memory_space<semaphore_mem>>) src(%dma_wait3A_1219 : memref<10000x128xf32, #tpu.memory_space<hbm>>) dst(%dma_wait3A_1213 : memref<128x128xf32, #tpu.memory_space<vmem>>)
      %dma_start3A_1220 = arith.constant 1 : i32
      %dma_start3A_1221 = arith.constant 1 : i32
      %dma_start3A_1222 = arith.constant 7 : i32
      %dma_start3A_1223 = arith.constant 0 : i32
      %dma_start3A_1224 = arith.constant 0 : i32
      %dma_start3A_1225 = tpu.memref_slice %arg8[%dma_start3A_1220, %dma_start3A_1223, %dma_start3A_1224] : memref<2x128x128xf32, #tpu.memory_space<vmem>> -> memref<1x128x128xf32, #tpu.memory_space<vmem>>
      %dma_start3A_1226 = tpu.memref_squeeze %dma_start3A_1225 : memref<1x128x128xf32, #tpu.memory_space<vmem>> -> memref<128x128xf32, #tpu.memory_space<vmem>>
      %dma_start3A_1227 = arith.constant 0 : i32
      %dma_start3A_1228 = tpu.memref_slice %arg7[%dma_start3A_1221, %dma_start3A_1222, %dma_start3A_1227] : memref<2x8x128xi32, #tpu.memory_space<vmem>> -> memref<1x1x128xi32, #tpu.memory_space<vmem>>
      %dma_start3A_1229 = tpu.memref_squeeze %dma_start3A_1228 : memref<1x1x128xi32, #tpu.memory_space<vmem>> -> memref<128xi32, #tpu.memory_space<vmem>>
      %dma_start3A_1230 = arith.constant 0 : i32
      %dma_start3A_1231 = arith.constant 0 : i32
      %dma_start3A_1232 = tpu.memref_slice %arg9[%dma_start3A_1230, %dma_start3A_1231] : memref<10240x128xf32, #tpu.memory_space<vmem_shared>> -> memref<10240x128xf32, #tpu.memory_space<vmem_shared>>
      tpu.enqueue_indirect_dma source(%dma_start3A_1226 : memref<128x128xf32, #tpu.memory_space<vmem>>) target(%dma_start3A_1232 : memref<10240x128xf32, #tpu.memory_space<vmem_shared>>) offsets(%dma_start3A_1229 : memref<128xi32, #tpu.memory_space<vmem>>) semaphore(%arg14 : memref<!tpu.dma_semaphore, #tpu.memory_space<semaphore_mem>>) {add = true}
    }
    %scan3A_209 = arith.constant 5 : i32
    %dma_wait3A_210 = arith.constant 1 : i32
    %dma_wait3A_211 = arith.constant 1 : i32
    %dma_wait3A_212 = arith.constant 7 : i32
    %dma_wait3A_213 = arith.constant 0 : i32
    %dma_wait3A_214 = arith.constant 0 : i32
    %dma_wait3A_215 = tpu.memref_slice %arg8[%dma_wait3A_210, %dma_wait3A_213, %dma_wait3A_214] : memref<2x128x128xf32, #tpu.memory_space<vmem>> -> memref<1x128x128xf32, #tpu.memory_space<vmem>>
    %dma_wait3A_216 = tpu.memref_squeeze %dma_wait3A_215 : memref<1x128x128xf32, #tpu.memory_space<vmem>> -> memref<128x128xf32, #tpu.memory_space<vmem>>
    %dma_wait3A_217 = arith.constant 0 : i32
    %dma_wait3A_218 = tpu.memref_slice %arg7[%dma_wait3A_211, %dma_wait3A_212, %dma_wait3A_217] : memref<2x8x128xi32, #tpu.memory_space<vmem>> -> memref<1x1x128xi32, #tpu.memory_space<vmem>>
    %dma_wait3A_219 = tpu.memref_squeeze %dma_wait3A_218 : memref<1x1x128xi32, #tpu.memory_space<vmem>> -> memref<128xi32, #tpu.memory_space<vmem>>
    %dma_wait3A_220 = arith.constant 0 : i32
    %dma_wait3A_221 = arith.constant 0 : i32
    %dma_wait3A_222 = tpu.memref_slice %arg9[%dma_wait3A_220, %dma_wait3A_221] : memref<10240x128xf32, #tpu.memory_space<vmem_shared>> -> memref<10240x128xf32, #tpu.memory_space<vmem_shared>>
    tpu.wait_indirect_dma semaphore(%arg14 : memref<!tpu.dma_semaphore, #tpu.memory_space<semaphore_mem>>) src(%dma_wait3A_216 : memref<128x128xf32, #tpu.memory_space<vmem>>) dst(%dma_wait3A_222 : memref<10240x128xf32, #tpu.memory_space<vmem_shared>>)
    %barrier3A_223 = arith.constant 0 : index
    tpu.barrier barrier_id(%barrier3A_223)
    %mul3A_224 = arith.constant 640 : i32
    %mul3A_225 = arith.muli %arg1, %mul3A_224 : i32
    %add3A_226 = arith.constant 0 : i32
    %add3A_227 = arith.addi %mul3A_225, %add3A_226 : i32
    %mul3A_228 = arith.constant 640 : i32
    %mul3A_229 = arith.muli %arg1, %mul3A_228 : i32
    %add3A_230 = arith.constant 0 : i32
    %add3A_231 = arith.addi %mul3A_229, %add3A_230 : i32
    %dma_start3A_232 = arith.constant 0 : i32
    %dma_start3A_233 = tpu.memref_slice %arg5[%arg0, %add3A_231, %dma_start3A_232] : memref<2x10240x128xf32, #tpu.memory_space<hbm>> -> memref<1x128x128xf32, #tpu.memory_space<hbm>>
    %dma_start3A_234 = tpu.memref_squeeze %dma_start3A_233 : memref<1x128x128xf32, #tpu.memory_space<hbm>> -> memref<128x128xf32, #tpu.memory_space<hbm>>
    %dma_start3A_235 = arith.constant 0 : i32
    %dma_start3A_236 = tpu.memref_slice %arg9[%add3A_227, %dma_start3A_235] : memref<10240x128xf32, #tpu.memory_space<vmem_shared>> -> memref<128x128xf32, #tpu.memory_space<vmem_shared>>
    tpu.enqueue_dma source(%dma_start3A_236 : memref<128x128xf32, #tpu.memory_space<vmem_shared>>) target(%dma_start3A_234 : memref<128x128xf32, #tpu.memory_space<hbm>>) target_semaphore(%arg10 : memref<!tpu.dma_semaphore, #tpu.memory_space<semaphore_mem>>)
    %mul3A_237 = arith.constant 640 : i32
    %mul3A_238 = arith.muli %arg1, %mul3A_237 : i32
    %add3A_239 = arith.constant 128 : i32
    %add3A_240 = arith.addi %mul3A_238, %add3A_239 : i32
    %mul3A_241 = arith.constant 640 : i32
    %mul3A_242 = arith.muli %arg1, %mul3A_241 : i32
    %add3A_243 = arith.constant 128 : i32
    %add3A_244 = arith.addi %mul3A_242, %add3A_243 : i32
    %dma_start3A_245 = arith.constant 0 : i32
    %dma_start3A_246 = tpu.memref_slice %arg5[%arg0, %add3A_244, %dma_start3A_245] : memref<2x10240x128xf32, #tpu.memory_space<hbm>> -> memref<1x128x128xf32, #tpu.memory_space<hbm>>
    %dma_start3A_247 = tpu.memref_squeeze %dma_start3A_246 : memref<1x128x128xf32, #tpu.memory_space<hbm>> -> memref<128x128xf32, #tpu.memory_space<hbm>>
    %dma_start3A_248 = arith.constant 0 : i32
    %dma_start3A_249 = tpu.memref_slice %arg9[%add3A_240, %dma_start3A_248] : memref<10240x128xf32, #tpu.memory_space<vmem_shared>> -> memref<128x128xf32, #tpu.memory_space<vmem_shared>>
    tpu.enqueue_dma source(%dma_start3A_249 : memref<128x128xf32, #tpu.memory_space<vmem_shared>>) target(%dma_start3A_247 : memref<128x128xf32, #tpu.memory_space<hbm>>) target_semaphore(%arg10 : memref<!tpu.dma_semaphore, #tpu.memory_space<semaphore_mem>>)
    %mul3A_250 = arith.constant 640 : i32
    %mul3A_251 = arith.muli %arg1, %mul3A_250 : i32
    %add3A_252 = arith.constant 256 : i32
    %add3A_253 = arith.addi %mul3A_251, %add3A_252 : i32
    %mul3A_254 = arith.constant 640 : i32
    %mul3A_255 = arith.muli %arg1, %mul3A_254 : i32
    %add3A_256 = arith.constant 256 : i32
    %add3A_257 = arith.addi %mul3A_255, %add3A_256 : i32
    %dma_start3A_258 = arith.constant 0 : i32
    %dma_start3A_259 = tpu.memref_slice %arg5[%arg0, %add3A_257, %dma_start3A_258] : memref<2x10240x128xf32, #tpu.memory_space<hbm>> -> memref<1x128x128xf32, #tpu.memory_space<hbm>>
    %dma_start3A_260 = tpu.memref_squeeze %dma_start3A_259 : memref<1x128x128xf32, #tpu.memory_space<hbm>> -> memref<128x128xf32, #tpu.memory_space<hbm>>
    %dma_start3A_261 = arith.constant 0 : i32
    %dma_start3A_262 = tpu.memref_slice %arg9[%add3A_253, %dma_start3A_261] : memref<10240x128xf32, #tpu.memory_space<vmem_shared>> -> memref<128x128xf32, #tpu.memory_space<vmem_shared>>
    tpu.enqueue_dma source(%dma_start3A_262 : memref<128x128xf32, #tpu.memory_space<vmem_shared>>) target(%dma_start3A_260 : memref<128x128xf32, #tpu.memory_space<hbm>>) target_semaphore(%arg10 : memref<!tpu.dma_semaphore, #tpu.memory_space<semaphore_mem>>)
    %mul3A_263 = arith.constant 640 : i32
    %mul3A_264 = arith.muli %arg1, %mul3A_263 : i32
    %add3A_265 = arith.constant 384 : i32
    %add3A_266 = arith.addi %mul3A_264, %add3A_265 : i32
    %mul3A_267 = arith.constant 640 : i32
    %mul3A_268 = arith.muli %arg1, %mul3A_267 : i32
    %add3A_269 = arith.constant 384 : i32
    %add3A_270 = arith.addi %mul3A_268, %add3A_269 : i32
    %dma_start3A_271 = arith.constant 0 : i32
    %dma_start3A_272 = tpu.memref_slice %arg5[%arg0, %add3A_270, %dma_start3A_271] : memref<2x10240x128xf32, #tpu.memory_space<hbm>> -> memref<1x128x128xf32, #tpu.memory_space<hbm>>
    %dma_start3A_273 = tpu.memref_squeeze %dma_start3A_272 : memref<1x128x128xf32, #tpu.memory_space<hbm>> -> memref<128x128xf32, #tpu.memory_space<hbm>>
    %dma_start3A_274 = arith.constant 0 : i32
    %dma_start3A_275 = tpu.memref_slice %arg9[%add3A_266, %dma_start3A_274] : memref<10240x128xf32, #tpu.memory_space<vmem_shared>> -> memref<128x128xf32, #tpu.memory_space<vmem_shared>>
    tpu.enqueue_dma source(%dma_start3A_275 : memref<128x128xf32, #tpu.memory_space<vmem_shared>>) target(%dma_start3A_273 : memref<128x128xf32, #tpu.memory_space<hbm>>) target_semaphore(%arg10 : memref<!tpu.dma_semaphore, #tpu.memory_space<semaphore_mem>>)
    %mul3A_276 = arith.constant 640 : i32
    %mul3A_277 = arith.muli %arg1, %mul3A_276 : i32
    %add3A_278 = arith.constant 512 : i32
    %add3A_279 = arith.addi %mul3A_277, %add3A_278 : i32
    %mul3A_280 = arith.constant 640 : i32
    %mul3A_281 = arith.muli %arg1, %mul3A_280 : i32
    %add3A_282 = arith.constant 512 : i32
    %add3A_283 = arith.addi %mul3A_281, %add3A_282 : i32
    %dma_start3A_284 = arith.constant 0 : i32
    %dma_start3A_285 = tpu.memref_slice %arg5[%arg0, %add3A_283, %dma_start3A_284] : memref<2x10240x128xf32, #tpu.memory_space<hbm>> -> memref<1x128x128xf32, #tpu.memory_space<hbm>>
    %dma_start3A_286 = tpu.memref_squeeze %dma_start3A_285 : memref<1x128x128xf32, #tpu.memory_space<hbm>> -> memref<128x128xf32, #tpu.memory_space<hbm>>
    %dma_start3A_287 = arith.constant 0 : i32
    %dma_start3A_288 = tpu.memref_slice %arg9[%add3A_279, %dma_start3A_287] : memref<10240x128xf32, #tpu.memory_space<vmem_shared>> -> memref<128x128xf32, #tpu.memory_space<vmem_shared>>
    tpu.enqueue_dma source(%dma_start3A_288 : memref<128x128xf32, #tpu.memory_space<vmem_shared>>) target(%dma_start3A_286 : memref<128x128xf32, #tpu.memory_space<hbm>>) target_semaphore(%arg10 : memref<!tpu.dma_semaphore, #tpu.memory_space<semaphore_mem>>)
    %mul3A_289 = arith.constant 640 : i32
    %mul3A_290 = arith.muli %arg1, %mul3A_289 : i32
    %add3A_291 = arith.constant 0 : i32
    %add3A_292 = arith.addi %mul3A_290, %add3A_291 : i32
    %mul3A_293 = arith.constant 640 : i32
    %mul3A_294 = arith.muli %arg1, %mul3A_293 : i32
    %add3A_295 = arith.constant 0 : i32
    %add3A_296 = arith.addi %mul3A_294, %add3A_295 : i32
    %dma_wait3A_297 = arith.constant 0 : i32
    %dma_wait3A_298 = tpu.memref_slice %arg5[%arg0, %add3A_296, %dma_wait3A_297] : memref<2x10240x128xf32, #tpu.memory_space<hbm>> -> memref<1x128x128xf32, #tpu.memory_space<hbm>>
    %dma_wait3A_299 = tpu.memref_squeeze %dma_wait3A_298 : memref<1x128x128xf32, #tpu.memory_space<hbm>> -> memref<128x128xf32, #tpu.memory_space<hbm>>
    %dma_wait3A_300 = arith.constant 0 : i32
    %dma_wait3A_301 = tpu.memref_slice %arg9[%add3A_292, %dma_wait3A_300] : memref<10240x128xf32, #tpu.memory_space<vmem_shared>> -> memref<128x128xf32, #tpu.memory_space<vmem_shared>>
    tpu.wait_dma2 semaphore(%arg10 : memref<!tpu.dma_semaphore, #tpu.memory_space<semaphore_mem>>) src(%dma_wait3A_301 : memref<128x128xf32, #tpu.memory_space<vmem_shared>>) dst(%dma_wait3A_299 : memref<128x128xf32, #tpu.memory_space<hbm>>)
    %mul3A_302 = arith.constant 640 : i32
    %mul3A_303 = arith.muli %arg1, %mul3A_302 : i32
    %add3A_304 = arith.constant 128 : i32
    %add3A_305 = arith.addi %mul3A_303, %add3A_304 : i32
    %mul3A_306 = arith.constant 640 : i32
    %mul3A_307 = arith.muli %arg1, %mul3A_306 : i32
    %add3A_308 = arith.constant 128 : i32
    %add3A_309 = arith.addi %mul3A_307, %add3A_308 : i32
    %dma_wait3A_310 = arith.constant 0 : i32
    %dma_wait3A_311 = tpu.memref_slice %arg5[%arg0, %add3A_309, %dma_wait3A_310] : memref<2x10240x128xf32, #tpu.memory_space<hbm>> -> memref<1x128x128xf32, #tpu.memory_space<hbm>>
    %dma_wait3A_312 = tpu.memref_squeeze %dma_wait3A_311 : memref<1x128x128xf32, #tpu.memory_space<hbm>> -> memref<128x128xf32, #tpu.memory_space<hbm>>
    %dma_wait3A_313 = arith.constant 0 : i32
    %dma_wait3A_314 = tpu.memref_slice %arg9[%add3A_305, %dma_wait3A_313] : memref<10240x128xf32, #tpu.memory_space<vmem_shared>> -> memref<128x128xf32, #tpu.memory_space<vmem_shared>>
    tpu.wait_dma2 semaphore(%arg10 : memref<!tpu.dma_semaphore, #tpu.memory_space<semaphore_mem>>) src(%dma_wait3A_314 : memref<128x128xf32, #tpu.memory_space<vmem_shared>>) dst(%dma_wait3A_312 : memref<128x128xf32, #tpu.memory_space<hbm>>)
    %mul3A_315 = arith.constant 640 : i32
    %mul3A_316 = arith.muli %arg1, %mul3A_315 : i32
    %add3A_317 = arith.constant 256 : i32
    %add3A_318 = arith.addi %mul3A_316, %add3A_317 : i32
    %mul3A_319 = arith.constant 640 : i32
    %mul3A_320 = arith.muli %arg1, %mul3A_319 : i32
    %add3A_321 = arith.constant 256 : i32
    %add3A_322 = arith.addi %mul3A_320, %add3A_321 : i32
    %dma_wait3A_323 = arith.constant 0 : i32
    %dma_wait3A_324 = tpu.memref_slice %arg5[%arg0, %add3A_322, %dma_wait3A_323] : memref<2x10240x128xf32, #tpu.memory_space<hbm>> -> memref<1x128x128xf32, #tpu.memory_space<hbm>>
    %dma_wait3A_325 = tpu.memref_squeeze %dma_wait3A_324 : memref<1x128x128xf32, #tpu.memory_space<hbm>> -> memref<128x128xf32, #tpu.memory_space<hbm>>
    %dma_wait3A_326 = arith.constant 0 : i32
    %dma_wait3A_327 = tpu.memref_slice %arg9[%add3A_318, %dma_wait3A_326] : memref<10240x128xf32, #tpu.memory_space<vmem_shared>> -> memref<128x128xf32, #tpu.memory_space<vmem_shared>>
    tpu.wait_dma2 semaphore(%arg10 : memref<!tpu.dma_semaphore, #tpu.memory_space<semaphore_mem>>) src(%dma_wait3A_327 : memref<128x128xf32, #tpu.memory_space<vmem_shared>>) dst(%dma_wait3A_325 : memref<128x128xf32, #tpu.memory_space<hbm>>)
    %mul3A_328 = arith.constant 640 : i32
    %mul3A_329 = arith.muli %arg1, %mul3A_328 : i32
    %add3A_330 = arith.constant 384 : i32
    %add3A_331 = arith.addi %mul3A_329, %add3A_330 : i32
    %mul3A_332 = arith.constant 640 : i32
    %mul3A_333 = arith.muli %arg1, %mul3A_332 : i32
    %add3A_334 = arith.constant 384 : i32
    %add3A_335 = arith.addi %mul3A_333, %add3A_334 : i32
    %dma_wait3A_336 = arith.constant 0 : i32
    %dma_wait3A_337 = tpu.memref_slice %arg5[%arg0, %add3A_335, %dma_wait3A_336] : memref<2x10240x128xf32, #tpu.memory_space<hbm>> -> memref<1x128x128xf32, #tpu.memory_space<hbm>>
    %dma_wait3A_338 = tpu.memref_squeeze %dma_wait3A_337 : memref<1x128x128xf32, #tpu.memory_space<hbm>> -> memref<128x128xf32, #tpu.memory_space<hbm>>
    %dma_wait3A_339 = arith.constant 0 : i32
    %dma_wait3A_340 = tpu.memref_slice %arg9[%add3A_331, %dma_wait3A_339] : memref<10240x128xf32, #tpu.memory_space<vmem_shared>> -> memref<128x128xf32, #tpu.memory_space<vmem_shared>>
    tpu.wait_dma2 semaphore(%arg10 : memref<!tpu.dma_semaphore, #tpu.memory_space<semaphore_mem>>) src(%dma_wait3A_340 : memref<128x128xf32, #tpu.memory_space<vmem_shared>>) dst(%dma_wait3A_338 : memref<128x128xf32, #tpu.memory_space<hbm>>)
    %mul3A_341 = arith.constant 640 : i32
    %mul3A_342 = arith.muli %arg1, %mul3A_341 : i32
    %add3A_343 = arith.constant 512 : i32
    %add3A_344 = arith.addi %mul3A_342, %add3A_343 : i32
    %mul3A_345 = arith.constant 640 : i32
    %mul3A_346 = arith.muli %arg1, %mul3A_345 : i32
    %add3A_347 = arith.constant 512 : i32
    %add3A_348 = arith.addi %mul3A_346, %add3A_347 : i32
    %dma_wait3A_349 = arith.constant 0 : i32
    %dma_wait3A_350 = tpu.memref_slice %arg5[%arg0, %add3A_348, %dma_wait3A_349] : memref<2x10240x128xf32, #tpu.memory_space<hbm>> -> memref<1x128x128xf32, #tpu.memory_space<hbm>>
    %dma_wait3A_351 = tpu.memref_squeeze %dma_wait3A_350 : memref<1x128x128xf32, #tpu.memory_space<hbm>> -> memref<128x128xf32, #tpu.memory_space<hbm>>
    %dma_wait3A_352 = arith.constant 0 : i32
    %dma_wait3A_353 = tpu.memref_slice %arg9[%add3A_344, %dma_wait3A_352] : memref<10240x128xf32, #tpu.memory_space<vmem_shared>> -> memref<128x128xf32, #tpu.memory_space<vmem_shared>>
    tpu.wait_dma2 semaphore(%arg10 : memref<!tpu.dma_semaphore, #tpu.memory_space<semaphore_mem>>) src(%dma_wait3A_353 : memref<128x128xf32, #tpu.memory_space<vmem_shared>>) dst(%dma_wait3A_351 : memref<128x128xf32, #tpu.memory_space<hbm>>)
    return
  }
}

module attributes {stable_mosaic.version = 14 : i64} {
  func.func @_combine_body(%arg0: i32, %arg1: memref<2x5000x128xf32, #tpu.memory_space<vmem>>, %arg2: memref<5000x128xf32, #tpu.memory_space<vmem>>, %arg3: memref<2x5000x1xf32, #tpu.memory_space<vmem>>, %arg4: memref<1x128xf32, #tpu.memory_space<vmem>>, %arg5: memref<5000x128xf32, #tpu.memory_space<vmem>>) attributes {dimension_semantics = [#tpu.dimension_semantics<arbitrary>], iteration_bounds = array<i64: 2>, scalar_prefetch = 0 : i64, scratch_operands = 0 : i64, tpu.core_type = #tpu.core_type<tc>, window_params = [{transform_indices = @transform_0, window_bounds = array<i64: 2, 5000, 128>}, {transform_indices = @transform_1, window_bounds = array<i64: 5000, 128>}, {transform_indices = @transform_2, window_bounds = array<i64: 2, 5000, 1>}, {pipeline_mode = #tpu.pipeline_mode<synchronous>, transform_indices = @transform_3, window_bounds = array<i64: 1, 128>}, {transform_indices = @transform_4, window_bounds = array<i64: 5000, 128>}]} {
    %get3A = arith.constant 0 : index
    %get3A_0 = arith.constant 0 : index
    %get3A_1 = arith.constant 0 : index
    %get3A_2 = vector.load %arg3[%get3A, %get3A_0, %get3A_1] : memref<2x5000x1xf32, #tpu.memory_space<vmem>>, vector<1x5000x1xf32>
    %get3A_3 = vector.shape_cast %get3A_2 : vector<1x5000x1xf32> to vector<5000xf32>
    %get3A_4 = arith.constant 1 : index
    %get3A_5 = arith.constant 0 : index
    %get3A_6 = arith.constant 0 : index
    %get3A_7 = vector.load %arg3[%get3A_4, %get3A_5, %get3A_6] : memref<2x5000x1xf32, #tpu.memory_space<vmem>>, vector<1x5000x1xf32>
    %get3A_8 = vector.shape_cast %get3A_7 : vector<1x5000x1xf32> to vector<5000xf32>
    %add3A = arith.addf %get3A_3, %get3A_8 : vector<5000xf32>
    %add3A_9 = arith.constant 1.000000e+00 : f32
    %add3A_10 = vector.broadcast %add3A_9 : f32 to vector<5000xf32>
    %add3A_11 = arith.addf %add3A, %add3A_10 : vector<5000xf32>
    %rsqrt3A = math.rsqrt %add3A_11 : vector<5000xf32>
    %get3A_12 = arith.constant 0 : index
    %get3A_13 = arith.constant 0 : index
    %get3A_14 = arith.constant 0 : index
    %get3A_15 = vector.load %arg1[%get3A_12, %get3A_13, %get3A_14] : memref<2x5000x128xf32, #tpu.memory_space<vmem>>, vector<1x5000x128xf32>
    %get3A_16 = vector.shape_cast %get3A_15 : vector<1x5000x128xf32> to vector<5000x128xf32>
    %get3A_17 = arith.constant 1 : index
    %get3A_18 = arith.constant 0 : index
    %get3A_19 = arith.constant 0 : index
    %get3A_20 = vector.load %arg1[%get3A_17, %get3A_18, %get3A_19] : memref<2x5000x128xf32, #tpu.memory_space<vmem>>, vector<1x5000x128xf32>
    %get3A_21 = vector.shape_cast %get3A_20 : vector<1x5000x128xf32> to vector<5000x128xf32>
    %add3A_22 = arith.addf %get3A_16, %get3A_21 : vector<5000x128xf32>
    %get3A_23 = arith.constant 0 : index
    %get3A_24 = arith.constant 0 : index
    %get3A_25 = vector.load %arg2[%get3A_23, %get3A_24] : memref<5000x128xf32, #tpu.memory_space<vmem>>, vector<5000x128xf32>
    %add3A_26 = arith.addf %add3A_22, %get3A_25 : vector<5000x128xf32>
    %broadcast_in_dim3A = vector.shape_cast %rsqrt3A : vector<5000xf32> to vector<5000x1xf32>
    %mul3A = vector.broadcast %broadcast_in_dim3A : vector<5000x1xf32> to vector<5000x128xf32>
    %mul3A_27 = arith.mulf %add3A_26, %mul3A : vector<5000x128xf32>
    %get3A_28 = arith.constant 0 : index
    %get3A_29 = arith.constant 0 : index
    %get3A_30 = vector.load %arg4[%get3A_28, %get3A_29] : memref<1x128xf32, #tpu.memory_space<vmem>>, vector<1x128xf32>
    %add3A_31 = vector.broadcast %get3A_30 : vector<1x128xf32> to vector<5000x128xf32>
    %add3A_32 = arith.addf %mul3A_27, %add3A_31 : vector<5000x128xf32>
    %swap3A = arith.constant 0 : index
    %swap3A_33 = arith.constant 0 : index
    %swap3A_34 = vector.load %arg5[%swap3A, %swap3A_33] : memref<5000x128xf32, #tpu.memory_space<vmem>>, vector<5000x128xf32>
    tpu.vector_store %arg5[%swap3A, %swap3A_33], %add3A_32 {strides = array<i32>} : memref<5000x128xf32, #tpu.memory_space<vmem>>, vector<5000x128xf32>,
    return
  }
  func.func @transform_0(%arg0: i32) -> (i32, i32, i32) {
    %c0_i32 = arith.constant 0 : i32
    %c0_i32_0 = arith.constant 0 : i32
    %c0_i32_1 = arith.constant 0 : i32
    return %c0_i32, %arg0, %c0_i32_0 : i32, i32, i32
  }
  func.func @transform_1(%arg0: i32) -> (i32, i32) {
    %c0_i32 = arith.constant 0 : i32
    %c0_i32_0 = arith.constant 0 : i32
    return %arg0, %c0_i32 : i32, i32
  }
  func.func @transform_2(%arg0: i32) -> (i32, i32, i32) {
    %c0_i32 = arith.constant 0 : i32
    %c0_i32_0 = arith.constant 0 : i32
    %c0_i32_1 = arith.constant 0 : i32
    return %c0_i32, %arg0, %c0_i32_0 : i32, i32, i32
  }
  func.func @transform_3(%arg0: i32) -> (i32, i32) {
    %c0_i32 = arith.constant 0 : i32
    %c0_i32_0 = arith.constant 0 : i32
    %c0_i32_1 = arith.constant 0 : i32
    return %c0_i32, %c0_i32_0 : i32, i32
  }
  func.func @transform_4(%arg0: i32) -> (i32, i32) {
    %c0_i32 = arith.constant 0 : i32
    %c0_i32_0 = arith.constant 0 : i32
    return %arg0, %c0_i32 : i32, i32
  }
}

module attributes {stable_mosaic.version = 14 : i64} {
  func.func @_linear_body(%arg0: i32, %arg1: memref<5000x128xf32, #tpu.memory_space<vmem>>, %arg2: memref<128x128xf32, #tpu.memory_space<vmem>>, %arg3: memref<2x5000x1xf32, #tpu.memory_space<vmem>>, %arg4: memref<5000x128xf32, #tpu.memory_space<vmem>>) attributes {dimension_semantics = [#tpu.dimension_semantics<arbitrary>], iteration_bounds = array<i64: 2>, scalar_prefetch = 0 : i64, scratch_operands = 0 : i64, tpu.core_type = #tpu.core_type<tc>, window_params = [{transform_indices = @transform_0, window_bounds = array<i64: 5000, 128>}, {pipeline_mode = #tpu.pipeline_mode<synchronous>, transform_indices = @transform_1, window_bounds = array<i64: 128, 128>}, {transform_indices = @transform_2, window_bounds = array<i64: 2, 5000, 1>}, {transform_indices = @transform_3, window_bounds = array<i64: 5000, 128>}]} {
    %get3A = arith.constant 0 : index
    %get3A_0 = arith.constant 0 : index
    %get3A_1 = arith.constant 0 : index
    %get3A_2 = vector.load %arg3[%get3A, %get3A_0, %get3A_1] : memref<2x5000x1xf32, #tpu.memory_space<vmem>>, vector<1x5000x1xf32>
    %get3A_3 = vector.shape_cast %get3A_2 : vector<1x5000x1xf32> to vector<5000xf32>
    %get3A_4 = arith.constant 1 : index
    %get3A_5 = arith.constant 0 : index
    %get3A_6 = arith.constant 0 : index
    %get3A_7 = vector.load %arg3[%get3A_4, %get3A_5, %get3A_6] : memref<2x5000x1xf32, #tpu.memory_space<vmem>>, vector<1x5000x1xf32>
    %get3A_8 = vector.shape_cast %get3A_7 : vector<1x5000x1xf32> to vector<5000xf32>
    %add3A = arith.addf %get3A_3, %get3A_8 : vector<5000xf32>
    %add3A_9 = arith.constant 1.000000e+00 : f32
    %add3A_10 = vector.broadcast %add3A_9 : f32 to vector<5000xf32>
    %add3A_11 = arith.addf %add3A, %add3A_10 : vector<5000xf32>
    %rsqrt3A = math.rsqrt %add3A_11 : vector<5000xf32>
    %get3A_12 = arith.constant 0 : index
    %get3A_13 = arith.constant 0 : index
    %get3A_14 = vector.load %arg1[%get3A_12, %get3A_13] : memref<5000x128xf32, #tpu.memory_space<vmem>>, vector<5000x128xf32>
    %get3A_15 = arith.constant 0 : index
    %get3A_16 = arith.constant 0 : index
    %get3A_17 = vector.load %arg2[%get3A_15, %get3A_16] : memref<128x128xf32, #tpu.memory_space<vmem>>, vector<128x128xf32>
    %dot_general3A = arith.constant dense<0.000000e+00> : vector<5000x128xf32>
    %dot_general3A_18 = tpu.matmul %get3A_14, %get3A_17, %dot_general3A {dimension_numbers = #tpu.dot_dimension_numbers<[1], [0], [0], [1], [0, 0, 1, 1], [], []>, transpose_lhs_hint = false} : vector<5000x128xf32>, vector<128x128xf32>, vector<5000x128xf32> -> vector<5000x128xf32>
    %broadcast_in_dim3A = vector.shape_cast %rsqrt3A : vector<5000xf32> to vector<5000x1xf32>
    %mul3A = vector.broadcast %broadcast_in_dim3A : vector<5000x1xf32> to vector<5000x128xf32>
    %mul3A_19 = arith.mulf %dot_general3A_18, %mul3A : vector<5000x128xf32>
    %swap3A = arith.constant 0 : index
    %swap3A_20 = arith.constant 0 : index
    %swap3A_21 = vector.load %arg4[%swap3A, %swap3A_20] : memref<5000x128xf32, #tpu.memory_space<vmem>>, vector<5000x128xf32>
    tpu.vector_store %arg4[%swap3A, %swap3A_20], %mul3A_19 {strides = array<i32>} : memref<5000x128xf32, #tpu.memory_space<vmem>>, vector<5000x128xf32>,
    return
  }
  func.func @transform_0(%arg0: i32) -> (i32, i32) {
    %c0_i32 = arith.constant 0 : i32
    %c0_i32_0 = arith.constant 0 : i32
    return %arg0, %c0_i32 : i32, i32
  }
  func.func @transform_1(%arg0: i32) -> (i32, i32) {
    %c0_i32 = arith.constant 0 : i32
    %c0_i32_0 = arith.constant 0 : i32
    %c0_i32_1 = arith.constant 0 : i32
    return %c0_i32, %c0_i32_0 : i32, i32
  }
  func.func @transform_2(%arg0: i32) -> (i32, i32, i32) {
    %c0_i32 = arith.constant 0 : i32
    %c0_i32_0 = arith.constant 0 : i32
    %c0_i32_1 = arith.constant 0 : i32
    return %c0_i32, %arg0, %c0_i32_0 : i32, i32, i32
  }
  func.func @transform_3(%arg0: i32) -> (i32, i32) {
    %c0_i32 = arith.constant 0 : i32
    %c0_i32_0 = arith.constant 0 : i32
    return %arg0, %c0_i32 : i32, i32
  }
}

</mosaic_0001>

<sc_bundles>
// kernel: kernel.6.cloned.1.call-start
scs
__scs_entry_jumppad:
0x0: {  	(pc) =	sbr.rel $0x88, $3  }
0x1: {  	(tag) =	ssettag $0x0;
	lr =	simm.s32 $0x1  }
0x2: {  	[smem:$0x3F9D] =	sst lr;
	_ =	strace $0xD0000000  }
0x3: {  	_ = 	snop  }
0x4: {  	_ = 	snop  }
0x5: {  	_ = 	snop  }
0x6: {  	_ = 	snop  }
0x7: {  	_ = 	snop  }
__scs_overlays_trampoline_lowered:
0x8: {  	[smem:$0x3FAC] =	sst s0  }
0x9: {  	[smem:$0x3FAD] =	sst s1  }
0xa: {  	[smem:$0x3FAE] =	sst s2  }
0xb: {  	[smem:$0x3FAF] =	sst s3  }
0xc: {  	[smem:$0x3FB0] =	sst s4  }
0xd: {  	[smem:$0x3FB1] =	sst s5  }
0xe: {  	[smem:$0x3FB2] =	sst s6  }
0xf: {  	[smem:$0x3FB3] =	sst s7  }
0x10: {  	[smem:$0x3FB4] =	sst s8  }
0x11: {  	[smem:$0x3FB5] =	sst s9;
	s0 =	simm.s32 @!p0 $0x0  }
0x12: {  	s1 =	sld [smem:$0x3F9B];
	s0 =	simm.s32 @p0 $0x1  }
0x13: {  	[smem:$0x3FB6] =	sst s0;
	s0 =	simm.s32 @!p1 $0x0  }
0x14: {  	s2 =	sld [smem:$0x3F9A];
	s0 =	simm.s32 @p1 $0x1  }
0x15: {  	[smem:$0x3FB7] =	sst s0;
	s0 =	simm.s32 @!p2 $0x0  }
0x16: {  	s3 =	sld [smem:$0x3FDB];
	s0 =	simm.s32 @p2 $0x1  }
0x17: {  	s4 =	simm.s32 $0x1BF5;
	[smem:$0x3FB9] =	sst s0  }
0x18: {  	s0 =	sld [smem:$0x3F9C];
	_ =	swait.ge [sflag:s4], $0x0  }
0x19: {  	s7 =	sld [smem:$0x3F9D]  }
0x1a: {  	s8 =	sadd.s32 $0xFFFFE003, lr  }
0x1b: {  	s9 =	sadd.s32 $0xFFFFFEF7, lr;
	s5 =	simm.s32 $0xFFFFFFFF;
	p2 =	slt.u32 s8, $0xFFFFF086  }
0x1c: {  	p1 =	slt.u32 s9, $0xF7A;
	s5 =	simm.s32 @!p2 $0x0  }
0x1d: {  	s5 =	simm.s32 @p1 $0x1;
	p0 =	seq.s32 s7, s2  }
0x1e: {  	s7 =	smul.u32 @!p0 $0xF7A, s2;
	p2 =	seq.s32 @!p0 s5, $0x0  }
0x1f: {  	s9 =	smul.u32 $0xF7A, s1;
	s8 =	simm.s32 @!p0 $0x1BF5;
	p2 =	por !p2, p0  }
0x20: {  	[sflag:s8] =	ssyncset.s32 @!p0 $0xFFFFF086;
	s6 =	sadd.s32 @!p0 s3, s7;
	s7 =	simm.s32 @!p0 $0x108  }
0x21: {  	s3 =	sadd.s32 s3, s9;
	s6 =	sadd.s32 @!p0 $0x88, s6;
	s7 =	simm.s32 @p2 $0x1082  }
0x22: {  	[simem:s7], [sflag:s8] =	dma.local @!p0 [hbm:s6], $0xF7A  }
0x23: {  	s9 =	sor.u32 $0xD0000000, s2;
	s6 =	simm.s32 $0x108;
	_ =	swait.ge @!p0 [sflag:s8], $0x0  }
0x24: {  	s3 =	sadd.s32 $0x88, s3;
	s6 =	simm.s32 @!p1 $0x1082;
	[sflag:s4] =	ssyncset.s32 $0xFFFFF086  }
0x25: {  	[simem:s6], [sflag:s4] =	dma.local [hbm:s3], $0xF7A  }
0x26: {  	[smem:$0x3F9D] =	sst s1;
	(tag) =	ssettag s2;
	_ =	strace s9  }
0x27: {  	s1 =	sld [smem:$0x3FAD]  }
0x28: {  	s2 =	sld [smem:$0x3FAE]  }
0x29: {  	s4 =	sld [smem:$0x3FB0]  }
0x2a: {  	p0 =	seq.s32 s5, $0x0;
	s5 =	sld [smem:$0x3FB1]  }
0x2b: {  	s6 =	sld [smem:$0x3FB2]  }
0x2c: {  	s7 =	sld [smem:$0x3FB3]  }
0x2d: {  	s3 =	simm.s32 $0x108;
	s8 =	sld [smem:$0x3FB4]  }
0x2e: {  	s3 =	simm.s32 @!p0 $0x1082;
	s9 =	sld [smem:$0x3FB5]  }
0x2f: {  	lr =	sadd.s32 s0, s3;
	s0 =	sld [smem:$0x3FAC]  }
0x30: {  	s3 =	sld [smem:$0x3FAF]  }
0x31: {  	[smem:$0x3FB8] =	sst s10  }
0x32: {  	s10 =	sld [smem:$0x3FB6];
	_ =	sdelay $0x3  }
0x33: {  	p0 =	seq.s32 s10, $0x1;
	s10 =	sld [smem:$0x3FB8];
	_ =	sdelay $0x3  }
0x34: {  	[smem:$0x3FB8] =	sst s10  }
0x35: {  	s10 =	sld [smem:$0x3FB7];
	_ =	sdelay $0x3  }
0x36: {  	p1 =	seq.s32 s10, $0x1;
	s10 =	sld [smem:$0x3FB8];
	_ =	sdelay $0x3  }
0x37: {  	[smem:$0x3FB8] =	sst s10  }
0x38: {  	s10 =	sld [smem:$0x3FB9]  }
0x39: {  	_ = 	snop;
	(pc) =	sbr.ind lr, $3  }
0x3a: {  	_ = 	snop  }
0x3b: {  	_ = 	snop  }
0x3c: {  	p2 =	seq.s32 s10, $0x1;
	s10 =	sld [smem:$0x3FB8]  }
0x3d: {  	_ =	shalt  }
0x3e: {  	_ =	shalt  }
0x3f: {  	_ =	shalt  }
0x40: {  	_ =	shalt  }
0x41: {  	_ =	shalt  }
0x42: {  	_ =	shalt  }
0x43: {  	_ =	shalt  }
0x44: {  	_ =	shalt  }
0x45: {  	_ =	shalt  }
0x46: {  	_ =	shalt  }
0x47: {  	_ =	shalt  }
0x48: {  	_ =	shalt  }
0x49: {  	_ =	shalt  }
0x4a: {  	_ =	shalt  }
0x4b: {  	_ =	shalt  }
0x4c: {  	_ =	shalt  }
0x4d: {  	_ =	shalt  }
0x4e: {  	_ =	shalt  }
0x4f: {  	_ =	shalt  }
0x50: {  	_ =	shalt  }
0x51: {  	_ =	shalt  }
0x52: {  	_ =	shalt  }
0x53: {  	_ =	shalt  }
0x54: {  	_ =	shalt  }
0x55: {  	_ =	shalt  }
0x56: {  	_ =	shalt  }
0x57: {  	_ =	shalt  }
0x58: {  	_ =	shalt  }
0x59: {  	_ =	shalt  }
0x5a: {  	_ =	shalt  }
0x5b: {  	_ =	shalt  }
0x5c: {  	_ =	shalt  }
0x5d: {  	_ =	shalt  }
0x5e: {  	_ =	shalt  }
0x5f: {  	_ =	shalt  }
0x60: {  	_ =	shalt  }
0x61: {  	_ =	shalt  }
0x62: {  	_ =	shalt  }
0x63: {  	_ =	shalt  }
0x64: {  	_ =	shalt  }
0x65: {  	_ =	shalt  }
0x66: {  	_ =	shalt  }
0x67: {  	_ =	shalt  }
0x68: {  	_ =	shalt  }
0x69: {  	_ =	shalt  }
0x6a: {  	_ =	shalt  }
0x6b: {  	_ =	shalt  }
0x6c: {  	_ =	shalt  }
0x6d: {  	_ =	shalt  }
0x6e: {  	_ =	shalt  }
0x6f: {  	_ =	shalt  }
0x70: {  	_ =	shalt  }
0x71: {  	_ =	shalt  }
0x72: {  	_ =	shalt  }
0x73: {  	_ =	shalt  }
0x74: {  	_ =	shalt  }
0x75: {  	_ =	shalt  }
0x76: {  	_ =	shalt  }
0x77: {  	_ =	shalt  }
0x78: {  	_ =	shalt  }
0x79: {  	_ =	shalt  }
0x7a: {  	_ =	shalt  }
0x7b: {  	_ =	shalt  }
0x7c: {  	_ =	shalt  }
0x7d: {  	_ =	shalt  }
0x7e: {  	_ =	shalt  }
0x7f: {  	_ =	shalt  }
0x80: {  	_ =	shalt  }
0x81: {  	_ =	shalt  }
0x82: {  	_ =	shalt  }
0x83: {  	_ =	shalt  }
0x84: {  	_ =	shalt  }
0x85: {  	_ =	shalt  }
0x86: {  	_ =	shalt  }
0x87: {  	_ =	shalt  }
.Lfunc_end0:
.L_simem_size_0:
called_computation_lowered:
.L_overlay_start_0:
0x88: {  	s2 =	sld [smem:$0x3FD9]  }
0x89: {  	s3 =	sld [smem:$0x3FFE];
	_ =	sdelay $0x1  }
0x8a: {  	s1 =	srdreg.scid  }
0x8b: {  	s0 =	sand.u32 $0x1, s1  }
0x8c: {  	s17 =	sshll.u32 s0, $0xA;
	s2 =	sadd.s32 s3, s2  }
0x8d: {  	s2 =	sadd.s32 s2, s17  }
0x8e: {  	[smem:$0x3FC4] =	sst s2  }
0x8f: {  	_ = 	snop  }
0x90: {  	s2 =	sld [smem:$0x3FD0];
	(tm) =	ssettm $0x1  }
0x91: {  	s18 =	sld [smem:$0x3FFB];
	_ =	sdelay $0x3  }
0x92: {  	_ =	strace s18  }
0x93: {  	s3 =	sld [smem:$0x3FFC];
	_ =	sdelay $0x3  }
0x94: {  	_ =	strace s3  }
0x95: {  	s3 =	sld [smem:$0x3FFD];
	_ =	sdelay $0x3  }
0x96: {  	_ =	strace s3  }
0x97: {  	_ =	strace $0x8FFFFFFF  }
0x98: {  	s19 =	sld [smem:$0x3FDB];
	_ =	sdelay $0x1  }
0x99: {  	s4 =	simm.s32 $_scs_section_size  }
0x9a: {  	s5 =	simm.s32 $_size__tile_overlayer_lowered;
	s6 =	simm.s32 $_tile_overlayer_lowered  }
0x9b: {  	s22 =	simm.s32 $0x1BFF;
	s21 =	sshll.u32 s6, $0x1;
	s3 =	sadd.s32 s4, s19  }
0x9c: {  	s7 =	simm.s32 $0x0;
	s20 =	sshll.u32 s5, $0x1;
	s5 =	sadd.s32 s21, s3  }
0x9d: {  	[timem:s7], [sflag:s22] =	dma.local [hbm:s5], s20  }
0x9e: {  	_ =	swait.ge [sflag:s22], s20  }
0x9f: {  	s4 =	ssub.s32 $0x0, s20;
	[sflag:s22] =	ssyncset.done $0x0  }
0xa0: {  	[sflag:s22] =	ssyncadd.s32 s4;
	_ =	sdelay $0x1  }
0xa1: {  	s23 =	simm.s32 $0x1B8B  }
0xa2: {  	_ =	swait.ge [sflag:s23], $0x1  }
0xa3: {  	[sflag:s23] =	ssyncset.done $0x0  }
0xa4: {  	s25 =	simm.s32 $0x1B8E;
	s24 =	sld [smem:$0x3FFE];
	[sflag:s23] =	ssyncadd.s32 $0xFFFFFFFF  }
0xa5: {  	s26 =	simm.s32 $execute0_lowered;
	[smem:$0x3FD2] =	sst s25  }
0xa6: {  	s5 =	sshll.u32 s26, $0x1;
	_ =	strace $0x80000046;
	[dreg:$0x1] =	wrdreg $0xFFFFFFFF  }
0xa7: {  	s28 =	simm.s32 $_size_execute0_lowered;
	s3 =	sadd.s32 s3, s5;
	[dreg:$0x0] =	wrdreg $0x0  }
0xa8: {  	s5 =	sshll.u32 s28, $0x1;
	[dreg:$0x2] =	wrdreg s3  }
0xa9: {  	[dreg:$0x3] =	wrdreg s5  }
0xaa: {  	[dreg:$0x4] =	wrdreg $0xC0  }
0xab: {  	_ =	task [dreg:s7], $0x5FFFF  }
0xac: {  	[dreg:$0x1] =	wrdreg $0xFFFFFFFF  }
0xad: {  	[dreg:$0x0] =	wrdreg $0x60  }
0xae: {  	[dreg:$0x2] =	wrdreg s24  }
0xaf: {  	[dreg:$0x3] =	wrdreg s2  }
0xb0: {  	[dreg:$0x4] =	wrdreg $0x2B000  }
0xb1: {  	[dreg:$0x5] =	wrdreg $0x9  }
0xb2: {  	_ =	task.clear_ibuf [dreg:s7], $0x6FFFF;
	_ =	strace $0x90000046  }
0xb3: {  	s29 =	simm.s32 $0x9;
	_ =	strace $0x80000048  }
0xb4: {  	_ =	swait.ge [sflag:s29], $0x1  }
0xb5: {  	[sflag:s29] =	ssyncadd.s32 $0xFFFFFFFF  }
0xb6: {  	_ =	strace $0x90000048  }
0xb7: {  	_ =	sfence  }
0xb8: {  	s30 =	sld [smem:$0x0];
	_ =	sdelay $0x2  }
0xb9: {  	s31 =	sshll.u32 s1, $0xD;
	s1 =	sshrl.u32 s1, $0x2  }
0xba: {  	s3 =	sand.u32 $0x4000, s31;
	s1 =	sadd.s32 s1, s30  }
0xbb: {  	s0 =	sor.u32 s3, s0;
	s1 =	sshll.u32 s1, $0x11  }
0xbc: {  	s0 =	sor.u32 s1, s0  }
0xbd: {  	s0 =	sadd.s32 $0x8F2B, s0  }
0xbe: {  	[sflag:s0] =	ssyncadd.remote.s32 $0x1  }
0xbf: {  	_ =	sfence.sel $0xFFFF  }
0xc0: {  	[dreg:$0x0] =	wrdreg $0xFFFFFFFF;
	(pc) =	sbr.abs _section_cstart, $3  }
0xc1: {  	[dreg:$0x1] =	wrdreg $0xFFFFFFFF  }
0xc2: {  	_ =	task.clear_ibuf [dreg:s7], $0x2FFFF;
	_ =	strace $0x9FFFFFFF  }
0xc3: {  	(tm) =	ssettm $0x7FFFFFFF  }
tec
execute0_lowered:
.L_overlay_start_1:
0x0: {  	(tag) =	ssettag $0x1  }
0x1: {  	s6 =	rddreg [dreg:$0x0]  }
0x2: {  	s7 =	rddreg [dreg:$0x1]  }
0x3: {  	s2 =	rddreg [dreg:$0x2]  }
0x4: {  	s0 =	rddreg [dreg:$0x3]  }
0x5: {  	s4 =	srdreg.scid;
	s1 =	stileid.u32  }
0x6: {  	s3 =	simm.s32 $0x0;
	s15 =	simm.s32 $0x20;
	s16 =	simm.s32 $0x10  }
0x7: {  	s17 =	simm.s32 $0x0;
	s4 =	sand.u32 $0x1, s4;
	s9 =	smul.u32 $0xA00, s1  }
0x8: {  	s5 =	sshll.u32 s1, $0x1;
	[smem:$0x7FF] =	sst s3;
	s29 =	smul.u32 $0x500, s1  }
0x9: {  	s13 =	sshll.u32 s1, $0x6;
	s8 =	ssub.s32 $0x2, s4;
	s5 =	sor.u32 s4, s5  }
0xa: {  	_ =	strace $0x80000047;
	s12 =	sshll.u32 s4, $0x7;
	s13 =	sor.u32 $0x1C02, s13  }
0xb: {  	s10 =	sshrl.u32 s8, $0x1;
	s11 =	smul.u32 $0x2800, s5;
	s9 =	sshrl.u32 s9, $0x2  }
0xc: {  	p0 =	seq.s32 s5, $0x1F;
	s8 =	ssub.s32 s8, s10;
	s4 =	sadd.s32 s9, s2  }
0xd: {  	s10 =	sor.u32 s12, s29;
	s9 =	simm.s32 $0x2;
	s12 =	simm.s32 $0x1  }
0xe: {  	s11 =	sshrl.u32 s11, $0x3;
	s31 =	sshrl.u32 s10, $0x3;
	s10 =	sadd.s32 $0x15F00, s6  }
0xf: {  	s14 =	sshrl.u32 s4, $0x3;
	s30 =	sadd.s32 s6, s11;
	s6 =	sadd.s32 s7, s31  }
0x10: {  	s7 =	smax.u32 s8, $0x1;
	s8 =	simm.s32 $0x2880;
	s5 =	sadd.s32 $0xBC80, s30  }
0x11: {  	v0 =	vimm.f32 $1.000000000e+00;
	v1 =	vimm.f32 $0.0e+00;
	s11 =	simm.s32 $0x2800;
	s5 =	smov.u32 @p0 s10;
	s10 =	simm.s32 $0x80  }
.LBB2_1:
0x12: {  	[tilespmem:$0x2800] =	vst v0  }
0x13: {  	[tilespmem:$0x2810] =	vst v0  }
0x14: {  	[tilespmem:$0x2820] =	vst v0  }
0x15: {  	[tilespmem:$0x2830] =	vst v0  }
0x16: {  	[tilespmem:$0x2840] =	vst v0  }
0x17: {  	[tilespmem:$0x2850] =	vst v0  }
0x18: {  	[tilespmem:$0x2860] =	vst v0  }
0x19: {  	[tilespmem:$0x2870] =	vst v0  }
0x1a: {  	[tilespmem:$0x2880] =	vst v1  }
0x1b: {  	[tilespmem:$0x2890] =	vst v1  }
0x1c: {  	[tilespmem:$0x28A0] =	vst v1  }
0x1d: {  	[tilespmem:$0x28B0] =	vst v1  }
0x1e: {  	[tilespmem:$0x28C0] =	vst v1  }
0x1f: {  	[tilespmem:$0x28D0] =	vst v1  }
0x20: {  	[tilespmem:$0x28E0] =	vst v1  }
0x21: {  	[tilespmem:$0x28F0] =	vst v1  }
0x22: {  	[tilespmem:$0x2900] =	vst v1  }
0x23: {  	[tilespmem:$0x2910] =	vst v1  }
0x24: {  	[tilespmem:$0x2920] =	vst v1  }
0x25: {  	[tilespmem:$0x2930] =	vst v1  }
0x26: {  	[tilespmem:$0x2940] =	vst v1  }
0x27: {  	[tilespmem:$0x2950] =	vst v1  }
0x28: {  	[tilespmem:$0x2960] =	vst v1  }
0x29: {  	[tilespmem:$0x2970] =	vst v1  }
0x2a: {  	[tilespmem:$0x2980] =	vst v1  }
0x2b: {  	[tilespmem:$0x2990] =	vst v1  }
0x2c: {  	[tilespmem:$0x29A0] =	vst v1  }
0x2d: {  	[tilespmem:$0x29B0] =	vst v1  }
0x2e: {  	[tilespmem:$0x29C0] =	vst v1  }
0x2f: {  	[tilespmem:$0x29D0] =	vst v1  }
0x30: {  	[tilespmem:$0x29E0] =	vst v1  }
0x31: {  	[tilespmem:$0x29F0] =	vst v1  }
0x32: {  	[tilespmem:$0x2A00] =	vst v1  }
0x33: {  	[tilespmem:$0x2A10] =	vst v1  }
0x34: {  	[tilespmem:$0x2A20] =	vst v1  }
0x35: {  	[tilespmem:$0x2A30] =	vst v1  }
0x36: {  	[tilespmem:$0x2A40] =	vst v1  }
0x37: {  	[tilespmem:$0x2A50] =	vst v1  }
0x38: {  	[tilespmem:$0x2A60] =	vst v1  }
0x39: {  	[tilespmem:$0x2A70] =	vst v1  }
0x3a: {  	[tilespmem:$0x2A80] =	vst v1  }
0x3b: {  	[tilespmem:$0x2A90] =	vst v1  }
0x3c: {  	[tilespmem:$0x2AA0] =	vst v1  }
0x3d: {  	[tilespmem:$0x2AB0] =	vst v1  }
0x3e: {  	[tilespmem:$0x2AC0] =	vst v1  }
0x3f: {  	[tilespmem:$0x2AD0] =	vst v1  }
0x40: {  	[tilespmem:$0x2AE0] =	vst v1  }
0x41: {  	[tilespmem:$0x2AF0] =	vst v1  }
0x42: {  	[spmem:s4] =	stream.linear.scatter [tilespmem:s8], [sflag:$0x2], $0x280, $0x38;
	[tilespmem:$0x2D80] =	vst v63  }
0x43: {  	_ =	swait.ge [sflag:s9], $0x280  }
0x44: {  	[sflag:s9] =	ssyncset.done $0x0  }
0x45: {  	[sflag:s9] =	ssyncadd.s32 $0xFFFFFD80  }
0x46: {  	[tilespmem:s3], [sflag:$0x2] =	stream.linear.gather [hbm4b:s5+s3], $0x2800, $0x38;
	[tilespmem:$0x2D80] =	vst v63  }
0x47: {  	_ =	swait.ge [sflag:s9], $0x2800  }
0x48: {  	[sflag:s9] =	ssyncset.done $0x0  }
0x49: {  	[sflag:s9] =	ssyncadd.s32 $0xFFFFD800  }
0x4a: {  	s18 =	simm.s32 $0x0;
	[bflag:$0x0] =	sbarrier.arrive $0xFFFF  }
.LBB2_2:
0x4b: {  	p0 =	sne.s32 s18, $0x9E00  }
.Ltmp0:
0x4c: {  	_ = 	snop;
	(pc) =	sbr.rel @p0 .LBB2_2-.Ltmp0, $3  }
0x4d: {  	_ =	sdelay $0x1  }
0x4e: {  	s19 =	sshra.s32 s18, $0x2;
	s18 =	sadd.s32 $0x200, s18  }
0x4f: {  	[spmem:s2] =	stream.indirect.scatter.add.f32 [tilespmem:s11], [sflag:$0x1], $0x1, s19, s10, $0xb8;
	[tilespmem:$0x2D80] =	vst v63  }
0x50: {  	_ =	swait.ge [sflag:s12], $0x80  }
0x51: {  	s18 =	simm.s32 $0x4F;
	[sflag:s12] =	ssyncset.done $0x0  }
.LBB2_4:
0x52: {  	p0 =	sne.s32 s18, $0x1;
	s18 =	sadd.s32 $0xFFFFFFFF, s18;
	[sflag:s12] =	ssyncadd.s32 $0xFFFFFF80  }
.Ltmp1:
0x53: {  	(pc) =	sbr.rel @p0 .LBB2_4-.Ltmp1, $3  }
0x54: {  	_ =	sdelay $0x1  }
0x55: {  	_ =	swait.ge [sflag:s12], $0x80  }
0x56: {  	[sflag:s12] =	ssyncset.done $0x0  }
0x57: {  	s17 =	sadd.s32 $0x1, s17  }
0x58: {  	[sflag:s12] =	ssyncadd.s32 $0xFFFFFF80;
	p0 =	sne.s32 s17, s7  }
.Ltmp2:
0x59: {  	[bflag:$0x0] =	sbarrier.arrive $0xFFFF;
	(pc) =	sbr.rel @p0 .LBB2_1-.Ltmp2, $4  }
0x5a: {  	[hbm:s6@s15], [sflag:s13] =	dma.strided [spmem:s14@s16], $0x50, s12, $0x10   }
0x5b: {  	_ =	swait.ge [sflag:s9], $0x50  }
0x5c: {  	[sflag:s9] =	ssyncset.done $0x0  }
0x5d: {  	[sflag:s9] =	ssyncadd.s32 $0xFFFFFFB0  }
0x5e: {  	_ =	sfence.sel $0x180000  }
0x5f: {  	[bflag:$0x0] =	sbarrier.arrive $0xFFFF  }
0x60: {  	p0 =	sne.s32 s1, $0x0;
	_ =	strace $0x90000047  }
0x61: {  	s0 =	sadd.s32 @!p0 $0x100000, s0;
	[bflag:$0x2] =	sbarrier.arrive $0xFFFF  }
0x62: {  	[sflag:s0] =	ssyncadd.tile.s32 @!p0 $0x1;
	_ =	shalt  }
.Lfunc_end2:
_tile_overlayer_lowered:
.L_overlay_start_2:
0x63: {  	(tag) =	ssettag $0x2  }
0x64: {  	s0 =	rddreg [dreg:$0x0];
	s2 =	stileid.u32  }
0x65: {  	s1 =	rddreg [dreg:$0x1];
	p0 =	sne.s32 s2, $0x0  }
0x66: {  	s3 =	rddreg [dreg:$0x2];
	[bflag:$0x3] =	sbarrier.arrive $0xFFFF;
	s2 =	simm.s32 @!p0 $0x1C02  }
0x67: {  	[timem:s3], [sflag:s2] =	dma.local @!p0 [hbm:s0], s1  }
0x68: {  	s0 =	simm.s32 @!p0 $0x2  }
0x69: {  	_ =	swait.ge @!p0 [sflag:s0], s1  }
0x6a: {  	s1 =	ssub.s32 @!p0 $0x0, s1;
	[sflag:s0] =	ssyncset.done @!p0 $0x0  }
0x6b: {  	[sflag:s0] =	ssyncadd.s32 @!p0 s1  }
0x6c: {  	[bflag:$0x3] =	sbarrier.arrive $0xFFFF  }
0x6d: {  	_ =	shalt  }

// kernel: kernel.9.cloned.1.call-start
scs
__scs_entry_jumppad:
0x0: {  	(pc) =	sbr.rel $0x88, $3  }
0x1: {  	(tag) =	ssettag $0x0;
	lr =	simm.s32 $0x1  }
0x2: {  	[smem:$0x3F9D] =	sst lr;
	_ =	strace $0xD0000000  }
0x3: {  	_ = 	snop  }
0x4: {  	_ = 	snop  }
0x5: {  	_ = 	snop  }
0x6: {  	_ = 	snop  }
0x7: {  	_ = 	snop  }
__scs_overlays_trampoline_lowered:
0x8: {  	[smem:$0x3FAC] =	sst s0  }
0x9: {  	[smem:$0x3FAD] =	sst s1  }
0xa: {  	[smem:$0x3FAE] =	sst s2  }
0xb: {  	[smem:$0x3FAF] =	sst s3  }
0xc: {  	[smem:$0x3FB0] =	sst s4  }
0xd: {  	[smem:$0x3FB1] =	sst s5  }
0xe: {  	[smem:$0x3FB2] =	sst s6  }
0xf: {  	[smem:$0x3FB3] =	sst s7  }
0x10: {  	[smem:$0x3FB4] =	sst s8  }
0x11: {  	[smem:$0x3FB5] =	sst s9;
	s0 =	simm.s32 @!p0 $0x0  }
0x12: {  	s1 =	sld [smem:$0x3F9B];
	s0 =	simm.s32 @p0 $0x1  }
0x13: {  	[smem:$0x3FB6] =	sst s0;
	s0 =	simm.s32 @!p1 $0x0  }
0x14: {  	s2 =	sld [smem:$0x3F9A];
	s0 =	simm.s32 @p1 $0x1  }
0x15: {  	[smem:$0x3FB7] =	sst s0;
	s0 =	simm.s32 @!p2 $0x0  }
0x16: {  	s3 =	sld [smem:$0x3FDB];
	s0 =	simm.s32 @p2 $0x1  }
0x17: {  	s4 =	simm.s32 $0x1BF5;
	[smem:$0x3FB9] =	sst s0  }
0x18: {  	s0 =	sld [smem:$0x3F9C];
	_ =	swait.ge [sflag:s4], $0x0  }
0x19: {  	s7 =	sld [smem:$0x3F9D]  }
0x1a: {  	s8 =	sadd.s32 $0xFFFFE003, lr  }
0x1b: {  	s9 =	sadd.s32 $0xFFFFFEF7, lr;
	s5 =	simm.s32 $0xFFFFFFFF;
	p2 =	slt.u32 s8, $0xFFFFF086  }
0x1c: {  	p1 =	slt.u32 s9, $0xF7A;
	s5 =	simm.s32 @!p2 $0x0  }
0x1d: {  	s5 =	simm.s32 @p1 $0x1;
	p0 =	seq.s32 s7, s2  }
0x1e: {  	s7 =	smul.u32 @!p0 $0xF7A, s2;
	p2 =	seq.s32 @!p0 s5, $0x0  }
0x1f: {  	s9 =	smul.u32 $0xF7A, s1;
	s8 =	simm.s32 @!p0 $0x1BF5;
	p2 =	por !p2, p0  }
0x20: {  	[sflag:s8] =	ssyncset.s32 @!p0 $0xFFFFF086;
	s6 =	sadd.s32 @!p0 s3, s7;
	s7 =	simm.s32 @!p0 $0x108  }
0x21: {  	s3 =	sadd.s32 s3, s9;
	s6 =	sadd.s32 @!p0 $0x88, s6;
	s7 =	simm.s32 @p2 $0x1082  }
0x22: {  	[simem:s7], [sflag:s8] =	dma.local @!p0 [hbm:s6], $0xF7A  }
0x23: {  	s9 =	sor.u32 $0xD0000000, s2;
	s6 =	simm.s32 $0x108;
	_ =	swait.ge @!p0 [sflag:s8], $0x0  }
0x24: {  	s3 =	sadd.s32 $0x88, s3;
	s6 =	simm.s32 @!p1 $0x1082;
	[sflag:s4] =	ssyncset.s32 $0xFFFFF086  }
0x25: {  	[simem:s6], [sflag:s4] =	dma.local [hbm:s3], $0xF7A  }
0x26: {  	[smem:$0x3F9D] =	sst s1;
	(tag) =	ssettag s2;
	_ =	strace s9  }
0x27: {  	s1 =	sld [smem:$0x3FAD]  }
0x28: {  	s2 =	sld [smem:$0x3FAE]  }
0x29: {  	s4 =	sld [smem:$0x3FB0]  }
0x2a: {  	p0 =	seq.s32 s5, $0x0;
	s5 =	sld [smem:$0x3FB1]  }
0x2b: {  	s6 =	sld [smem:$0x3FB2]  }
0x2c: {  	s7 =	sld [smem:$0x3FB3]  }
0x2d: {  	s3 =	simm.s32 $0x108;
	s8 =	sld [smem:$0x3FB4]  }
0x2e: {  	s3 =	simm.s32 @!p0 $0x1082;
	s9 =	sld [smem:$0x3FB5]  }
0x2f: {  	lr =	sadd.s32 s0, s3;
	s0 =	sld [smem:$0x3FAC]  }
0x30: {  	s3 =	sld [smem:$0x3FAF]  }
0x31: {  	[smem:$0x3FB8] =	sst s10  }
0x32: {  	s10 =	sld [smem:$0x3FB6];
	_ =	sdelay $0x3  }
0x33: {  	p0 =	seq.s32 s10, $0x1;
	s10 =	sld [smem:$0x3FB8];
	_ =	sdelay $0x3  }
0x34: {  	[smem:$0x3FB8] =	sst s10  }
0x35: {  	s10 =	sld [smem:$0x3FB7];
	_ =	sdelay $0x3  }
0x36: {  	p1 =	seq.s32 s10, $0x1;
	s10 =	sld [smem:$0x3FB8];
	_ =	sdelay $0x3  }
0x37: {  	[smem:$0x3FB8] =	sst s10  }
0x38: {  	s10 =	sld [smem:$0x3FB9]  }
0x39: {  	_ = 	snop;
	(pc) =	sbr.ind lr, $3  }
0x3a: {  	_ = 	snop  }
0x3b: {  	_ = 	snop  }
0x3c: {  	p2 =	seq.s32 s10, $0x1;
	s10 =	sld [smem:$0x3FB8]  }
0x3d: {  	_ =	shalt  }
0x3e: {  	_ =	shalt  }
0x3f: {  	_ =	shalt  }
0x40: {  	_ =	shalt  }
0x41: {  	_ =	shalt  }
0x42: {  	_ =	shalt  }
0x43: {  	_ =	shalt  }
0x44: {  	_ =	shalt  }
0x45: {  	_ =	shalt  }
0x46: {  	_ =	shalt  }
0x47: {  	_ =	shalt  }
0x48: {  	_ =	shalt  }
0x49: {  	_ =	shalt  }
0x4a: {  	_ =	shalt  }
0x4b: {  	_ =	shalt  }
0x4c: {  	_ =	shalt  }
0x4d: {  	_ =	shalt  }
0x4e: {  	_ =	shalt  }
0x4f: {  	_ =	shalt  }
0x50: {  	_ =	shalt  }
0x51: {  	_ =	shalt  }
0x52: {  	_ =	shalt  }
0x53: {  	_ =	shalt  }
0x54: {  	_ =	shalt  }
0x55: {  	_ =	shalt  }
0x56: {  	_ =	shalt  }
0x57: {  	_ =	shalt  }
0x58: {  	_ =	shalt  }
0x59: {  	_ =	shalt  }
0x5a: {  	_ =	shalt  }
0x5b: {  	_ =	shalt  }
0x5c: {  	_ =	shalt  }
0x5d: {  	_ =	shalt  }
0x5e: {  	_ =	shalt  }
0x5f: {  	_ =	shalt  }
0x60: {  	_ =	shalt  }
0x61: {  	_ =	shalt  }
0x62: {  	_ =	shalt  }
0x63: {  	_ =	shalt  }
0x64: {  	_ =	shalt  }
0x65: {  	_ =	shalt  }
0x66: {  	_ =	shalt  }
0x67: {  	_ =	shalt  }
0x68: {  	_ =	shalt  }
0x69: {  	_ =	shalt  }
0x6a: {  	_ =	shalt  }
0x6b: {  	_ =	shalt  }
0x6c: {  	_ =	shalt  }
0x6d: {  	_ =	shalt  }
0x6e: {  	_ =	shalt  }
0x6f: {  	_ =	shalt  }
0x70: {  	_ =	shalt  }
0x71: {  	_ =	shalt  }
0x72: {  	_ =	shalt  }
0x73: {  	_ =	shalt  }
0x74: {  	_ =	shalt  }
0x75: {  	_ =	shalt  }
0x76: {  	_ =	shalt  }
0x77: {  	_ =	shalt  }
0x78: {  	_ =	shalt  }
0x79: {  	_ =	shalt  }
0x7a: {  	_ =	shalt  }
0x7b: {  	_ =	shalt  }
0x7c: {  	_ =	shalt  }
0x7d: {  	_ =	shalt  }
0x7e: {  	_ =	shalt  }
0x7f: {  	_ =	shalt  }
0x80: {  	_ =	shalt  }
0x81: {  	_ =	shalt  }
0x82: {  	_ =	shalt  }
0x83: {  	_ =	shalt  }
0x84: {  	_ =	shalt  }
0x85: {  	_ =	shalt  }
0x86: {  	_ =	shalt  }
0x87: {  	_ =	shalt  }
.Lfunc_end0:
.L_simem_size_0:
called_computation.1_lowered:
.L_overlay_start_0:
0x88: {  	s2 =	sld [smem:$0x3FD9]  }
0x89: {  	s3 =	sld [smem:$0x3FFE];
	_ =	sdelay $0x1  }
0x8a: {  	s1 =	srdreg.scid  }
0x8b: {  	s0 =	sand.u32 $0x1, s1  }
0x8c: {  	s17 =	sshll.u32 s0, $0xA;
	s2 =	sadd.s32 s3, s2  }
0x8d: {  	s2 =	sadd.s32 s2, s17  }
0x8e: {  	[smem:$0x3FC4] =	sst s2  }
0x8f: {  	_ = 	snop  }
0x90: {  	s2 =	sld [smem:$0x3FD0];
	(tm) =	ssettm $0x1  }
0x91: {  	s18 =	sld [smem:$0x3FFB];
	_ =	sdelay $0x3  }
0x92: {  	_ =	strace s18  }
0x93: {  	s3 =	sld [smem:$0x3FFC];
	_ =	sdelay $0x3  }
0x94: {  	_ =	strace s3  }
0x95: {  	s3 =	sld [smem:$0x3FFD];
	_ =	sdelay $0x3  }
0x96: {  	_ =	strace s3  }
0x97: {  	_ =	strace $0x8FFFFFFF  }
0x98: {  	s19 =	sld [smem:$0x3FDB];
	_ =	sdelay $0x1  }
0x99: {  	s4 =	simm.s32 $_scs_section_size  }
0x9a: {  	s5 =	simm.s32 $_size__tile_overlayer_lowered;
	s6 =	simm.s32 $_tile_overlayer_lowered  }
0x9b: {  	s22 =	simm.s32 $0x1BFF;
	s21 =	sshll.u32 s6, $0x1;
	s3 =	sadd.s32 s4, s19  }
0x9c: {  	s7 =	simm.s32 $0x0;
	s20 =	sshll.u32 s5, $0x1;
	s5 =	sadd.s32 s21, s3  }
0x9d: {  	[timem:s7], [sflag:s22] =	dma.local [hbm:s5], s20  }
0x9e: {  	_ =	swait.ge [sflag:s22], s20  }
0x9f: {  	s4 =	ssub.s32 $0x0, s20;
	[sflag:s22] =	ssyncset.done $0x0  }
0xa0: {  	[sflag:s22] =	ssyncadd.s32 s4;
	_ =	sdelay $0x1  }
0xa1: {  	s23 =	simm.s32 $0x1B8B  }
0xa2: {  	_ =	swait.ge [sflag:s23], $0x1  }
0xa3: {  	[sflag:s23] =	ssyncset.done $0x0  }
0xa4: {  	s25 =	simm.s32 $0x1B8E;
	s24 =	sld [smem:$0x3FFE];
	[sflag:s23] =	ssyncadd.s32 $0xFFFFFFFF  }
0xa5: {  	s26 =	simm.s32 $execute0_lowered;
	[smem:$0x3FD2] =	sst s25  }
0xa6: {  	s5 =	sshll.u32 s26, $0x1;
	_ =	strace $0x80000049;
	[dreg:$0x1] =	wrdreg $0xFFFFFFFF  }
0xa7: {  	s28 =	simm.s32 $_size_execute0_lowered;
	s3 =	sadd.s32 s3, s5;
	[dreg:$0x0] =	wrdreg $0x0  }
0xa8: {  	s5 =	sshll.u32 s28, $0x1;
	[dreg:$0x2] =	wrdreg s3  }
0xa9: {  	[dreg:$0x3] =	wrdreg s5  }
0xaa: {  	[dreg:$0x4] =	wrdreg $0xC0  }
0xab: {  	_ =	task [dreg:s7], $0x5FFFF  }
0xac: {  	[dreg:$0x1] =	wrdreg $0xFFFFFFFF  }
0xad: {  	[dreg:$0x0] =	wrdreg $0x60  }
0xae: {  	[dreg:$0x2] =	wrdreg s2  }
0xaf: {  	[dreg:$0x3] =	wrdreg s24  }
0xb0: {  	[dreg:$0x4] =	wrdreg $0xB0000  }
0xb1: {  	[dreg:$0x5] =	wrdreg $0x9  }
0xb2: {  	_ =	task.clear_ibuf [dreg:s7], $0x6FFFF;
	_ =	strace $0x90000049  }
0xb3: {  	s29 =	simm.s32 $0x9;
	_ =	strace $0x8000004B  }
0xb4: {  	_ =	swait.ge [sflag:s29], $0x1  }
0xb5: {  	[sflag:s29] =	ssyncadd.s32 $0xFFFFFFFF  }
0xb6: {  	_ =	strace $0x9000004B  }
0xb7: {  	_ =	sfence  }
0xb8: {  	s30 =	sld [smem:$0x0];
	_ =	sdelay $0x2  }
0xb9: {  	s31 =	sshll.u32 s1, $0xD;
	s1 =	sshrl.u32 s1, $0x2  }
0xba: {  	s3 =	sand.u32 $0x4000, s31;
	s1 =	sadd.s32 s1, s30  }
0xbb: {  	s0 =	sor.u32 s3, s0;
	s1 =	sshll.u32 s1, $0x11  }
0xbc: {  	s0 =	sor.u32 s1, s0  }
0xbd: {  	s0 =	sadd.s32 $0x8F2B, s0  }
0xbe: {  	[sflag:s0] =	ssyncadd.remote.s32 $0x1  }
0xbf: {  	_ =	sfence.sel $0xFFFF  }
0xc0: {  	[dreg:$0x0] =	wrdreg $0xFFFFFFFF;
	(pc) =	sbr.abs _section_cstart, $3  }
0xc1: {  	[dreg:$0x1] =	wrdreg $0xFFFFFFFF  }
0xc2: {  	_ =	task.clear_ibuf [dreg:s7], $0x2FFFF;
	_ =	strace $0x9FFFFFFF  }
0xc3: {  	(tm) =	ssettm $0x7FFFFFFF  }
tec
execute0_lowered:
.L_overlay_start_1:
0x0: {  	(tag) =	ssettag $0x1  }
0x1: {  	s1 =	rddreg [dreg:$0x0]  }
0x2: {  	s0 =	rddreg [dreg:$0x1]  }
0x3: {  	s2 =	rddreg [dreg:$0x2];
	s4 =	simm.s32 $0x0;
	s3 =	srdreg.scid  }
0x4: {  	s12 =	stileid.u32;
	s28 =	simm.s32 $0x80;
	s29 =	simm.s32 $0x2C00  }
0x5: {  	s30 =	simm.s32 $0x7000;
	s31 =	simm.s32 $0x1;
	[smem:$0x7FF] =	sst s4  }
0x6: {  	s3 =	sand.u32 $0x1, s3;
	s5 =	sadd.s32 $0x2000, s0;
	s7 =	smul.u32 $0x50000, s12  }
0x7: {  	s8 =	sadd.s32 $0x15A00, s0;
	s11 =	sshll.u32 s12, $0x1;
	s12 =	smul.u32 $0x14000, s12  }
0x8: {  	s9 =	sadd.s32 $0x66400, s0;
	_ =	strace $0x8000004A;
	s6 =	ssub.s32 $0x2, s3  }
0x9: {  	s10 =	sshrl.u32 s6, $0x1;
	s7 =	sshrl.u32 s7, $0x2;
	s23 =	sadd.s32 $0x8000, s12  }
0xa: {  	s15 =	sadd.s32 $0xC000, s12;
	s16 =	sadd.s32 $0x10000, s12;
	s6 =	ssub.s32 s6, s10  }
0xb: {  	s10 =	sor.u32 s3, s11;
	s17 =	sadd.s32 s7, s2;
	s11 =	sadd.s32 $0x4000, s12  }
0xc: {  	s19 =	sadd.s32 s23, s2;
	s14 =	sadd.s32 s15, s2;
	s3 =	smul.u32 $0x140000, s3  }
0xd: {  	s20 =	sadd.s32 s16, s2;
	s13 =	smul.u32 $0x2800, s10;
	[dreg:$0x7] =	wrdreg s14  }
0xe: {  	s18 =	sadd.s32 s11, s2;
	s24 =	smul.u32 $0x500, s10;
	[dreg:$0x8] =	wrdreg s20  }
0xf: {  	s20 =	sadd.s32 $0x15F00, s0;
	s22 =	smul.u32 $0xA, s10;
	s14 =	sadd.s32 $0xBC80, s0  }
0x10: {  	p0 =	seq.s32 s10, $0x1F;
	s0 =	sadd.s32 $0x16000, s0;
	[dreg:$0x4] =	wrdreg s17  }
0x11: {  	p1 =	sne.s32 s10, $0x1F;
	s10 =	simm.s32 $0x2B80;
	[dreg:$0x6] =	wrdreg s19  }
0x12: {  	s25 =	sadd.s32 s12, s3;
	s7 =	sadd.s32 s3, s11;
	s11 =	sadd.s32 s3, s23  }
0x13: {  	s26 =	sadd.s32 s3, s15;
	s3 =	sadd.s32 s3, s16;
	[dreg:$0x13] =	wrdreg s0  }
0x14: {  	s0 =	simm.s32 $0x2;
	s12 =	simm.s32 $0x0;
	[dreg:$0x5] =	wrdreg s18  }
0x15: {  	s13 =	sshrl.u32 s13, $0x3;
	s21 =	sadd.s32 s5, s24;
	[dreg:$0xb] =	wrdreg s22  }
0x16: {  	s16 =	sadd.s32 $0x2, s22;
	s22 =	sshrl.u32 s7, $0x3;
	s23 =	sshrl.u32 s11, $0x3  }
0x17: {  	s24 =	sshrl.u32 s26, $0x3;
	s3 =	sshrl.u32 s3, $0x3;
	s26 =	smax.u32 s6, $0x1  }
0x18: {  	s11 =	simm.s32 $0x3;
	s6 =	simm.s32 $0x2D80;
	s7 =	simm.s32 $0x2E00  }
0x19: {  	s13 =	sadd.s32 s5, s13;
	s5 =	sshrl.u32 s25, $0x3;
	[dreg:$0xc] =	wrdreg s16  }
0x1a: {  	s25 =	sadd.s32 s9, s24;
	s3 =	sadd.s32 s9, s3;
	[dreg:$0x12] =	wrdreg s26  }
0x1b: {  	s21 =	smov.u32 @p0 s8;
	s26 =	simm.s32 $0x4;
	s16 =	simm.s32 $0x5  }
0x1c: {  	s8 =	simm.s32 $0x2E80;
	s24 =	simm.s32 $0x2F80;
	[dreg:$0x10] =	wrdreg s25  }
0x1d: {  	s13 =	sadd.s32 $0x9C80, s13;
	s5 =	sadd.s32 s9, s5;
	[dreg:$0x11] =	wrdreg s3  }
.Ltmp0:
0x1e: {  	[dreg:$0x9] =	wrdreg s21;
	s25 =	simm.s32 $0x2800;
	(pc) =	sbr.rel .LBB2_1-.Ltmp0, $4  }
0x1f: {  	s21 =	simm.s32 $0x2B00;
	[dreg:$0xd] =	wrdreg s5;
	s5 =	sadd.s32 s9, s22  }
0x20: {  	s13 =	smov.u32 @p0 s20;
	s22 =	simm.s32 $0x2C80;
	[dreg:$0xe] =	wrdreg s5  }
0x21: {  	s5 =	sadd.s32 s9, s23;
	s23 =	simm.s32 $0x3000;
	[dreg:$0xa] =	wrdreg s13  }
0x22: {  	v0 =	vimm.f32 $0.0e+00;
	s9 =	simm.s32 $0x2F00;
	[dreg:$0xf] =	wrdreg s5;
	s5 =	simm.s32 $0x2D00  }
.LBB2_12:
0x23: {  	_ =	swait.ge [sflag:s16], $0x4000  }
0x24: {  	[sflag:s16] =	ssyncset.done $0x0  }
0x25: {  	[sflag:s16] =	ssyncadd.s32 $0xFFFFC000  }
0x26: {  	s3 =	stileid.u32;
	[bflag:$0x0] =	sbarrier.arrive $0xFFFF  }
0x27: {  	s3 =	sshll.u32 s3, $0x6;
	s17 =	rddreg [dreg:$0x4]  }
0x28: {  	s3 =	sor.u32 $0x1C01, s3;
	s13 =	rddreg [dreg:$0xd];
	s12 =	sshrl.u32 s17, $0x3  }
0x29: {  	[hbm:s13], [sflag:s3] =	dma.local [spmem:s12], $0x800  }
0x2a: {  	s18 =	rddreg [dreg:$0x5]  }
0x2b: {  	s13 =	rddreg [dreg:$0xe];
	s19 =	sshrl.u32 s18, $0x3  }
0x2c: {  	[hbm:s13], [sflag:s3] =	dma.local [spmem:s19], $0x800  }
0x2d: {  	s19 =	rddreg [dreg:$0x6]  }
0x2e: {  	s13 =	rddreg [dreg:$0xf];
	s15 =	sshrl.u32 s19, $0x3  }
0x2f: {  	[hbm:s13], [sflag:s3] =	dma.local [spmem:s15], $0x800  }
0x30: {  	s12 =	rddreg [dreg:$0x7]  }
0x31: {  	s13 =	rddreg [dreg:$0x10];
	s12 =	sshrl.u32 s12, $0x3  }
0x32: {  	[hbm:s13], [sflag:s3] =	dma.local [spmem:s12], $0x800  }
0x33: {  	s12 =	rddreg [dreg:$0x8]  }
0x34: {  	s13 =	rddreg [dreg:$0x11];
	s12 =	sshrl.u32 s12, $0x3  }
0x35: {  	[hbm:s13], [sflag:s3] =	dma.local [spmem:s12], $0x800  }
0x36: {  	_ =	swait.ge [sflag:s31], $0x800  }
0x37: {  	[sflag:s31] =	ssyncset.done $0x0  }
0x38: {  	[sflag:s31] =	ssyncadd.s32 $0xFFFFF800  }
0x39: {  	_ =	swait.ge [sflag:s31], $0x800  }
0x3a: {  	[sflag:s31] =	ssyncset.done $0x0  }
0x3b: {  	[sflag:s31] =	ssyncadd.s32 $0xFFFFF800  }
0x3c: {  	_ =	swait.ge [sflag:s31], $0x800  }
0x3d: {  	[sflag:s31] =	ssyncset.done $0x0  }
0x3e: {  	[sflag:s31] =	ssyncadd.s32 $0xFFFFF800  }
0x3f: {  	_ =	swait.ge [sflag:s31], $0x800  }
0x40: {  	[sflag:s31] =	ssyncset.done $0x0  }
0x41: {  	[sflag:s31] =	ssyncadd.s32 $0xFFFFF800  }
0x42: {  	_ =	swait.ge [sflag:s31], $0x800  }
0x43: {  	s13 =	rddreg [dreg:$0x14]  }
0x44: {  	s15 =	rddreg [dreg:$0x12];
	s12 =	sadd.s32 $0x1, s13  }
0x45: {  	p2 =	sne.s32 s12, s15  }
.Ltmp1:
0x46: {  	_ = 	snop;
	(pc) =	sbr.rel @!p2 .LBB2_13-.Ltmp1, $3  }
0x47: {  	_ =	sdelay $0x1  }
0x48: {  	[sflag:s31] =	ssyncset.done $0x0  }
0x49: {  	[sflag:s31] =	ssyncadd.s32 $0xFFFFF800  }
.LBB2_1:
0x4a: {  	[dreg:$0x14] =	wrdreg s12;
	s3 =	simm.s32 $0x0;
	s13 =	simm.s32 $0x200  }
.LBB2_2:
0x4b: {  	p2 =	sne.s32 s13, $0xFE00;
	[tilespmem:s3+$0x3070] =	vst v0  }
0x4c: {  	[tilespmem:s3+$0x3000] =	vst v0  }
0x4d: {  	[tilespmem:s3+$0x3010] =	vst v0  }
.Ltmp2:
0x4e: {  	[tilespmem:s3+$0x3020] =	vst v0;
	(pc) =	sbr.rel @p2 .LBB2_2-.Ltmp2, $4  }
0x4f: {  	[tilespmem:s3+$0x3030] =	vst v0  }
0x50: {  	[tilespmem:s3+$0x3040] =	vst v0  }
0x51: {  	[tilespmem:s3+$0x3050] =	vst v0  }
0x52: {  	[tilespmem:s3+$0x3060] =	vst v0;
	s3 =	sshra.s32 s13, $0x2;
	s13 =	sadd.s32 $0x200, s13  }
0x53: {  	[tilespmem:s3+$0x3070] =	vst v0  }
0x54: {  	[tilespmem:s3+$0x3000] =	vst v0  }
0x55: {  	[tilespmem:s3+$0x3010] =	vst v0  }
0x56: {  	[tilespmem:s3+$0x3020] =	vst v0  }
0x57: {  	[tilespmem:s3+$0x3030] =	vst v0  }
0x58: {  	[tilespmem:s3+$0x3040] =	vst v0  }
0x59: {  	[tilespmem:s3+$0x3050] =	vst v0  }
0x5a: {  	[tilespmem:s3+$0x3060] =	vst v0  }
0x5b: {  	[spmem:s17] =	stream.linear.scatter [tilespmem:s23], [sflag:$0x4], $0x4000, $0x38;
	[tilespmem:$0x1F000] =	vst v63  }
0x5c: {  	_ = 	snop  }
0x5d: {  	[spmem:s18] =	stream.linear.scatter [tilespmem:s23], [sflag:$0x4], $0x4000, $0x38;
	[tilespmem:$0x1F000] =	vst v63  }
0x5e: {  	_ = 	snop  }
0x5f: {  	[spmem:s19] =	stream.linear.scatter [tilespmem:s23], [sflag:$0x4], $0x4000, $0x38;
	[tilespmem:$0x1F000] =	vst v63  }
0x60: {  	s15 =	rddreg [dreg:$0x7]  }
0x61: {  	[spmem:s15] =	stream.linear.scatter [tilespmem:s23], [sflag:$0x4], $0x4000, $0x38;
	[tilespmem:$0x1F000] =	vst v63  }
0x62: {  	s17 =	rddreg [dreg:$0x8]  }
0x63: {  	[spmem:s17] =	stream.linear.scatter [tilespmem:s23], [sflag:$0x4], $0x4000, $0x38;
	[tilespmem:$0x1F000] =	vst v63  }
0x64: {  	s12 =	simm.s32 $0x6;
	s18 =	rddreg [dreg:$0x9];
	s15 =	simm.s32 $0x0  }
0x65: {  	[tilespmem:s15], [sflag:$0x6] =	stream.linear.gather [hbm4b:s18+s15], $0x2800, $0x38;
	[tilespmem:$0x1F000] =	vst v63  }
0x66: {  	_ =	swait.ge [sflag:s12], $0x2800  }
0x67: {  	[sflag:s12] =	ssyncset.done $0x0  }
0x68: {  	s19 =	rddreg [dreg:$0xa];
	[sflag:s12] =	ssyncadd.s32 $0xFFFFD800  }
0x69: {  	[tilespmem:s25], [sflag:$0x6] =	stream.linear.gather [hbm4b:s19+s15], $0x400, $0x38;
	[tilespmem:$0x1F000] =	vst v63  }
0x6a: {  	_ =	swait.ge [sflag:s12], $0x400  }
0x6b: {  	[sflag:s12] =	ssyncset.done $0x0  }
0x6c: {  	[sflag:s12] =	ssyncadd.s32 $0xFFFFFC00  }
0x6d: {  	_ =	swait.ge [sflag:s26], $0x4000  }
0x6e: {  	[sflag:s26] =	ssyncset.done $0x0  }
0x6f: {  	[sflag:s26] =	ssyncadd.s32 $0xFFFFC000  }
0x70: {  	_ =	swait.ge [sflag:s26], $0x4000  }
0x71: {  	[sflag:s26] =	ssyncset.done $0x0  }
0x72: {  	[sflag:s26] =	ssyncadd.s32 $0xFFFFC000  }
0x73: {  	_ =	swait.ge [sflag:s26], $0x4000  }
0x74: {  	[sflag:s26] =	ssyncset.done $0x0  }
0x75: {  	[sflag:s26] =	ssyncadd.s32 $0xFFFFC000  }
0x76: {  	_ =	swait.ge [sflag:s26], $0x4000  }
0x77: {  	[sflag:s26] =	ssyncset.done $0x0  }
0x78: {  	[sflag:s26] =	ssyncadd.s32 $0xFFFFC000  }
0x79: {  	_ =	swait.ge [sflag:s26], $0x4000  }
.Ltmp3:
0x7a: {  	[sflag:s26] =	ssyncset.done $0x0;
	(pc) =	sbr.rel .LBB2_4-.Ltmp3, $4  }
0x7b: {  	[sflag:s26] =	ssyncadd.s32 $0xFFFFC000  }
0x7c: {  	[bflag:$0x0] =	sbarrier.arrive $0xFFFF  }
0x7d: {  	[tilespmem:s23], [sflag:$0x1] =	stream.indirect.gather [hbm4b:s1+s28], $0x80, s15, s28, $0xb8;
	[tilespmem:$0x1F000] =	vst v63  }
0x7e: {  	s13 =	simm.s32 $0x1;
	s17 =	simm.s32 $0x0;
	s3 =	rddreg [dreg:$0x13]  }
.LBB2_10:
0x7f: {  	[tilespmem:s25], [sflag:$0x3] =	stream.linear.gather [hbm4b:s12+s4], $0x400, $0x38;
	[tilespmem:$0x1F000] =	vst v63  }
0x80: {  	p2 =	por $0x0, $0x0  }
.LBB2_11:
0x81: {  	s12 =	sshll.u32 s18, $0xA  }
0x82: {  	s18 =	sand.u32 $0x3FFFFC00, s12  }
0x83: {  	s12 =	sor.u32 $0x80, s18  }
0x84: {  	[tilespmem:s30], [sflag:$0x2] =	stream.indirect.gather [hbm4b:s1+s28], $0x80, s12, s28, $0xb8;
	[tilespmem:$0x1F000] =	vst v63  }
0x85: {  	_ =	swait.ge [sflag:s31], $0x4000  }
0x86: {  	[sflag:s31] =	ssyncset.done $0x0  }
0x87: {  	[sflag:s31] =	ssyncadd.s32 $0xFFFFC000  }
0x88: {  	[spmem:s2] =	stream.indirect.scatter.add.f32 [tilespmem:s23], [sflag:$0x4], $0x80, s29, s28, $0xb8;
	[tilespmem:$0x1F000] =	vst v63  }
0x89: {  	_ =	swait.ge [sflag:s26], $0x4000  }
0x8a: {  	[sflag:s26] =	ssyncset.done $0x0  }
0x8b: {  	s19 =	sor.u32 $0x100, s18;
	[sflag:s26] =	ssyncadd.s32 $0xFFFFC000  }
0x8c: {  	[tilespmem:s23], [sflag:$0x1] =	stream.indirect.gather [hbm4b:s1+s28], $0x80, s19, s28, $0xb8;
	[tilespmem:$0x1F000] =	vst v63  }
0x8d: {  	_ =	swait.ge [sflag:s0], $0x4000  }
0x8e: {  	[sflag:s0] =	ssyncset.done $0x0  }
0x8f: {  	[sflag:s0] =	ssyncadd.s32 $0xFFFFC000  }
0x90: {  	[spmem:s2] =	stream.indirect.scatter.add.f32 [tilespmem:s30], [sflag:$0x5], $0x80, s22, s28, $0xb8;
	[tilespmem:$0x1F000] =	vst v63  }
0x91: {  	_ =	swait.ge [sflag:s16], $0x4000  }
0x92: {  	[sflag:s16] =	ssyncset.done $0x0  }
0x93: {  	s19 =	sor.u32 $0x180, s18;
	[sflag:s16] =	ssyncadd.s32 $0xFFFFC000  }
0x94: {  	[tilespmem:s30], [sflag:$0x2] =	stream.indirect.gather [hbm4b:s1+s28], $0x80, s19, s28, $0xb8;
	[tilespmem:$0x1F000] =	vst v63  }
0x95: {  	_ =	swait.ge [sflag:s31], $0x4000  }
0x96: {  	[sflag:s31] =	ssyncset.done $0x0  }
0x97: {  	[sflag:s31] =	ssyncadd.s32 $0xFFFFC000  }
0x98: {  	[spmem:s2] =	stream.indirect.scatter.add.f32 [tilespmem:s23], [sflag:$0x4], $0x80, s5, s28, $0xb8;
	[tilespmem:$0x1F000] =	vst v63  }
0x99: {  	_ =	swait.ge [sflag:s26], $0x4000  }
0x9a: {  	[sflag:s26] =	ssyncset.done $0x0  }
0x9b: {  	s19 =	sor.u32 $0x200, s18;
	[sflag:s26] =	ssyncadd.s32 $0xFFFFC000  }
0x9c: {  	[tilespmem:s23], [sflag:$0x1] =	stream.indirect.gather [hbm4b:s1+s28], $0x80, s19, s28, $0xb8;
	[tilespmem:$0x1F000] =	vst v63  }
0x9d: {  	_ =	swait.ge [sflag:s0], $0x4000  }
0x9e: {  	[sflag:s0] =	ssyncset.done $0x0  }
0x9f: {  	[sflag:s0] =	ssyncadd.s32 $0xFFFFC000  }
0xa0: {  	[spmem:s2] =	stream.indirect.scatter.add.f32 [tilespmem:s30], [sflag:$0x5], $0x80, s6, s28, $0xb8;
	[tilespmem:$0x1F000] =	vst v63  }
0xa1: {  	_ =	swait.ge [sflag:s16], $0x4000  }
0xa2: {  	[sflag:s16] =	ssyncset.done $0x0  }
0xa3: {  	s19 =	sor.u32 $0x280, s18;
	[sflag:s16] =	ssyncadd.s32 $0xFFFFC000  }
0xa4: {  	[tilespmem:s30], [sflag:$0x2] =	stream.indirect.gather [hbm4b:s1+s28], $0x80, s19, s28, $0xb8;
	[tilespmem:$0x1F000] =	vst v63  }
0xa5: {  	_ =	swait.ge [sflag:s31], $0x4000  }
0xa6: {  	[sflag:s31] =	ssyncset.done $0x0  }
0xa7: {  	[sflag:s31] =	ssyncadd.s32 $0xFFFFC000  }
0xa8: {  	[spmem:s2] =	stream.indirect.scatter.add.f32 [tilespmem:s23], [sflag:$0x4], $0x80, s7, s28, $0xb8;
	[tilespmem:$0x1F000] =	vst v63  }
0xa9: {  	_ =	swait.ge [sflag:s26], $0x4000  }
0xaa: {  	[sflag:s26] =	ssyncset.done $0x0  }
0xab: {  	s19 =	sor.u32 $0x300, s18;
	[sflag:s26] =	ssyncadd.s32 $0xFFFFC000  }
0xac: {  	[tilespmem:s23], [sflag:$0x1] =	stream.indirect.gather [hbm4b:s1+s28], $0x80, s19, s28, $0xb8;
	[tilespmem:$0x1F000] =	vst v63  }
0xad: {  	_ =	swait.ge [sflag:s0], $0x4000  }
0xae: {  	[sflag:s0] =	ssyncset.done $0x0  }
0xaf: {  	[sflag:s0] =	ssyncadd.s32 $0xFFFFC000  }
0xb0: {  	[spmem:s2] =	stream.indirect.scatter.add.f32 [tilespmem:s30], [sflag:$0x5], $0x80, s8, s28, $0xb8;
	[tilespmem:$0x1F000] =	vst v63  }
0xb1: {  	_ =	swait.ge [sflag:s16], $0x4000  }
0xb2: {  	[sflag:s16] =	ssyncset.done $0x0  }
0xb3: {  	s19 =	sor.u32 $0x380, s18;
	[sflag:s16] =	ssyncadd.s32 $0xFFFFC000  }
0xb4: {  	[tilespmem:s30], [sflag:$0x2] =	stream.indirect.gather [hbm4b:s1+s28], $0x80, s19, s28, $0xb8;
	[tilespmem:$0x1F000] =	vst v63  }
0xb5: {  	_ =	swait.ge [sflag:s31], $0x4000  }
0xb6: {  	[sflag:s31] =	ssyncset.done $0x0  }
0xb7: {  	[sflag:s31] =	ssyncadd.s32 $0xFFFFC000  }
0xb8: {  	[spmem:s2] =	stream.indirect.scatter.add.f32 [tilespmem:s23], [sflag:$0x4], $0x80, s9, s28, $0xb8;
	[tilespmem:$0x1F000] =	vst v63  }
0xb9: {  	_ =	swait.ge [sflag:s26], $0x4000  }
0xba: {  	s15 =	sadd.s32 $0x2000, s15;
	s12 =	sadd.s32 @!p2 $0x400, s18;
	[sflag:s26] =	ssyncset.done $0x0  }
0xbb: {  	s18 =	simm.s32 @!p2 $0x80;
	s19 =	simm.s32 @!p2 $0x3000;
	[sflag:s26] =	ssyncadd.s32 $0xFFFFC000  }
0xbc: {  	[tilespmem:s19], [sflag:$0x1] =	stream.indirect.gather @!p2 [hbm4b:s1+s18], $0x80, s12, s18, $0xb8;
	[tilespmem:$0x1F000] =	vst v63  }
0xbd: {  	p2 =	sne.s32 s15, $0xA000  }
.Ltmp4:
0xbe: {  	_ = 	snop;
	(pc) =	sbr.rel @!p2 .LBB2_12-.Ltmp4, $4  }
0xbf: {  	_ =	swait.ge [sflag:s0], $0x4000  }
0xc0: {  	s17 =	sadd.s32 $0x1, s17;
	[sflag:s0] =	ssyncset.done $0x0  }
0xc1: {  	s3 =	sadd.s32 $0x100, s3;
	s13 =	sadd.s32 $0x2, s13;
	[sflag:s0] =	ssyncadd.s32 $0xFFFFC000  }
0xc2: {  	[spmem:s2] =	stream.indirect.scatter.add.f32 [tilespmem:s30], [sflag:$0x5], $0x80, s24, s28, $0xb8;
	[tilespmem:$0x1F000] =	vst v63  }
.LBB2_4:
0xc3: {  	p2 =	seq.s32 s15, $0x0  }
0xc4: {  	_ =	swait.ge @!p2 [sflag:s16], $0x4000  }
.Ltmp5:
0xc5: {  	[sflag:s16] =	ssyncset.done @!p2 $0x0;
	(pc) =	sbr.rel @p0 .LBB2_6-.Ltmp5, $4  }
0xc6: {  	[sflag:s16] =	ssyncadd.s32 @!p2 $0xFFFFC000  }
0xc7: {  	s19 =	simm.s32 @p2 $0x1;
	s12 =	smov.u32 @p2 s20;
	_ =	swait.ge @!p2 [sflag:s11], $0x400  }
0xc8: {  	s18 =	simm.s32 @p2 $0x1;
	s19 =	smov.u32 @!p2 s13;
	[sflag:s11] =	ssyncset.done @!p2 $0x0  }
0xc9: {  	s12 =	smov.u32 @!p2 s20;
	s18 =	smov.u32 @!p2 s13;
	[sflag:s11] =	ssyncadd.s32 @!p2 $0xFFFFFC00  }
0xca: {  	s12 =	rddreg [dreg:$0xb]  }
0xcb: {  	s18 =	smov.u32 s19;
	s19 =	sadd.s32 s12, s19;
	s12 =	smov.u32 s14  }
.LBB2_6:
0xcc: {  	s19 =	sshll.u32 s19, $0x7  }
0xcd: {  	s12 =	sadd.s32 s19, s12;
	s19 =	sshra.s32 s15, $0x2  }
0xce: {  	[tilespmem:s29], [sflag:$0x3] =	stream.linear.gather [hbm4b:s12+s4], $0x400, $0x38;
	[tilespmem:$0x1F000] =	vst v63  }
0xcf: {  	s12 =	sadd.s32 $0x80, s19  }
0xd0: {  	[tilespmem:s30], [sflag:$0x2] =	stream.indirect.gather [hbm4b:s1+s28], $0x80, s12, s28, $0xb8;
	[tilespmem:$0x1F000] =	vst v63  }
0xd1: {  	_ =	swait.ge [sflag:s31], $0x4000  }
0xd2: {  	[sflag:s31] =	ssyncset.done $0x0  }
0xd3: {  	[sflag:s31] =	ssyncadd.s32 $0xFFFFC000  }
0xd4: {  	[spmem:s2] =	stream.indirect.scatter.add.f32 [tilespmem:s23], [sflag:$0x4], $0x80, s25, s28, $0xb8;
	[tilespmem:$0x1F000] =	vst v63  }
0xd5: {  	_ =	swait.ge [sflag:s26], $0x4000  }
0xd6: {  	[sflag:s26] =	ssyncset.done $0x0  }
0xd7: {  	s12 =	sadd.s32 $0x100, s19;
	[sflag:s26] =	ssyncadd.s32 $0xFFFFC000  }
0xd8: {  	[tilespmem:s23], [sflag:$0x1] =	stream.indirect.gather [hbm4b:s1+s28], $0x80, s12, s28, $0xb8;
	[tilespmem:$0x1F000] =	vst v63  }
0xd9: {  	_ =	swait.ge [sflag:s0], $0x4000  }
0xda: {  	[sflag:s0] =	ssyncset.done $0x0  }
0xdb: {  	s12 =	simm.s32 $0x2880;
	[sflag:s0] =	ssyncadd.s32 $0xFFFFC000  }
0xdc: {  	[spmem:s2] =	stream.indirect.scatter.add.f32 [tilespmem:s30], [sflag:$0x5], $0x80, s12, s28, $0xb8;
	[tilespmem:$0x1F000] =	vst v63  }
0xdd: {  	_ =	swait.ge [sflag:s16], $0x4000  }
0xde: {  	[sflag:s16] =	ssyncset.done $0x0  }
0xdf: {  	s12 =	sadd.s32 $0x180, s19;
	[sflag:s16] =	ssyncadd.s32 $0xFFFFC000  }
0xe0: {  	[tilespmem:s30], [sflag:$0x2] =	stream.indirect.gather [hbm4b:s1+s28], $0x80, s12, s28, $0xb8;
	[tilespmem:$0x1F000] =	vst v63  }
0xe1: {  	_ =	swait.ge [sflag:s31], $0x4000  }
0xe2: {  	[sflag:s31] =	ssyncset.done $0x0  }
0xe3: {  	s12 =	simm.s32 $0x2900;
	[sflag:s31] =	ssyncadd.s32 $0xFFFFC000  }
0xe4: {  	[spmem:s2] =	stream.indirect.scatter.add.f32 [tilespmem:s23], [sflag:$0x4], $0x80, s12, s28, $0xb8;
	[tilespmem:$0x1F000] =	vst v63  }
0xe5: {  	_ =	swait.ge [sflag:s26], $0x4000  }
0xe6: {  	[sflag:s26] =	ssyncset.done $0x0  }
0xe7: {  	s12 =	sadd.s32 $0x200, s19;
	[sflag:s26] =	ssyncadd.s32 $0xFFFFC000  }
0xe8: {  	[tilespmem:s23], [sflag:$0x1] =	stream.indirect.gather [hbm4b:s1+s28], $0x80, s12, s28, $0xb8;
	[tilespmem:$0x1F000] =	vst v63  }
0xe9: {  	_ =	swait.ge [sflag:s0], $0x4000  }
0xea: {  	[sflag:s0] =	ssyncset.done $0x0  }
0xeb: {  	s12 =	simm.s32 $0x2980;
	[sflag:s0] =	ssyncadd.s32 $0xFFFFC000  }
0xec: {  	[spmem:s2] =	stream.indirect.scatter.add.f32 [tilespmem:s30], [sflag:$0x5], $0x80, s12, s28, $0xb8;
	[tilespmem:$0x1F000] =	vst v63  }
0xed: {  	_ =	swait.ge [sflag:s16], $0x4000  }
0xee: {  	[sflag:s16] =	ssyncset.done $0x0  }
0xef: {  	s12 =	sadd.s32 $0x280, s19;
	[sflag:s16] =	ssyncadd.s32 $0xFFFFC000  }
0xf0: {  	[tilespmem:s30], [sflag:$0x2] =	stream.indirect.gather [hbm4b:s1+s28], $0x80, s12, s28, $0xb8;
	[tilespmem:$0x1F000] =	vst v63  }
0xf1: {  	_ =	swait.ge [sflag:s31], $0x4000  }
0xf2: {  	[sflag:s31] =	ssyncset.done $0x0  }
0xf3: {  	s12 =	simm.s32 $0x2A00;
	[sflag:s31] =	ssyncadd.s32 $0xFFFFC000  }
0xf4: {  	[spmem:s2] =	stream.indirect.scatter.add.f32 [tilespmem:s23], [sflag:$0x4], $0x80, s12, s28, $0xb8;
	[tilespmem:$0x1F000] =	vst v63  }
0xf5: {  	_ =	swait.ge [sflag:s26], $0x4000  }
0xf6: {  	[sflag:s26] =	ssyncset.done $0x0  }
0xf7: {  	s12 =	sadd.s32 $0x300, s19;
	[sflag:s26] =	ssyncadd.s32 $0xFFFFC000  }
0xf8: {  	[tilespmem:s23], [sflag:$0x1] =	stream.indirect.gather [hbm4b:s1+s28], $0x80, s12, s28, $0xb8;
	[tilespmem:$0x1F000] =	vst v63  }
0xf9: {  	_ =	swait.ge [sflag:s0], $0x4000  }
0xfa: {  	[sflag:s0] =	ssyncset.done $0x0  }
0xfb: {  	s12 =	simm.s32 $0x2A80;
	[sflag:s0] =	ssyncadd.s32 $0xFFFFC000  }
0xfc: {  	[spmem:s2] =	stream.indirect.scatter.add.f32 [tilespmem:s30], [sflag:$0x5], $0x80, s12, s28, $0xb8;
	[tilespmem:$0x1F000] =	vst v63  }
0xfd: {  	_ =	swait.ge [sflag:s16], $0x4000  }
0xfe: {  	[sflag:s16] =	ssyncset.done $0x0  }
0xff: {  	s12 =	sadd.s32 $0x380, s19;
	[sflag:s16] =	ssyncadd.s32 $0xFFFFC000  }
0x100: {  	[tilespmem:s30], [sflag:$0x2] =	stream.indirect.gather [hbm4b:s1+s28], $0x80, s12, s28, $0xb8;
	[tilespmem:$0x1F000] =	vst v63  }
0x101: {  	_ =	swait.ge [sflag:s31], $0x4000  }
0x102: {  	[sflag:s31] =	ssyncset.done $0x0  }
0x103: {  	[sflag:s31] =	ssyncadd.s32 $0xFFFFC000  }
0x104: {  	[spmem:s2] =	stream.indirect.scatter.add.f32 [tilespmem:s23], [sflag:$0x4], $0x80, s21, s28, $0xb8;
	[tilespmem:$0x1F000] =	vst v63  }
0x105: {  	_ =	swait.ge [sflag:s26], $0x4000  }
0x106: {  	[sflag:s26] =	ssyncset.done $0x0  }
0x107: {  	s19 =	sadd.s32 $0x400, s19;
	[sflag:s26] =	ssyncadd.s32 $0xFFFFC000  }
0x108: {  	[tilespmem:s23], [sflag:$0x1] =	stream.indirect.gather [hbm4b:s1+s28], $0x80, s19, s28, $0xb8;
	[tilespmem:$0x1F000] =	vst v63  }
0x109: {  	_ =	swait.ge [sflag:s0], $0x4000  }
0x10a: {  	[sflag:s0] =	ssyncset.done $0x0  }
0x10b: {  	[sflag:s0] =	ssyncadd.s32 $0xFFFFC000  }
0x10c: {  	[spmem:s2] =	stream.indirect.scatter.add.f32 [tilespmem:s30], [sflag:$0x5], $0x80, s10, s28, $0xb8;
	[tilespmem:$0x1F000] =	vst v63  }
0x10d: {  	_ =	swait.ge [sflag:s16], $0x4000  }
.Ltmp6:
0x10e: {  	[sflag:s16] =	ssyncset.done $0x0;
	(pc) =	sbr.rel @p1 .LBB2_8-.Ltmp6, $4  }
0x10f: {  	[sflag:s16] =	ssyncadd.s32 $0xFFFFC000  }
0x110: {  	_ =	swait.ge [sflag:s11], $0x400  }
0x111: {  	[sflag:s11] =	ssyncset.done $0x0  }
0x112: {  	p3 =	seq.s32 s15, $0x8000;
	p2 =	por $0x1, $0x1;
	[sflag:s11] =	ssyncadd.s32 $0xFFFFFC00  }
.Ltmp7:
0x113: {  	(pc) =	sbr.rel @p3 .LBB2_11-.Ltmp7, $4  }
.Ltmp8:
0x114: {  	(pc) =	sbr.rel @!p3 .LBB2_10-.Ltmp8, $4  }
0x115: {  	_ = 	snop  }
0x116: {  	_ = 	snop  }
0x117: {  	s12 =	smov.u32 s3  }
0x118: {  	_ = 	snop  }
.LBB2_8:
.Ltmp9:
0x119: {  	(pc) =	sbr.rel @p3 .LBB2_11-.Ltmp9, $1  }
0x11a: {  	_ =	sdelay $0x3  }
.Ltmp10:
0x11b: {  	(pc) =	sbr.rel .LBB2_10-.Ltmp10, $4  }
0x11c: {  	s12 =	sshll.u32 s17, $0x1;
	s19 =	rddreg [dreg:$0xc]  }
0x11d: {  	s12 =	sadd.s32 s12, s19  }
0x11e: {  	s12 =	sshll.u32 s12, $0x7  }
0x11f: {  	s12 =	sadd.s32 s12, s14  }
.LBB2_13:
0x120: {  	_ =	sfence.sel $0x180000  }
0x121: {  	[bflag:$0x0] =	sbarrier.arrive $0xFFFF  }
0x122: {  	_ =	strace $0x9000004A  }
0x123: {  	s0 =	stileid.u32;
	[bflag:$0x2] =	sbarrier.arrive $0xFFFF  }
0x124: {  	p0 =	sne.s32 s0, $0x0;
	s0 =	rddreg [dreg:$0x3]  }
0x125: {  	s0 =	sadd.s32 @!p0 $0x100000, s0  }
0x126: {  	[sflag:s0] =	ssyncadd.tile.s32 @!p0 $0x1;
	_ =	shalt  }
.Lfunc_end2:
_tile_overlayer_lowered:
.L_overlay_start_2:
0x127: {  	(tag) =	ssettag $0x2  }
0x128: {  	s0 =	rddreg [dreg:$0x0];
	s2 =	stileid.u32  }
0x129: {  	s1 =	rddreg [dreg:$0x1];
	p0 =	sne.s32 s2, $0x0  }
0x12a: {  	s3 =	rddreg [dreg:$0x2];
	[bflag:$0x3] =	sbarrier.arrive $0xFFFF;
	s2 =	simm.s32 @!p0 $0x1C06  }
0x12b: {  	[timem:s3], [sflag:s2] =	dma.local @!p0 [hbm:s0], s1  }
0x12c: {  	s0 =	simm.s32 @!p0 $0x6  }
0x12d: {  	_ =	swait.ge @!p0 [sflag:s0], s1  }
0x12e: {  	s1 =	ssub.s32 @!p0 $0x0, s1;
	[sflag:s0] =	ssyncset.done @!p0 $0x0  }
0x12f: {  	[sflag:s0] =	ssyncadd.s32 @!p0 s1  }
0x130: {  	[bflag:$0x3] =	sbarrier.arrive $0xFFFF  }
0x131: {  	_ =	shalt  }

</sc_bundles>
